<compile_context>
chip_gen: v7x
topology: tpu7x:2x2x1
jax: 0.10.2.dev20260603
libtpu: 0.0.44.dev20260713+nightly
codegen_flags: <defaults>
</compile_context>

<pallas_src>
import functools

import numpy as np
import jax
import jax.numpy as jnp
from jax import lax
from jax.experimental import pallas as pl
from jax.experimental.pallas import tpu as pltpu
from jax.experimental.pallas import tpu_sc as plsc

N = 50000
H = 128
K = 32
GS = 1057
CHUNK = 1024
NCH_H = 24
HL = NCH_H * CHUNK
PR = NCH_H * K
LEAF0 = 1563

SC_NC = 2
SC_NS = 16
NW = SC_NC * SC_NS
RPW = HL // NW
GCH = 128
GITER = RPW // GCH
GITER_PAD = 8

_SEG_NP = np.zeros((40, CHUNK), np.float32)
for _p in range(K):
    _SEG_NP[_p, _p * K:(_p + 1) * K] = 1.0
_SEG_NP[K, :] = 1.0


def _gather_rows(emb, idx2d):
    mesh = plsc.VectorSubcoreMesh(core_axis_name="c", subcore_axis_name="s")

    @functools.partial(
        pl.kernel,
        mesh=mesh,
        out_type=jax.ShapeDtypeStruct((HL, H), jnp.float32),
        scratch_types=[
            pltpu.VMEM((GITER_PAD, GCH), jnp.int32),
            pltpu.VMEM((2, GCH, H), jnp.float32),
            pltpu.SemaphoreType.DMA,
            pltpu.SemaphoreType.DMA,
        ],
    )
    def gk(emb_hbm, idx_hbm, out_hbm, idx_v, rows_v, sem_a, sem_b):
        wid = lax.axis_index("s") * SC_NC + lax.axis_index("c")
        base = wid * RPW
        pltpu.sync_copy(idx_hbm.at[pl.ds(wid * GITER_PAD, GITER_PAD)], idx_v)
        pltpu.make_async_copy(
            emb_hbm.at[idx_v.at[0]], rows_v.at[0], sem_a).start()

        def body(p, carry):
            j0 = 2 * p
            j1 = j0 + 1
            pltpu.make_async_copy(
                emb_hbm.at[idx_v.at[j1]], rows_v.at[1], sem_b).start()
            pltpu.make_async_copy(
                emb_hbm.at[idx_v.at[j0]], rows_v.at[0], sem_a).wait()
            pltpu.sync_copy(rows_v.at[0],
                            out_hbm.at[pl.ds(base + j0 * GCH, GCH)])
            @pl.when(p + 1 < GITER // 2)
            def _():
                pltpu.make_async_copy(
                    emb_hbm.at[idx_v.at[j0 + 2]], rows_v.at[0], sem_a).start()
            pltpu.make_async_copy(
                emb_hbm.at[idx_v.at[j1]], rows_v.at[1], sem_b).wait()
            pltpu.sync_copy(rows_v.at[1],
                            out_hbm.at[pl.ds(base + j1 * GCH, GCH)])
            return carry

        lax.fori_loop(0, GITER // 2, body, 0)

    return gk(emb, idx2d)


def _mm(a, b):
    return lax.dot_general(a, b, (((1,), (1,)), ((), ())),
                           preferred_element_type=jnp.float32)


def _smm(s, a):
    return lax.dot_general(s, a, (((1,), (0,)), ((), ())),
                           preferred_element_type=jnp.float32,
                           precision=lax.Precision.HIGHEST)


def _sig(x):
    return jax.nn.sigmoid(x)


def _gates(iou, c_pre):
    i = iou[:, 0:H]
    o = iou[:, H:2 * H]
    u = iou[:, 2 * H:3 * H]
    c = _sig(i) * jnp.tanh(u) + c_pre
    h = _sig(o) * jnp.tanh(c)
    return h, c


def _leaf_body(base_row, x_ref, wiou_ref, biou_ref, ufw_ref, ufb_ref,
               seg_ref, hsum_ref, ht_ref, fc_ref):
    j = pl.program_id(0)

    @pl.when(j == 0)
    def _():
        hsum_ref[...] = jnp.zeros(hsum_ref.shape, jnp.float32)

    x = x_ref[...]
    iou = _mm(x, wiou_ref[...]) + biou_ref[...]
    h, c = _gates(iou, 0.0)
    rows = base_row + CHUNK * j + lax.broadcasted_iota(jnp.int32, (CHUNK, 1), 0)
    mask = (rows >= LEAF0) & (rows < N)
    h = jnp.where(mask, h, 0.0)
    c = jnp.where(mask, c, 0.0)
    f = _sig(_mm(h, ufw_ref[...]) + ufb_ref[...])
    seg = seg_ref[...]
    rh = _smm(seg, h)
    rf = _smm(seg, f * c)
    hsum_ref[...] += rh[32:40]
    ht_ref[pl.ds(K * j, K), :] = rh[0:32]
    fc_ref[pl.ds(K * j, K), :] = rf[0:32]


def _leaf_call(half, x, wiou_s, biou_s, ufw_s, ufb_s, seg):
    base_row = GS + HL * half
    return pl.pallas_call(
        functools.partial(_leaf_body, base_row),
        grid=(NCH_H,),
        in_specs=[
            pl.BlockSpec((CHUNK, H), lambda j: (j, 0)),
            pl.BlockSpec((3 * H, H), lambda j: (0, 0)),
            pl.BlockSpec((1, 3 * H), lambda j: (0, 0)),
            pl.BlockSpec((H, H), lambda j: (0, 0)),
            pl.BlockSpec((1, H), lambda j: (0, 0)),
            pl.BlockSpec((40, CHUNK), lambda j: (0, 0)),
        ],
        out_specs=[
            pl.BlockSpec((8, H), lambda j: (0, 0)),
            pl.BlockSpec((PR, H), lambda j: (0, 0)),
            pl.BlockSpec((PR, H), lambda j: (0, 0)),
        ],
        out_shape=[
            jax.ShapeDtypeStruct((8, H), jnp.float32),
            jax.ShapeDtypeStruct((PR, H), jnp.float32),
            jax.ShapeDtypeStruct((PR, H), jnp.float32),
        ],
    )(x, wiou_s, biou_s, ufw_s, ufb_s, seg)


def _finish_body(hta1, htb1, fca1, fcb1, hsa1, hsb1,
                 hta2, htb2, fca2, fcb2, hsa2, hsb2,
                 uiou_ref, biou_ref, ufw_ref, ufb_ref, cw_ref, cb_ref,
                 out_ref):
    reps = []
    for hta, htb, fca, fcb, hsa, hsb in (
            (hta1, htb1, fca1, fcb1, hsa1, hsb1),
            (hta2, htb2, fca2, fcb2, hsa2, hsb2)):
        iou3 = _mm(htb[256:768], uiou_ref[...]) + biou_ref[...]
        h3, c3 = _gates(iou3, fcb[256:768])
        r3 = GS + lax.broadcasted_iota(jnp.int32, (512, 1), 0)
        m3 = r3 < LEAF0
        h3 = jnp.where(m3, h3, 0.0)
        c3 = jnp.where(m3, c3, 0.0)
        f3 = _sig(_mm(h3, ufw_ref[...]) + ufb_ref[...])
        add_h = jnp.reshape(h3, (16, K, H)).sum(axis=1)
        add_fc = jnp.reshape(f3 * c3, (16, K, H)).sum(axis=1)
        htild2 = jnp.concatenate(
            [hta[0:16] + add_h, hta[16:768], htb[0:256]], axis=0)
        fc2 = jnp.concatenate(
            [fca[0:16] + add_fc, fca[16:768], fcb[0:256]], axis=0)
        iou2 = _mm(htild2, uiou_ref[...]) + biou_ref[...]
        h2, c2 = _gates(iou2, fc2)
        f2 = _sig(_mm(h2, ufw_ref[...]) + ufb_ref[...])
        htild1 = jnp.reshape(h2, (K, K, H)).sum(axis=1)
        fc1 = jnp.reshape(f2 * c2, (K, K, H)).sum(axis=1)
        iou1 = _mm(htild1, uiou_ref[...]) + biou_ref[...]
        h1, c1 = _gates(iou1, fc1)
        f1 = _sig(_mm(h1, ufw_ref[...]) + ufb_ref[...])
        htild0 = jnp.sum(h1, axis=0, keepdims=True)
        fc0 = jnp.sum(f1 * c1, axis=0, keepdims=True)
        iou0 = _mm(htild0, uiou_ref[...]) + biou_ref[...]
        h0, _ = _gates(iou0, fc0)
        tot = (jnp.sum(hsa[...] + hsb[...], axis=0, keepdims=True)
               + jnp.sum(h3, axis=0, keepdims=True)
               + jnp.sum(h2, axis=0, keepdims=True)
               + jnp.sum(h1, axis=0, keepdims=True)
               + h0)
        reps.append(tot * (1.0 / N))
    ad = jnp.abs(reps[0] - reps[1])
    out_ref[...] = _mm(ad, cw_ref[...]) + cb_ref[...]


def _finish_call(l1a, l1b, l2a, l2b, U_iou, b_iou, U_f_w, U_f_b2,
                 cw_pad, cb_pad):
    return pl.pallas_call(
        _finish_body,
        out_shape=jax.ShapeDtypeStruct((1, H), jnp.float32),
    )(l1a[1], l1b[1], l1a[2], l1b[2], l1a[0], l1b[0],
      l2a[1], l2b[1], l2a[2], l2b[2], l2a[0], l2b[0],
      U_iou, b_iou, U_f_w, U_f_b2, cw_pad, cb_pad)


def kernel(types1, types2, emb, W_iou, U_iou, b_iou, U_f_w, U_f_b,
           classify_w, classify_b):
    zpad = jnp.zeros((2 * HL - (N - GS),), jnp.int32)

    def _mk_idx(flat):
        i3 = flat.reshape(NW, GITER, GCH)
        i3 = jnp.pad(i3, ((0, 0), (0, GITER_PAD - GITER), (0, 0)))
        return i3.reshape(NW * GITER_PAD, GCH)

    def _mk_halves(types):
        t = lax.slice(types, (GS,), (N,)).astype(jnp.int32)
        t = jnp.concatenate([t, zpad])
        return _mk_idx(lax.slice(t, (0,), (HL,))), \
            _mk_idx(lax.slice(t, (HL,), (2 * HL,)))

    idx1a, idx1b = _mk_halves(types1)
    idx2a, idx2b = _mk_halves(types2)

    wiou_s = W_iou
    biou_s = b_iou
    ufw_s = U_f_w
    U_f_b2 = U_f_b.reshape(1, H)
    ufb_s = U_f_b2
    seg = jnp.asarray(_SEG_NP)

    x1a = _gather_rows(emb, idx1a)
    x1b = _gather_rows(emb, idx1b)
    x2a = _gather_rows(emb, idx2a)
    x2b = _gather_rows(emb, idx2b)
    l1a = _leaf_call(0, x1a, wiou_s, biou_s, ufw_s, ufb_s, seg)
    l1b = _leaf_call(1, x1b, wiou_s, biou_s, ufw_s, ufb_s, seg)
    l2a = _leaf_call(0, x2a, wiou_s, biou_s, ufw_s, ufb_s, seg)
    l2b = _leaf_call(1, x2b, wiou_s, biou_s, ufw_s, ufb_s, seg)

    cw_pad = jnp.pad(classify_w, ((0, H - 2), (0, 0)))
    cb_pad = jnp.pad(classify_b.reshape(1, 2), ((0, 0), (0, H - 2)))
    out = _finish_call(l1a, l1b, l2a, l2b, U_iou, b_iou, U_f_w, U_f_b2,
                       cw_pad, cb_pad)
    return out[:, :2]

# --- scband reference (transcript-rebuilt; emitter-appended) ---
"""Pipeline reference for scband-tree-lstm-9208409883266 (READ-ONLY COPY).

The authoritative reference and input builder live on the scoring server;
editing this copy changes nothing except your own understanding.
"""

import jax, jax.numpy as jnp
import numpy as np

N = 50000
K = 32
X = 128
H = 128
NCLASS = 2
VOCAB = 100000

def _tree_structure():
    # K-ary heap-indexed tree: parent(i) = (i-1)//K, node 0 is root.
    parent = np.maximum((np.arange(N) - 1) // K, 0).astype(np.int64)
    level = np.zeros(N, dtype=np.int64)
    for i in range(1, N):
        level[i] = level[parent[i]] + 1
    nlev = int(level.max()) + 1
    levels = [np.nonzero(level == l)[0] for l in range(nlev)]
    return parent, levels

_PARENT, _LEVELS = _tree_structure()

def _tree_forward(types, emb, W_iou, U_iou, b_iou, U_f_w, U_f_b):
    # Faithful port of ChildSumTreeLSTMCell with dgl.prop_nodes_topo (dropout p=0.0)
    x = jnp.take(emb, types, axis=0)
    iou_init = x @ W_iou.T
    h = jnp.zeros((N, H), dtype=x.dtype)
    c = jnp.zeros((N, H), dtype=x.dtype)
    for l in range(len(_LEVELS) - 1, -1, -1):
        idx = jnp.asarray(_LEVELS[l])
        if l + 1 < len(_LEVELS):
            child = jnp.asarray(_LEVELS[l + 1])
            p = jnp.asarray(_PARENT[_LEVELS[l + 1]])
            h_ch = jnp.take(h, child, axis=0)
            c_ch = jnp.take(c, child, axis=0)
            # reduce_func: h_tild = sum children h; f = sigmoid(U_f(h_child)); c = sum f*c_child
            h_tild = jax.ops.segment_sum(h_ch, p, num_segments=N)
            f = jax.nn.sigmoid(h_ch @ U_f_w.T + U_f_b)
            c_red = jax.ops.segment_sum(f * c_ch, p, num_segments=N)
            cnt = jax.ops.segment_sum(jnp.ones((child.shape[0],), x.dtype), p, num_segments=N)
            has_child = (jnp.take(cnt, idx, axis=0) > 0)[:, None]
            # reduce overwrites 'iou' with U_iou(h_tild) for nodes that received messages
            iou_node = jnp.where(has_child, jnp.take(h_tild, idx, axis=0) @ U_iou.T, jnp.take(iou_init, idx, axis=0))
            c_pre = jnp.where(has_child, jnp.take(c_red, idx, axis=0), jnp.zeros((idx.shape[0], H), x.dtype))
        else:
            iou_node = jnp.take(iou_init, idx, axis=0)
            c_pre = jnp.zeros((idx.shape[0], H), dtype=x.dtype)
        # apply_node_func
        iou = iou_node + b_iou
        i, o, u = jnp.split(iou, 3, axis=1)
        i = jax.nn.sigmoid(i)
        o = jax.nn.sigmoid(o)
        u = jnp.tanh(u)
        c_new = i * u + c_pre
        h_new = o * jnp.tanh(c_new)
        h = h.at[idx].set(h_new)
        c = c.at[idx].set(c_new)
    # AvgPooling over the (single) graph
    rep = jnp.mean(h, axis=0, keepdims=True)
    return rep

def setup_inputs(seed: int = 0):
    key = jax.random.key(seed)
    ks = jax.random.split(key, 10)
    inp = {}
    inp['types1'] = jax.random.randint(ks[0], (N,), 0, VOCAB)
    inp['types2'] = jax.random.randint(ks[1], (N,), 0, VOCAB)
    inp['emb'] = jax.random.normal(ks[2], (VOCAB, X), dtype=jnp.float32) * 0.05
    inp['W_iou'] = jax.random.normal(ks[3], (3 * H, X), dtype=jnp.float32) * 0.05
    inp['U_iou'] = jax.random.normal(ks[4], (3 * H, H), dtype=jnp.float32) * 0.05
    inp['b_iou'] = jnp.zeros((1, 3 * H), dtype=jnp.float32)
    inp['U_f_w'] = jax.random.normal(ks[5], (H, H), dtype=jnp.float32) * 0.05
    inp['U_f_b'] = jnp.zeros((H,), dtype=jnp.float32)
    inp['classify_w'] = jax.random.normal(ks[6], (NCLASS, H), dtype=jnp.float32) * 0.05
    inp['classify_b'] = jnp.zeros((NCLASS,), dtype=jnp.float32)
    return inp

def reference(types1, types2, emb, W_iou, U_iou, b_iou, U_f_w, U_f_b, classify_w, classify_b):
    rep1 = _tree_forward(types1, emb, W_iou, U_iou, b_iou, U_f_w, U_f_b)
    rep2 = _tree_forward(types2, emb, W_iou, U_iou, b_iou, U_f_w, U_f_b)
    abs_dist = jnp.abs(rep1 - rep2)
    logits = abs_dist @ classify_w.T + classify_b
    return logits

if __name__ == "__main__":
    import jax
    _d = setup_inputs()
    print(jax.jit(kernel)(*tuple(_d.values())))

</pallas_src>

<mosaic_0001>
#map = affine_map<(d0, d1) -> (0, 0)>
module attributes {stable_mosaic.version = 14 : i64} {
  func.func @gk(%arg0: i32, %arg1: i32, %arg2: memref<100000x128xf32, #tpu.memory_space<hbm>>, %arg3: memref<256x128xi32, #tpu.memory_space<hbm>>, %arg4: memref<24576x128xf32, #tpu.memory_space<hbm>>, %arg5: memref<8x128xi32, #tpu.memory_space<vmem>>, %arg6: memref<2x128x128xf32, #tpu.memory_space<vmem>>, %arg7: memref<!tpu.dma_semaphore, #tpu.memory_space<semaphore_mem>>, %arg8: memref<!tpu.dma_semaphore, #tpu.memory_space<semaphore_mem>>) attributes {dimension_semantics = [#tpu.dimension_semantics<core_parallel>, #tpu.dimension_semantics<subcore_parallel>], iteration_bounds = array<i64: 2, 16>, scalar_prefetch = 0 : i64, scratch_operands = 4 : i64, tpu.core_type = #tpu.core_type<sc_vector_subcore>, window_params = [{transform_indices = #map}, {transform_indices = #map}, {transform_indices = #map}]} {
    %mul3A = arith.constant 2 : i32
    %mul3A_0 = arith.muli %arg1, %mul3A : i32
    %add3A = arith.addi %mul3A_0, %arg0 : i32
    %mul3A_1 = arith.constant 768 : i32
    %mul3A_2 = arith.muli %add3A, %mul3A_1 : i32
    %mul3A_3 = arith.constant 8 : i32
    %mul3A_4 = arith.muli %add3A, %mul3A_3 : i32
    "tpu.region"() ({
      %run_scoped3A = tpu.sem_alloc : memref<!tpu.dma_semaphore, #tpu.memory_space<semaphore_mem>>
      %dma_start3A_21 = arith.constant 0 : i32
      %dma_start3A_22 = tpu.memref_slice %arg3[%mul3A_4, %dma_start3A_21] : memref<256x128xi32, #tpu.memory_space<hbm>> -> memref<8x128xi32, #tpu.memory_space<hbm>>
      %dma_start3A_23 = arith.constant 0 : i32
      %dma_start3A_24 = tpu.memref_slice %arg3[%mul3A_4, %dma_start3A_23] : memref<256x128xi32, #tpu.memory_space<hbm>> -> memref<8x128xi32, #tpu.memory_space<hbm>>
      tpu.enqueue_dma source(%dma_start3A_24 : memref<8x128xi32, #tpu.memory_space<hbm>>) target(%arg5 : memref<8x128xi32, #tpu.memory_space<vmem>>) target_semaphore(%run_scoped3A : memref<!tpu.dma_semaphore, #tpu.memory_space<semaphore_mem>>)
      %dma_wait3A = arith.constant 0 : i32
      %dma_wait3A_25 = tpu.memref_slice %arg3[%mul3A_4, %dma_wait3A] : memref<256x128xi32, #tpu.memory_space<hbm>> -> memref<8x128xi32, #tpu.memory_space<hbm>>
      %dma_wait3A_26 = arith.constant 0 : i32
      %dma_wait3A_27 = tpu.memref_slice %arg3[%mul3A_4, %dma_wait3A_26] : memref<256x128xi32, #tpu.memory_space<hbm>> -> memref<8x128xi32, #tpu.memory_space<hbm>>
      tpu.wait_dma2 semaphore(%run_scoped3A : memref<!tpu.dma_semaphore, #tpu.memory_space<semaphore_mem>>) src(%dma_wait3A_27 : memref<8x128xi32, #tpu.memory_space<hbm>>) dst(%arg5 : memref<8x128xi32, #tpu.memory_space<vmem>>)
      tpu.yield
    }) : () -> ()
    %dma_start3A = arith.constant 0 : i32
    %dma_start3A_5 = arith.constant 0 : i32
    %dma_start3A_6 = arith.constant 0 : i32
    %dma_start3A_7 = arith.constant 0 : i32
    %dma_start3A_8 = tpu.memref_slice %arg6[%dma_start3A_5, %dma_start3A_6, %dma_start3A_7] : memref<2x128x128xf32, #tpu.memory_space<vmem>> -> memref<1x128x128xf32, #tpu.memory_space<vmem>>
    %dma_start3A_9 = tpu.memref_squeeze %dma_start3A_8 : memref<1x128x128xf32, #tpu.memory_space<vmem>> -> memref<128x128xf32, #tpu.memory_space<vmem>>
    %dma_start3A_10 = arith.constant 0 : i32
    %dma_start3A_11 = tpu.memref_slice %arg5[%dma_start3A, %dma_start3A_10] : memref<8x128xi32, #tpu.memory_space<vmem>> -> memref<1x128xi32, #tpu.memory_space<vmem>>
    %dma_start3A_12 = tpu.memref_squeeze %dma_start3A_11 : memref<1x128xi32, #tpu.memory_space<vmem>> -> memref<128xi32, #tpu.memory_space<vmem>>
    %dma_start3A_13 = arith.constant 0 : i32
    %dma_start3A_14 = arith.constant 0 : i32
    %dma_start3A_15 = tpu.memref_slice %arg2[%dma_start3A_13, %dma_start3A_14] : memref<100000x128xf32, #tpu.memory_space<hbm>> -> memref<100000x128xf32, #tpu.memory_space<hbm>>
    tpu.enqueue_indirect_dma source(%dma_start3A_15 : memref<100000x128xf32, #tpu.memory_space<hbm>>) target(%dma_start3A_9 : memref<128x128xf32, #tpu.memory_space<vmem>>) offsets(%dma_start3A_12 : memref<128xi32, #tpu.memory_space<vmem>>) semaphore(%arg7 : memref<!tpu.dma_semaphore, #tpu.memory_space<semaphore_mem>>)
    %scan3A = arith.constant 0 : i32
    %scan3A_16 = arith.constant 0 : i32
    %scan3A_17 = arith.constant 3 : i32
    %scan3A_18 = arith.addi %scan3A_16, %scan3A_17 : i32
    %scan3A_19 = arith.constant 1 : i32
    scf.for %scan3A_21 = %scan3A_16 to %scan3A_18 step %scan3A_19  : i32 {
      %mul3A_22 = arith.constant 2 : i32
      %mul3A_23 = arith.muli %mul3A_22, %scan3A_21 : i32
      %add3A_24 = arith.constant 1 : i32
      %add3A_25 = arith.addi %mul3A_23, %add3A_24 : i32
      %dma_start3A_26 = arith.constant 1 : i32
      %dma_start3A_27 = arith.constant 0 : i32
      %dma_start3A_28 = arith.constant 0 : i32
      %dma_start3A_29 = tpu.memref_slice %arg6[%dma_start3A_26, %dma_start3A_27, %dma_start3A_28] : memref<2x128x128xf32, #tpu.memory_space<vmem>> -> memref<1x128x128xf32, #tpu.memory_space<vmem>>
      %dma_start3A_30 = tpu.memref_squeeze %dma_start3A_29 : memref<1x128x128xf32, #tpu.memory_space<vmem>> -> memref<128x128xf32, #tpu.memory_space<vmem>>
      %dma_start3A_31 = arith.constant 0 : i32
      %dma_start3A_32 = tpu.memref_slice %arg5[%add3A_25, %dma_start3A_31] : memref<8x128xi32, #tpu.memory_space<vmem>> -> memref<1x128xi32, #tpu.memory_space<vmem>>
      %dma_start3A_33 = tpu.memref_squeeze %dma_start3A_32 : memref<1x128xi32, #tpu.memory_space<vmem>> -> memref<128xi32, #tpu.memory_space<vmem>>
      %dma_start3A_34 = arith.constant 0 : i32
      %dma_start3A_35 = arith.constant 0 : i32
      %dma_start3A_36 = tpu.memref_slice %arg2[%dma_start3A_34, %dma_start3A_35] : memref<100000x128xf32, #tpu.memory_space<hbm>> -> memref<100000x128xf32, #tpu.memory_space<hbm>>
      tpu.enqueue_indirect_dma source(%dma_start3A_36 : memref<100000x128xf32, #tpu.memory_space<hbm>>) target(%dma_start3A_30 : memref<128x128xf32, #tpu.memory_space<vmem>>) offsets(%dma_start3A_33 : memref<128xi32, #tpu.memory_space<vmem>>) semaphore(%arg8 : memref<!tpu.dma_semaphore, #tpu.memory_space<semaphore_mem>>)
      %dma_wait3A = arith.constant 0 : i32
      %dma_wait3A_37 = arith.constant 0 : i32
      %dma_wait3A_38 = arith.constant 0 : i32
      %dma_wait3A_39 = tpu.memref_slice %arg6[%dma_wait3A, %dma_wait3A_37, %dma_wait3A_38] : memref<2x128x128xf32, #tpu.memory_space<vmem>> -> memref<1x128x128xf32, #tpu.memory_space<vmem>>
      %dma_wait3A_40 = tpu.memref_squeeze %dma_wait3A_39 : memref<1x128x128xf32, #tpu.memory_space<vmem>> -> memref<128x128xf32, #tpu.memory_space<vmem>>
      %dma_wait3A_41 = arith.constant 0 : i32
      %dma_wait3A_42 = tpu.memref_slice %arg5[%mul3A_23, %dma_wait3A_41] : memref<8x128xi32, #tpu.memory_space<vmem>> -> memref<1x128xi32, #tpu.memory_space<vmem>>
      %dma_wait3A_43 = tpu.memref_squeeze %dma_wait3A_42 : memref<1x128xi32, #tpu.memory_space<vmem>> -> memref<128xi32, #tpu.memory_space<vmem>>
      %dma_wait3A_44 = arith.constant 0 : i32
      %dma_wait3A_45 = arith.constant 0 : i32
      %dma_wait3A_46 = tpu.memref_slice %arg2[%dma_wait3A_44, %dma_wait3A_45] : memref<100000x128xf32, #tpu.memory_space<hbm>> -> memref<100000x128xf32, #tpu.memory_space<hbm>>
      tpu.wait_indirect_dma semaphore(%arg7 : memref<!tpu.dma_semaphore, #tpu.memory_space<semaphore_mem>>) src(%dma_wait3A_46 : memref<100000x128xf32, #tpu.memory_space<hbm>>) dst(%dma_wait3A_40 : memref<128x128xf32, #tpu.memory_space<vmem>>)
      %mul3A_47 = arith.constant 128 : i32
      %mul3A_48 = arith.muli %mul3A_23, %mul3A_47 : i32
      %add3A_49 = arith.addi %mul3A_2, %mul3A_48 : i32
      %run_scoped3A = arith.constant 0 : i32
      "tpu.region"() ({
        %run_scoped3A_69 = tpu.sem_alloc : memref<!tpu.dma_semaphore, #tpu.memory_space<semaphore_mem>>
        %dma_start3A_70 = arith.constant 0 : i32
        %dma_start3A_71 = arith.constant 0 : i32
        %dma_start3A_72 = tpu.memref_slice %arg6[%run_scoped3A, %dma_start3A_70, %dma_start3A_71] : memref<2x128x128xf32, #tpu.memory_space<vmem>> -> memref<1x128x128xf32, #tpu.memory_space<vmem>>
        %dma_start3A_73 = tpu.memref_squeeze %dma_start3A_72 : memref<1x128x128xf32, #tpu.memory_space<vmem>> -> memref<128x128xf32, #tpu.memory_space<vmem>>
        %dma_start3A_74 = arith.constant 0 : i32
        %dma_start3A_75 = tpu.memref_slice %arg4[%add3A_49, %dma_start3A_74] : memref<24576x128xf32, #tpu.memory_space<hbm>> -> memref<128x128xf32, #tpu.memory_space<hbm>>
        %dma_start3A_76 = arith.constant 0 : i32
        %dma_start3A_77 = tpu.memref_slice %arg4[%add3A_49, %dma_start3A_76] : memref<24576x128xf32, #tpu.memory_space<hbm>> -> memref<128x128xf32, #tpu.memory_space<hbm>>
        %dma_start3A_78 = arith.constant 0 : i32
        %dma_start3A_79 = arith.constant 0 : i32
        %dma_start3A_80 = tpu.memref_slice %arg6[%run_scoped3A, %dma_start3A_78, %dma_start3A_79] : memref<2x128x128xf32, #tpu.memory_space<vmem>> -> memref<1x128x128xf32, #tpu.memory_space<vmem>>
        %dma_start3A_81 = tpu.memref_squeeze %dma_start3A_80 : memref<1x128x128xf32, #tpu.memory_space<vmem>> -> memref<128x128xf32, #tpu.memory_space<vmem>>
        tpu.enqueue_dma source(%dma_start3A_81 : memref<128x128xf32, #tpu.memory_space<vmem>>) target(%dma_start3A_77 : memref<128x128xf32, #tpu.memory_space<hbm>>) target_semaphore(%run_scoped3A_69 : memref<!tpu.dma_semaphore, #tpu.memory_space<semaphore_mem>>)
        %dma_wait3A_82 = arith.constant 0 : i32
        %dma_wait3A_83 = arith.constant 0 : i32
        %dma_wait3A_84 = tpu.memref_slice %arg6[%run_scoped3A, %dma_wait3A_82, %dma_wait3A_83] : memref<2x128x128xf32, #tpu.memory_space<vmem>> -> memref<1x128x128xf32, #tpu.memory_space<vmem>>
        %dma_wait3A_85 = tpu.memref_squeeze %dma_wait3A_84 : memref<1x128x128xf32, #tpu.memory_space<vmem>> -> memref<128x128xf32, #tpu.memory_space<vmem>>
        %dma_wait3A_86 = arith.constant 0 : i32
        %dma_wait3A_87 = tpu.memref_slice %arg4[%add3A_49, %dma_wait3A_86] : memref<24576x128xf32, #tpu.memory_space<hbm>> -> memref<128x128xf32, #tpu.memory_space<hbm>>
        %dma_wait3A_88 = arith.constant 0 : i32
        %dma_wait3A_89 = tpu.memref_slice %arg4[%add3A_49, %dma_wait3A_88] : memref<24576x128xf32, #tpu.memory_space<hbm>> -> memref<128x128xf32, #tpu.memory_space<hbm>>
        %dma_wait3A_90 = arith.constant 0 : i32
        %dma_wait3A_91 = arith.constant 0 : i32
        %dma_wait3A_92 = tpu.memref_slice %arg6[%run_scoped3A, %dma_wait3A_90, %dma_wait3A_91] : memref<2x128x128xf32, #tpu.memory_space<vmem>> -> memref<1x128x128xf32, #tpu.memory_space<vmem>>
        %dma_wait3A_93 = tpu.memref_squeeze %dma_wait3A_92 : memref<1x128x128xf32, #tpu.memory_space<vmem>> -> memref<128x128xf32, #tpu.memory_space<vmem>>
        tpu.wait_dma2 semaphore(%run_scoped3A_69 : memref<!tpu.dma_semaphore, #tpu.memory_space<semaphore_mem>>) src(%dma_wait3A_93 : memref<128x128xf32, #tpu.memory_space<vmem>>) dst(%dma_wait3A_89 : memref<128x128xf32, #tpu.memory_space<hbm>>)
        tpu.yield
      }) : () -> ()
      %add3A_50 = arith.constant 1 : i32
      %add3A_51 = arith.addi %scan3A_21, %add3A_50 : i32
      %lt3A = arith.constant 3 : i32
      %lt3A_52 = arith.cmpi slt, %add3A_51, %lt3A : i32
      %convert_element_type3A = arith.extui %lt3A_52 : i1 to i32
      %cond3A = arith.constant 0 : i32
      %cond3A_53 = arith.cmpi ne, %convert_element_type3A, %cond3A : i32
      scf.if %cond3A_53 {
        %add3A_69 = arith.constant 2 : i32
        %add3A_70 = arith.addi %mul3A_23, %add3A_69 : i32
        %dma_start3A_71 = arith.constant 0 : i32
        %dma_start3A_72 = arith.constant 0 : i32
        %dma_start3A_73 = arith.constant 0 : i32
        %dma_start3A_74 = tpu.memref_slice %arg6[%dma_start3A_71, %dma_start3A_72, %dma_start3A_73] : memref<2x128x128xf32, #tpu.memory_space<vmem>> -> memref<1x128x128xf32, #tpu.memory_space<vmem>>
        %dma_start3A_75 = tpu.memref_squeeze %dma_start3A_74 : memref<1x128x128xf32, #tpu.memory_space<vmem>> -> memref<128x128xf32, #tpu.memory_space<vmem>>
        %dma_start3A_76 = arith.constant 0 : i32
        %dma_start3A_77 = tpu.memref_slice %arg5[%add3A_70, %dma_start3A_76] : memref<8x128xi32, #tpu.memory_space<vmem>> -> memref<1x128xi32, #tpu.memory_space<vmem>>
        %dma_start3A_78 = tpu.memref_squeeze %dma_start3A_77 : memref<1x128xi32, #tpu.memory_space<vmem>> -> memref<128xi32, #tpu.memory_space<vmem>>
        %dma_start3A_79 = arith.constant 0 : i32
        %dma_start3A_80 = arith.constant 0 : i32
        %dma_start3A_81 = tpu.memref_slice %arg2[%dma_start3A_79, %dma_start3A_80] : memref<100000x128xf32, #tpu.memory_space<hbm>> -> memref<100000x128xf32, #tpu.memory_space<hbm>>
        tpu.enqueue_indirect_dma source(%dma_start3A_81 : memref<100000x128xf32, #tpu.memory_space<hbm>>) target(%dma_start3A_75 : memref<128x128xf32, #tpu.memory_space<vmem>>) offsets(%dma_start3A_78 : memref<128xi32, #tpu.memory_space<vmem>>) semaphore(%arg7 : memref<!tpu.dma_semaphore, #tpu.memory_space<semaphore_mem>>)
      } else {
      }
      %dma_wait3A_54 = arith.constant 1 : i32
      %dma_wait3A_55 = arith.constant 0 : i32
      %dma_wait3A_56 = arith.constant 0 : i32
      %dma_wait3A_57 = tpu.memref_slice %arg6[%dma_wait3A_54, %dma_wait3A_55, %dma_wait3A_56] : memref<2x128x128xf32, #tpu.memory_space<vmem>> -> memref<1x128x128xf32, #tpu.memory_space<vmem>>
      %dma_wait3A_58 = tpu.memref_squeeze %dma_wait3A_57 : memref<1x128x128xf32, #tpu.memory_space<vmem>> -> memref<128x128xf32, #tpu.memory_space<vmem>>
      %dma_wait3A_59 = arith.constant 0 : i32
      %dma_wait3A_60 = tpu.memref_slice %arg5[%add3A_25, %dma_wait3A_59] : memref<8x128xi32, #tpu.memory_space<vmem>> -> memref<1x128xi32, #tpu.memory_space<vmem>>
      %dma_wait3A_61 = tpu.memref_squeeze %dma_wait3A_60 : memref<1x128xi32, #tpu.memory_space<vmem>> -> memref<128xi32, #tpu.memory_space<vmem>>
      %dma_wait3A_62 = arith.constant 0 : i32
      %dma_wait3A_63 = arith.constant 0 : i32
      %dma_wait3A_64 = tpu.memref_slice %arg2[%dma_wait3A_62, %dma_wait3A_63] : memref<100000x128xf32, #tpu.memory_space<hbm>> -> memref<100000x128xf32, #tpu.memory_space<hbm>>
      tpu.wait_indirect_dma semaphore(%arg8 : memref<!tpu.dma_semaphore, #tpu.memory_space<semaphore_mem>>) src(%dma_wait3A_64 : memref<100000x128xf32, #tpu.memory_space<hbm>>) dst(%dma_wait3A_58 : memref<128x128xf32, #tpu.memory_space<vmem>>)
      %mul3A_65 = arith.constant 128 : i32
      %mul3A_66 = arith.muli %add3A_25, %mul3A_65 : i32
      %add3A_67 = arith.addi %mul3A_2, %mul3A_66 : i32
      %run_scoped3A_68 = arith.constant 1 : i32
      "tpu.region"() ({
        %run_scoped3A_69 = tpu.sem_alloc : memref<!tpu.dma_semaphore, #tpu.memory_space<semaphore_mem>>
        %dma_start3A_70 = arith.constant 0 : i32
        %dma_start3A_71 = arith.constant 0 : i32
        %dma_start3A_72 = tpu.memref_slice %arg6[%run_scoped3A_68, %dma_start3A_70, %dma_start3A_71] : memref<2x128x128xf32, #tpu.memory_space<vmem>> -> memref<1x128x128xf32, #tpu.memory_space<vmem>>
        %dma_start3A_73 = tpu.memref_squeeze %dma_start3A_72 : memref<1x128x128xf32, #tpu.memory_space<vmem>> -> memref<128x128xf32, #tpu.memory_space<vmem>>
        %dma_start3A_74 = arith.constant 0 : i32
        %dma_start3A_75 = tpu.memref_slice %arg4[%add3A_67, %dma_start3A_74] : memref<24576x128xf32, #tpu.memory_space<hbm>> -> memref<128x128xf32, #tpu.memory_space<hbm>>
        %dma_start3A_76 = arith.constant 0 : i32
        %dma_start3A_77 = tpu.memref_slice %arg4[%add3A_67, %dma_start3A_76] : memref<24576x128xf32, #tpu.memory_space<hbm>> -> memref<128x128xf32, #tpu.memory_space<hbm>>
        %dma_start3A_78 = arith.constant 0 : i32
        %dma_start3A_79 = arith.constant 0 : i32
        %dma_start3A_80 = tpu.memref_slice %arg6[%run_scoped3A_68, %dma_start3A_78, %dma_start3A_79] : memref<2x128x128xf32, #tpu.memory_space<vmem>> -> memref<1x128x128xf32, #tpu.memory_space<vmem>>
        %dma_start3A_81 = tpu.memref_squeeze %dma_start3A_80 : memref<1x128x128xf32, #tpu.memory_space<vmem>> -> memref<128x128xf32, #tpu.memory_space<vmem>>
        tpu.enqueue_dma source(%dma_start3A_81 : memref<128x128xf32, #tpu.memory_space<vmem>>) target(%dma_start3A_77 : memref<128x128xf32, #tpu.memory_space<hbm>>) target_semaphore(%run_scoped3A_69 : memref<!tpu.dma_semaphore, #tpu.memory_space<semaphore_mem>>)
        %dma_wait3A_82 = arith.constant 0 : i32
        %dma_wait3A_83 = arith.constant 0 : i32
        %dma_wait3A_84 = tpu.memref_slice %arg6[%run_scoped3A_68, %dma_wait3A_82, %dma_wait3A_83] : memref<2x128x128xf32, #tpu.memory_space<vmem>> -> memref<1x128x128xf32, #tpu.memory_space<vmem>>
        %dma_wait3A_85 = tpu.memref_squeeze %dma_wait3A_84 : memref<1x128x128xf32, #tpu.memory_space<vmem>> -> memref<128x128xf32, #tpu.memory_space<vmem>>
        %dma_wait3A_86 = arith.constant 0 : i32
        %dma_wait3A_87 = tpu.memref_slice %arg4[%add3A_67, %dma_wait3A_86] : memref<24576x128xf32, #tpu.memory_space<hbm>> -> memref<128x128xf32, #tpu.memory_space<hbm>>
        %dma_wait3A_88 = arith.constant 0 : i32
        %dma_wait3A_89 = tpu.memref_slice %arg4[%add3A_67, %dma_wait3A_88] : memref<24576x128xf32, #tpu.memory_space<hbm>> -> memref<128x128xf32, #tpu.memory_space<hbm>>
        %dma_wait3A_90 = arith.constant 0 : i32
        %dma_wait3A_91 = arith.constant 0 : i32
        %dma_wait3A_92 = tpu.memref_slice %arg6[%run_scoped3A_68, %dma_wait3A_90, %dma_wait3A_91] : memref<2x128x128xf32, #tpu.memory_space<vmem>> -> memref<1x128x128xf32, #tpu.memory_space<vmem>>
        %dma_wait3A_93 = tpu.memref_squeeze %dma_wait3A_92 : memref<1x128x128xf32, #tpu.memory_space<vmem>> -> memref<128x128xf32, #tpu.memory_space<vmem>>
        tpu.wait_dma2 semaphore(%run_scoped3A_69 : memref<!tpu.dma_semaphore, #tpu.memory_space<semaphore_mem>>) src(%dma_wait3A_93 : memref<128x128xf32, #tpu.memory_space<vmem>>) dst(%dma_wait3A_89 : memref<128x128xf32, #tpu.memory_space<hbm>>)
        tpu.yield
      }) : () -> ()
    }
    %scan3A_20 = arith.constant 3 : i32
    return
  }
}

#map = affine_map<(d0, d1) -> (0, 0)>
module attributes {stable_mosaic.version = 14 : i64} {
  func.func @gk(%arg0: i32, %arg1: i32, %arg2: memref<100000x128xf32, #tpu.memory_space<hbm>>, %arg3: memref<256x128xi32, #tpu.memory_space<hbm>>, %arg4: memref<24576x128xf32, #tpu.memory_space<hbm>>, %arg5: memref<8x128xi32, #tpu.memory_space<vmem>>, %arg6: memref<2x128x128xf32, #tpu.memory_space<vmem>>, %arg7: memref<!tpu.dma_semaphore, #tpu.memory_space<semaphore_mem>>, %arg8: memref<!tpu.dma_semaphore, #tpu.memory_space<semaphore_mem>>) attributes {dimension_semantics = [#tpu.dimension_semantics<core_parallel>, #tpu.dimension_semantics<subcore_parallel>], iteration_bounds = array<i64: 2, 16>, scalar_prefetch = 0 : i64, scratch_operands = 4 : i64, tpu.core_type = #tpu.core_type<sc_vector_subcore>, window_params = [{transform_indices = #map}, {transform_indices = #map}, {transform_indices = #map}]} {
    %mul3A = arith.constant 2 : i32
    %mul3A_0 = arith.muli %arg1, %mul3A : i32
    %add3A = arith.addi %mul3A_0, %arg0 : i32
    %mul3A_1 = arith.constant 768 : i32
    %mul3A_2 = arith.muli %add3A, %mul3A_1 : i32
    %mul3A_3 = arith.constant 8 : i32
    %mul3A_4 = arith.muli %add3A, %mul3A_3 : i32
    "tpu.region"() ({
      %run_scoped3A = tpu.sem_alloc : memref<!tpu.dma_semaphore, #tpu.memory_space<semaphore_mem>>
      %dma_start3A_21 = arith.constant 0 : i32
      %dma_start3A_22 = tpu.memref_slice %arg3[%mul3A_4, %dma_start3A_21] : memref<256x128xi32, #tpu.memory_space<hbm>> -> memref<8x128xi32, #tpu.memory_space<hbm>>
      %dma_start3A_23 = arith.constant 0 : i32
      %dma_start3A_24 = tpu.memref_slice %arg3[%mul3A_4, %dma_start3A_23] : memref<256x128xi32, #tpu.memory_space<hbm>> -> memref<8x128xi32, #tpu.memory_space<hbm>>
      tpu.enqueue_dma source(%dma_start3A_24 : memref<8x128xi32, #tpu.memory_space<hbm>>) target(%arg5 : memref<8x128xi32, #tpu.memory_space<vmem>>) target_semaphore(%run_scoped3A : memref<!tpu.dma_semaphore, #tpu.memory_space<semaphore_mem>>)
      %dma_wait3A = arith.constant 0 : i32
      %dma_wait3A_25 = tpu.memref_slice %arg3[%mul3A_4, %dma_wait3A] : memref<256x128xi32, #tpu.memory_space<hbm>> -> memref<8x128xi32, #tpu.memory_space<hbm>>
      %dma_wait3A_26 = arith.constant 0 : i32
      %dma_wait3A_27 = tpu.memref_slice %arg3[%mul3A_4, %dma_wait3A_26] : memref<256x128xi32, #tpu.memory_space<hbm>> -> memref<8x128xi32, #tpu.memory_space<hbm>>
      tpu.wait_dma2 semaphore(%run_scoped3A : memref<!tpu.dma_semaphore, #tpu.memory_space<semaphore_mem>>) src(%dma_wait3A_27 : memref<8x128xi32, #tpu.memory_space<hbm>>) dst(%arg5 : memref<8x128xi32, #tpu.memory_space<vmem>>)
      tpu.yield
    }) : () -> ()
    %dma_start3A = arith.constant 0 : i32
    %dma_start3A_5 = arith.constant 0 : i32
    %dma_start3A_6 = arith.constant 0 : i32
    %dma_start3A_7 = arith.constant 0 : i32
    %dma_start3A_8 = tpu.memref_slice %arg6[%dma_start3A_5, %dma_start3A_6, %dma_start3A_7] : memref<2x128x128xf32, #tpu.memory_space<vmem>> -> memref<1x128x128xf32, #tpu.memory_space<vmem>>
    %dma_start3A_9 = tpu.memref_squeeze %dma_start3A_8 : memref<1x128x128xf32, #tpu.memory_space<vmem>> -> memref<128x128xf32, #tpu.memory_space<vmem>>
    %dma_start3A_10 = arith.constant 0 : i32
    %dma_start3A_11 = tpu.memref_slice %arg5[%dma_start3A, %dma_start3A_10] : memref<8x128xi32, #tpu.memory_space<vmem>> -> memref<1x128xi32, #tpu.memory_space<vmem>>
    %dma_start3A_12 = tpu.memref_squeeze %dma_start3A_11 : memref<1x128xi32, #tpu.memory_space<vmem>> -> memref<128xi32, #tpu.memory_space<vmem>>
    %dma_start3A_13 = arith.constant 0 : i32
    %dma_start3A_14 = arith.constant 0 : i32
    %dma_start3A_15 = tpu.memref_slice %arg2[%dma_start3A_13, %dma_start3A_14] : memref<100000x128xf32, #tpu.memory_space<hbm>> -> memref<100000x128xf32, #tpu.memory_space<hbm>>
    tpu.enqueue_indirect_dma source(%dma_start3A_15 : memref<100000x128xf32, #tpu.memory_space<hbm>>) target(%dma_start3A_9 : memref<128x128xf32, #tpu.memory_space<vmem>>) offsets(%dma_start3A_12 : memref<128xi32, #tpu.memory_space<vmem>>) semaphore(%arg7 : memref<!tpu.dma_semaphore, #tpu.memory_space<semaphore_mem>>)
    %scan3A = arith.constant 0 : i32
    %scan3A_16 = arith.constant 0 : i32
    %scan3A_17 = arith.constant 3 : i32
    %scan3A_18 = arith.addi %scan3A_16, %scan3A_17 : i32
    %scan3A_19 = arith.constant 1 : i32
    scf.for %scan3A_21 = %scan3A_16 to %scan3A_18 step %scan3A_19  : i32 {
      %mul3A_22 = arith.constant 2 : i32
      %mul3A_23 = arith.muli %mul3A_22, %scan3A_21 : i32
      %add3A_24 = arith.constant 1 : i32
      %add3A_25 = arith.addi %mul3A_23, %add3A_24 : i32
      %dma_start3A_26 = arith.constant 1 : i32
      %dma_start3A_27 = arith.constant 0 : i32
      %dma_start3A_28 = arith.constant 0 : i32
      %dma_start3A_29 = tpu.memref_slice %arg6[%dma_start3A_26, %dma_start3A_27, %dma_start3A_28] : memref<2x128x128xf32, #tpu.memory_space<vmem>> -> memref<1x128x128xf32, #tpu.memory_space<vmem>>
      %dma_start3A_30 = tpu.memref_squeeze %dma_start3A_29 : memref<1x128x128xf32, #tpu.memory_space<vmem>> -> memref<128x128xf32, #tpu.memory_space<vmem>>
      %dma_start3A_31 = arith.constant 0 : i32
      %dma_start3A_32 = tpu.memref_slice %arg5[%add3A_25, %dma_start3A_31] : memref<8x128xi32, #tpu.memory_space<vmem>> -> memref<1x128xi32, #tpu.memory_space<vmem>>
      %dma_start3A_33 = tpu.memref_squeeze %dma_start3A_32 : memref<1x128xi32, #tpu.memory_space<vmem>> -> memref<128xi32, #tpu.memory_space<vmem>>
      %dma_start3A_34 = arith.constant 0 : i32
      %dma_start3A_35 = arith.constant 0 : i32
      %dma_start3A_36 = tpu.memref_slice %arg2[%dma_start3A_34, %dma_start3A_35] : memref<100000x128xf32, #tpu.memory_space<hbm>> -> memref<100000x128xf32, #tpu.memory_space<hbm>>
      tpu.enqueue_indirect_dma source(%dma_start3A_36 : memref<100000x128xf32, #tpu.memory_space<hbm>>) target(%dma_start3A_30 : memref<128x128xf32, #tpu.memory_space<vmem>>) offsets(%dma_start3A_33 : memref<128xi32, #tpu.memory_space<vmem>>) semaphore(%arg8 : memref<!tpu.dma_semaphore, #tpu.memory_space<semaphore_mem>>)
      %dma_wait3A = arith.constant 0 : i32
      %dma_wait3A_37 = arith.constant 0 : i32
      %dma_wait3A_38 = arith.constant 0 : i32
      %dma_wait3A_39 = tpu.memref_slice %arg6[%dma_wait3A, %dma_wait3A_37, %dma_wait3A_38] : memref<2x128x128xf32, #tpu.memory_space<vmem>> -> memref<1x128x128xf32, #tpu.memory_space<vmem>>
      %dma_wait3A_40 = tpu.memref_squeeze %dma_wait3A_39 : memref<1x128x128xf32, #tpu.memory_space<vmem>> -> memref<128x128xf32, #tpu.memory_space<vmem>>
      %dma_wait3A_41 = arith.constant 0 : i32
      %dma_wait3A_42 = tpu.memref_slice %arg5[%mul3A_23, %dma_wait3A_41] : memref<8x128xi32, #tpu.memory_space<vmem>> -> memref<1x128xi32, #tpu.memory_space<vmem>>
      %dma_wait3A_43 = tpu.memref_squeeze %dma_wait3A_42 : memref<1x128xi32, #tpu.memory_space<vmem>> -> memref<128xi32, #tpu.memory_space<vmem>>
      %dma_wait3A_44 = arith.constant 0 : i32
      %dma_wait3A_45 = arith.constant 0 : i32
      %dma_wait3A_46 = tpu.memref_slice %arg2[%dma_wait3A_44, %dma_wait3A_45] : memref<100000x128xf32, #tpu.memory_space<hbm>> -> memref<100000x128xf32, #tpu.memory_space<hbm>>
      tpu.wait_indirect_dma semaphore(%arg7 : memref<!tpu.dma_semaphore, #tpu.memory_space<semaphore_mem>>) src(%dma_wait3A_46 : memref<100000x128xf32, #tpu.memory_space<hbm>>) dst(%dma_wait3A_40 : memref<128x128xf32, #tpu.memory_space<vmem>>)
      %mul3A_47 = arith.constant 128 : i32
      %mul3A_48 = arith.muli %mul3A_23, %mul3A_47 : i32
      %add3A_49 = arith.addi %mul3A_2, %mul3A_48 : i32
      %run_scoped3A = arith.constant 0 : i32
      "tpu.region"() ({
        %run_scoped3A_69 = tpu.sem_alloc : memref<!tpu.dma_semaphore, #tpu.memory_space<semaphore_mem>>
        %dma_start3A_70 = arith.constant 0 : i32
        %dma_start3A_71 = arith.constant 0 : i32
        %dma_start3A_72 = tpu.memref_slice %arg6[%run_scoped3A, %dma_start3A_70, %dma_start3A_71] : memref<2x128x128xf32, #tpu.memory_space<vmem>> -> memref<1x128x128xf32, #tpu.memory_space<vmem>>
        %dma_start3A_73 = tpu.memref_squeeze %dma_start3A_72 : memref<1x128x128xf32, #tpu.memory_space<vmem>> -> memref<128x128xf32, #tpu.memory_space<vmem>>
        %dma_start3A_74 = arith.constant 0 : i32
        %dma_start3A_75 = tpu.memref_slice %arg4[%add3A_49, %dma_start3A_74] : memref<24576x128xf32, #tpu.memory_space<hbm>> -> memref<128x128xf32, #tpu.memory_space<hbm>>
        %dma_start3A_76 = arith.constant 0 : i32
        %dma_start3A_77 = tpu.memref_slice %arg4[%add3A_49, %dma_start3A_76] : memref<24576x128xf32, #tpu.memory_space<hbm>> -> memref<128x128xf32, #tpu.memory_space<hbm>>
        %dma_start3A_78 = arith.constant 0 : i32
        %dma_start3A_79 = arith.constant 0 : i32
        %dma_start3A_80 = tpu.memref_slice %arg6[%run_scoped3A, %dma_start3A_78, %dma_start3A_79] : memref<2x128x128xf32, #tpu.memory_space<vmem>> -> memref<1x128x128xf32, #tpu.memory_space<vmem>>
        %dma_start3A_81 = tpu.memref_squeeze %dma_start3A_80 : memref<1x128x128xf32, #tpu.memory_space<vmem>> -> memref<128x128xf32, #tpu.memory_space<vmem>>
        tpu.enqueue_dma source(%dma_start3A_81 : memref<128x128xf32, #tpu.memory_space<vmem>>) target(%dma_start3A_77 : memref<128x128xf32, #tpu.memory_space<hbm>>) target_semaphore(%run_scoped3A_69 : memref<!tpu.dma_semaphore, #tpu.memory_space<semaphore_mem>>)
        %dma_wait3A_82 = arith.constant 0 : i32
        %dma_wait3A_83 = arith.constant 0 : i32
        %dma_wait3A_84 = tpu.memref_slice %arg6[%run_scoped3A, %dma_wait3A_82, %dma_wait3A_83] : memref<2x128x128xf32, #tpu.memory_space<vmem>> -> memref<1x128x128xf32, #tpu.memory_space<vmem>>
        %dma_wait3A_85 = tpu.memref_squeeze %dma_wait3A_84 : memref<1x128x128xf32, #tpu.memory_space<vmem>> -> memref<128x128xf32, #tpu.memory_space<vmem>>
        %dma_wait3A_86 = arith.constant 0 : i32
        %dma_wait3A_87 = tpu.memref_slice %arg4[%add3A_49, %dma_wait3A_86] : memref<24576x128xf32, #tpu.memory_space<hbm>> -> memref<128x128xf32, #tpu.memory_space<hbm>>
        %dma_wait3A_88 = arith.constant 0 : i32
        %dma_wait3A_89 = tpu.memref_slice %arg4[%add3A_49, %dma_wait3A_88] : memref<24576x128xf32, #tpu.memory_space<hbm>> -> memref<128x128xf32, #tpu.memory_space<hbm>>
        %dma_wait3A_90 = arith.constant 0 : i32
        %dma_wait3A_91 = arith.constant 0 : i32
        %dma_wait3A_92 = tpu.memref_slice %arg6[%run_scoped3A, %dma_wait3A_90, %dma_wait3A_91] : memref<2x128x128xf32, #tpu.memory_space<vmem>> -> memref<1x128x128xf32, #tpu.memory_space<vmem>>
        %dma_wait3A_93 = tpu.memref_squeeze %dma_wait3A_92 : memref<1x128x128xf32, #tpu.memory_space<vmem>> -> memref<128x128xf32, #tpu.memory_space<vmem>>
        tpu.wait_dma2 semaphore(%run_scoped3A_69 : memref<!tpu.dma_semaphore, #tpu.memory_space<semaphore_mem>>) src(%dma_wait3A_93 : memref<128x128xf32, #tpu.memory_space<vmem>>) dst(%dma_wait3A_89 : memref<128x128xf32, #tpu.memory_space<hbm>>)
        tpu.yield
      }) : () -> ()
      %add3A_50 = arith.constant 1 : i32
      %add3A_51 = arith.addi %scan3A_21, %add3A_50 : i32
      %lt3A = arith.constant 3 : i32
      %lt3A_52 = arith.cmpi slt, %add3A_51, %lt3A : i32
      %convert_element_type3A = arith.extui %lt3A_52 : i1 to i32
      %cond3A = arith.constant 0 : i32
      %cond3A_53 = arith.cmpi ne, %convert_element_type3A, %cond3A : i32
      scf.if %cond3A_53 {
        %add3A_69 = arith.constant 2 : i32
        %add3A_70 = arith.addi %mul3A_23, %add3A_69 : i32
        %dma_start3A_71 = arith.constant 0 : i32
        %dma_start3A_72 = arith.constant 0 : i32
        %dma_start3A_73 = arith.constant 0 : i32
        %dma_start3A_74 = tpu.memref_slice %arg6[%dma_start3A_71, %dma_start3A_72, %dma_start3A_73] : memref<2x128x128xf32, #tpu.memory_space<vmem>> -> memref<1x128x128xf32, #tpu.memory_space<vmem>>
        %dma_start3A_75 = tpu.memref_squeeze %dma_start3A_74 : memref<1x128x128xf32, #tpu.memory_space<vmem>> -> memref<128x128xf32, #tpu.memory_space<vmem>>
        %dma_start3A_76 = arith.constant 0 : i32
        %dma_start3A_77 = tpu.memref_slice %arg5[%add3A_70, %dma_start3A_76] : memref<8x128xi32, #tpu.memory_space<vmem>> -> memref<1x128xi32, #tpu.memory_space<vmem>>
        %dma_start3A_78 = tpu.memref_squeeze %dma_start3A_77 : memref<1x128xi32, #tpu.memory_space<vmem>> -> memref<128xi32, #tpu.memory_space<vmem>>
        %dma_start3A_79 = arith.constant 0 : i32
        %dma_start3A_80 = arith.constant 0 : i32
        %dma_start3A_81 = tpu.memref_slice %arg2[%dma_start3A_79, %dma_start3A_80] : memref<100000x128xf32, #tpu.memory_space<hbm>> -> memref<100000x128xf32, #tpu.memory_space<hbm>>
        tpu.enqueue_indirect_dma source(%dma_start3A_81 : memref<100000x128xf32, #tpu.memory_space<hbm>>) target(%dma_start3A_75 : memref<128x128xf32, #tpu.memory_space<vmem>>) offsets(%dma_start3A_78 : memref<128xi32, #tpu.memory_space<vmem>>) semaphore(%arg7 : memref<!tpu.dma_semaphore, #tpu.memory_space<semaphore_mem>>)
      } else {
      }
      %dma_wait3A_54 = arith.constant 1 : i32
      %dma_wait3A_55 = arith.constant 0 : i32
      %dma_wait3A_56 = arith.constant 0 : i32
      %dma_wait3A_57 = tpu.memref_slice %arg6[%dma_wait3A_54, %dma_wait3A_55, %dma_wait3A_56] : memref<2x128x128xf32, #tpu.memory_space<vmem>> -> memref<1x128x128xf32, #tpu.memory_space<vmem>>
      %dma_wait3A_58 = tpu.memref_squeeze %dma_wait3A_57 : memref<1x128x128xf32, #tpu.memory_space<vmem>> -> memref<128x128xf32, #tpu.memory_space<vmem>>
      %dma_wait3A_59 = arith.constant 0 : i32
      %dma_wait3A_60 = tpu.memref_slice %arg5[%add3A_25, %dma_wait3A_59] : memref<8x128xi32, #tpu.memory_space<vmem>> -> memref<1x128xi32, #tpu.memory_space<vmem>>
      %dma_wait3A_61 = tpu.memref_squeeze %dma_wait3A_60 : memref<1x128xi32, #tpu.memory_space<vmem>> -> memref<128xi32, #tpu.memory_space<vmem>>
      %dma_wait3A_62 = arith.constant 0 : i32
      %dma_wait3A_63 = arith.constant 0 : i32
      %dma_wait3A_64 = tpu.memref_slice %arg2[%dma_wait3A_62, %dma_wait3A_63] : memref<100000x128xf32, #tpu.memory_space<hbm>> -> memref<100000x128xf32, #tpu.memory_space<hbm>>
      tpu.wait_indirect_dma semaphore(%arg8 : memref<!tpu.dma_semaphore, #tpu.memory_space<semaphore_mem>>) src(%dma_wait3A_64 : memref<100000x128xf32, #tpu.memory_space<hbm>>) dst(%dma_wait3A_58 : memref<128x128xf32, #tpu.memory_space<vmem>>)
      %mul3A_65 = arith.constant 128 : i32
      %mul3A_66 = arith.muli %add3A_25, %mul3A_65 : i32
      %add3A_67 = arith.addi %mul3A_2, %mul3A_66 : i32
      %run_scoped3A_68 = arith.constant 1 : i32
      "tpu.region"() ({
        %run_scoped3A_69 = tpu.sem_alloc : memref<!tpu.dma_semaphore, #tpu.memory_space<semaphore_mem>>
        %dma_start3A_70 = arith.constant 0 : i32
        %dma_start3A_71 = arith.constant 0 : i32
        %dma_start3A_72 = tpu.memref_slice %arg6[%run_scoped3A_68, %dma_start3A_70, %dma_start3A_71] : memref<2x128x128xf32, #tpu.memory_space<vmem>> -> memref<1x128x128xf32, #tpu.memory_space<vmem>>
        %dma_start3A_73 = tpu.memref_squeeze %dma_start3A_72 : memref<1x128x128xf32, #tpu.memory_space<vmem>> -> memref<128x128xf32, #tpu.memory_space<vmem>>
        %dma_start3A_74 = arith.constant 0 : i32
        %dma_start3A_75 = tpu.memref_slice %arg4[%add3A_67, %dma_start3A_74] : memref<24576x128xf32, #tpu.memory_space<hbm>> -> memref<128x128xf32, #tpu.memory_space<hbm>>
        %dma_start3A_76 = arith.constant 0 : i32
        %dma_start3A_77 = tpu.memref_slice %arg4[%add3A_67, %dma_start3A_76] : memref<24576x128xf32, #tpu.memory_space<hbm>> -> memref<128x128xf32, #tpu.memory_space<hbm>>
        %dma_start3A_78 = arith.constant 0 : i32
        %dma_start3A_79 = arith.constant 0 : i32
        %dma_start3A_80 = tpu.memref_slice %arg6[%run_scoped3A_68, %dma_start3A_78, %dma_start3A_79] : memref<2x128x128xf32, #tpu.memory_space<vmem>> -> memref<1x128x128xf32, #tpu.memory_space<vmem>>
        %dma_start3A_81 = tpu.memref_squeeze %dma_start3A_80 : memref<1x128x128xf32, #tpu.memory_space<vmem>> -> memref<128x128xf32, #tpu.memory_space<vmem>>
        tpu.enqueue_dma source(%dma_start3A_81 : memref<128x128xf32, #tpu.memory_space<vmem>>) target(%dma_start3A_77 : memref<128x128xf32, #tpu.memory_space<hbm>>) target_semaphore(%run_scoped3A_69 : memref<!tpu.dma_semaphore, #tpu.memory_space<semaphore_mem>>)
        %dma_wait3A_82 = arith.constant 0 : i32
        %dma_wait3A_83 = arith.constant 0 : i32
        %dma_wait3A_84 = tpu.memref_slice %arg6[%run_scoped3A_68, %dma_wait3A_82, %dma_wait3A_83] : memref<2x128x128xf32, #tpu.memory_space<vmem>> -> memref<1x128x128xf32, #tpu.memory_space<vmem>>
        %dma_wait3A_85 = tpu.memref_squeeze %dma_wait3A_84 : memref<1x128x128xf32, #tpu.memory_space<vmem>> -> memref<128x128xf32, #tpu.memory_space<vmem>>
        %dma_wait3A_86 = arith.constant 0 : i32
        %dma_wait3A_87 = tpu.memref_slice %arg4[%add3A_67, %dma_wait3A_86] : memref<24576x128xf32, #tpu.memory_space<hbm>> -> memref<128x128xf32, #tpu.memory_space<hbm>>
        %dma_wait3A_88 = arith.constant 0 : i32
        %dma_wait3A_89 = tpu.memref_slice %arg4[%add3A_67, %dma_wait3A_88] : memref<24576x128xf32, #tpu.memory_space<hbm>> -> memref<128x128xf32, #tpu.memory_space<hbm>>
        %dma_wait3A_90 = arith.constant 0 : i32
        %dma_wait3A_91 = arith.constant 0 : i32
        %dma_wait3A_92 = tpu.memref_slice %arg6[%run_scoped3A_68, %dma_wait3A_90, %dma_wait3A_91] : memref<2x128x128xf32, #tpu.memory_space<vmem>> -> memref<1x128x128xf32, #tpu.memory_space<vmem>>
        %dma_wait3A_93 = tpu.memref_squeeze %dma_wait3A_92 : memref<1x128x128xf32, #tpu.memory_space<vmem>> -> memref<128x128xf32, #tpu.memory_space<vmem>>
        tpu.wait_dma2 semaphore(%run_scoped3A_69 : memref<!tpu.dma_semaphore, #tpu.memory_space<semaphore_mem>>) src(%dma_wait3A_93 : memref<128x128xf32, #tpu.memory_space<vmem>>) dst(%dma_wait3A_89 : memref<128x128xf32, #tpu.memory_space<hbm>>)
        tpu.yield
      }) : () -> ()
    }
    %scan3A_20 = arith.constant 3 : i32
    return
  }
}

#map = affine_map<(d0, d1) -> (0, 0)>
module attributes {stable_mosaic.version = 14 : i64} {
  func.func @gk(%arg0: i32, %arg1: i32, %arg2: memref<100000x128xf32, #tpu.memory_space<hbm>>, %arg3: memref<256x128xi32, #tpu.memory_space<hbm>>, %arg4: memref<24576x128xf32, #tpu.memory_space<hbm>>, %arg5: memref<8x128xi32, #tpu.memory_space<vmem>>, %arg6: memref<2x128x128xf32, #tpu.memory_space<vmem>>, %arg7: memref<!tpu.dma_semaphore, #tpu.memory_space<semaphore_mem>>, %arg8: memref<!tpu.dma_semaphore, #tpu.memory_space<semaphore_mem>>) attributes {dimension_semantics = [#tpu.dimension_semantics<core_parallel>, #tpu.dimension_semantics<subcore_parallel>], iteration_bounds = array<i64: 2, 16>, scalar_prefetch = 0 : i64, scratch_operands = 4 : i64, tpu.core_type = #tpu.core_type<sc_vector_subcore>, window_params = [{transform_indices = #map}, {transform_indices = #map}, {transform_indices = #map}]} {
    %mul3A = arith.constant 2 : i32
    %mul3A_0 = arith.muli %arg1, %mul3A : i32
    %add3A = arith.addi %mul3A_0, %arg0 : i32
    %mul3A_1 = arith.constant 768 : i32
    %mul3A_2 = arith.muli %add3A, %mul3A_1 : i32
    %mul3A_3 = arith.constant 8 : i32
    %mul3A_4 = arith.muli %add3A, %mul3A_3 : i32
    "tpu.region"() ({
      %run_scoped3A = tpu.sem_alloc : memref<!tpu.dma_semaphore, #tpu.memory_space<semaphore_mem>>
      %dma_start3A_21 = arith.constant 0 : i32
      %dma_start3A_22 = tpu.memref_slice %arg3[%mul3A_4, %dma_start3A_21] : memref<256x128xi32, #tpu.memory_space<hbm>> -> memref<8x128xi32, #tpu.memory_space<hbm>>
      %dma_start3A_23 = arith.constant 0 : i32
      %dma_start3A_24 = tpu.memref_slice %arg3[%mul3A_4, %dma_start3A_23] : memref<256x128xi32, #tpu.memory_space<hbm>> -> memref<8x128xi32, #tpu.memory_space<hbm>>
      tpu.enqueue_dma source(%dma_start3A_24 : memref<8x128xi32, #tpu.memory_space<hbm>>) target(%arg5 : memref<8x128xi32, #tpu.memory_space<vmem>>) target_semaphore(%run_scoped3A : memref<!tpu.dma_semaphore, #tpu.memory_space<semaphore_mem>>)
      %dma_wait3A = arith.constant 0 : i32
      %dma_wait3A_25 = tpu.memref_slice %arg3[%mul3A_4, %dma_wait3A] : memref<256x128xi32, #tpu.memory_space<hbm>> -> memref<8x128xi32, #tpu.memory_space<hbm>>
      %dma_wait3A_26 = arith.constant 0 : i32
      %dma_wait3A_27 = tpu.memref_slice %arg3[%mul3A_4, %dma_wait3A_26] : memref<256x128xi32, #tpu.memory_space<hbm>> -> memref<8x128xi32, #tpu.memory_space<hbm>>
      tpu.wait_dma2 semaphore(%run_scoped3A : memref<!tpu.dma_semaphore, #tpu.memory_space<semaphore_mem>>) src(%dma_wait3A_27 : memref<8x128xi32, #tpu.memory_space<hbm>>) dst(%arg5 : memref<8x128xi32, #tpu.memory_space<vmem>>)
      tpu.yield
    }) : () -> ()
    %dma_start3A = arith.constant 0 : i32
    %dma_start3A_5 = arith.constant 0 : i32
    %dma_start3A_6 = arith.constant 0 : i32
    %dma_start3A_7 = arith.constant 0 : i32
    %dma_start3A_8 = tpu.memref_slice %arg6[%dma_start3A_5, %dma_start3A_6, %dma_start3A_7] : memref<2x128x128xf32, #tpu.memory_space<vmem>> -> memref<1x128x128xf32, #tpu.memory_space<vmem>>
    %dma_start3A_9 = tpu.memref_squeeze %dma_start3A_8 : memref<1x128x128xf32, #tpu.memory_space<vmem>> -> memref<128x128xf32, #tpu.memory_space<vmem>>
    %dma_start3A_10 = arith.constant 0 : i32
    %dma_start3A_11 = tpu.memref_slice %arg5[%dma_start3A, %dma_start3A_10] : memref<8x128xi32, #tpu.memory_space<vmem>> -> memref<1x128xi32, #tpu.memory_space<vmem>>
    %dma_start3A_12 = tpu.memref_squeeze %dma_start3A_11 : memref<1x128xi32, #tpu.memory_space<vmem>> -> memref<128xi32, #tpu.memory_space<vmem>>
    %dma_start3A_13 = arith.constant 0 : i32
    %dma_start3A_14 = arith.constant 0 : i32
    %dma_start3A_15 = tpu.memref_slice %arg2[%dma_start3A_13, %dma_start3A_14] : memref<100000x128xf32, #tpu.memory_space<hbm>> -> memref<100000x128xf32, #tpu.memory_space<hbm>>
    tpu.enqueue_indirect_dma source(%dma_start3A_15 : memref<100000x128xf32, #tpu.memory_space<hbm>>) target(%dma_start3A_9 : memref<128x128xf32, #tpu.memory_space<vmem>>) offsets(%dma_start3A_12 : memref<128xi32, #tpu.memory_space<vmem>>) semaphore(%arg7 : memref<!tpu.dma_semaphore, #tpu.memory_space<semaphore_mem>>)
    %scan3A = arith.constant 0 : i32
    %scan3A_16 = arith.constant 0 : i32
    %scan3A_17 = arith.constant 3 : i32
    %scan3A_18 = arith.addi %scan3A_16, %scan3A_17 : i32
    %scan3A_19 = arith.constant 1 : i32
    scf.for %scan3A_21 = %scan3A_16 to %scan3A_18 step %scan3A_19  : i32 {
      %mul3A_22 = arith.constant 2 : i32
      %mul3A_23 = arith.muli %mul3A_22, %scan3A_21 : i32
      %add3A_24 = arith.constant 1 : i32
      %add3A_25 = arith.addi %mul3A_23, %add3A_24 : i32
      %dma_start3A_26 = arith.constant 1 : i32
      %dma_start3A_27 = arith.constant 0 : i32
      %dma_start3A_28 = arith.constant 0 : i32
      %dma_start3A_29 = tpu.memref_slice %arg6[%dma_start3A_26, %dma_start3A_27, %dma_start3A_28] : memref<2x128x128xf32, #tpu.memory_space<vmem>> -> memref<1x128x128xf32, #tpu.memory_space<vmem>>
      %dma_start3A_30 = tpu.memref_squeeze %dma_start3A_29 : memref<1x128x128xf32, #tpu.memory_space<vmem>> -> memref<128x128xf32, #tpu.memory_space<vmem>>
      %dma_start3A_31 = arith.constant 0 : i32
      %dma_start3A_32 = tpu.memref_slice %arg5[%add3A_25, %dma_start3A_31] : memref<8x128xi32, #tpu.memory_space<vmem>> -> memref<1x128xi32, #tpu.memory_space<vmem>>
      %dma_start3A_33 = tpu.memref_squeeze %dma_start3A_32 : memref<1x128xi32, #tpu.memory_space<vmem>> -> memref<128xi32, #tpu.memory_space<vmem>>
      %dma_start3A_34 = arith.constant 0 : i32
      %dma_start3A_35 = arith.constant 0 : i32
      %dma_start3A_36 = tpu.memref_slice %arg2[%dma_start3A_34, %dma_start3A_35] : memref<100000x128xf32, #tpu.memory_space<hbm>> -> memref<100000x128xf32, #tpu.memory_space<hbm>>
      tpu.enqueue_indirect_dma source(%dma_start3A_36 : memref<100000x128xf32, #tpu.memory_space<hbm>>) target(%dma_start3A_30 : memref<128x128xf32, #tpu.memory_space<vmem>>) offsets(%dma_start3A_33 : memref<128xi32, #tpu.memory_space<vmem>>) semaphore(%arg8 : memref<!tpu.dma_semaphore, #tpu.memory_space<semaphore_mem>>)
      %dma_wait3A = arith.constant 0 : i32
      %dma_wait3A_37 = arith.constant 0 : i32
      %dma_wait3A_38 = arith.constant 0 : i32
      %dma_wait3A_39 = tpu.memref_slice %arg6[%dma_wait3A, %dma_wait3A_37, %dma_wait3A_38] : memref<2x128x128xf32, #tpu.memory_space<vmem>> -> memref<1x128x128xf32, #tpu.memory_space<vmem>>
      %dma_wait3A_40 = tpu.memref_squeeze %dma_wait3A_39 : memref<1x128x128xf32, #tpu.memory_space<vmem>> -> memref<128x128xf32, #tpu.memory_space<vmem>>
      %dma_wait3A_41 = arith.constant 0 : i32
      %dma_wait3A_42 = tpu.memref_slice %arg5[%mul3A_23, %dma_wait3A_41] : memref<8x128xi32, #tpu.memory_space<vmem>> -> memref<1x128xi32, #tpu.memory_space<vmem>>
      %dma_wait3A_43 = tpu.memref_squeeze %dma_wait3A_42 : memref<1x128xi32, #tpu.memory_space<vmem>> -> memref<128xi32, #tpu.memory_space<vmem>>
      %dma_wait3A_44 = arith.constant 0 : i32
      %dma_wait3A_45 = arith.constant 0 : i32
      %dma_wait3A_46 = tpu.memref_slice %arg2[%dma_wait3A_44, %dma_wait3A_45] : memref<100000x128xf32, #tpu.memory_space<hbm>> -> memref<100000x128xf32, #tpu.memory_space<hbm>>
      tpu.wait_indirect_dma semaphore(%arg7 : memref<!tpu.dma_semaphore, #tpu.memory_space<semaphore_mem>>) src(%dma_wait3A_46 : memref<100000x128xf32, #tpu.memory_space<hbm>>) dst(%dma_wait3A_40 : memref<128x128xf32, #tpu.memory_space<vmem>>)
      %mul3A_47 = arith.constant 128 : i32
      %mul3A_48 = arith.muli %mul3A_23, %mul3A_47 : i32
      %add3A_49 = arith.addi %mul3A_2, %mul3A_48 : i32
      %run_scoped3A = arith.constant 0 : i32
      "tpu.region"() ({
        %run_scoped3A_69 = tpu.sem_alloc : memref<!tpu.dma_semaphore, #tpu.memory_space<semaphore_mem>>
        %dma_start3A_70 = arith.constant 0 : i32
        %dma_start3A_71 = arith.constant 0 : i32
        %dma_start3A_72 = tpu.memref_slice %arg6[%run_scoped3A, %dma_start3A_70, %dma_start3A_71] : memref<2x128x128xf32, #tpu.memory_space<vmem>> -> memref<1x128x128xf32, #tpu.memory_space<vmem>>
        %dma_start3A_73 = tpu.memref_squeeze %dma_start3A_72 : memref<1x128x128xf32, #tpu.memory_space<vmem>> -> memref<128x128xf32, #tpu.memory_space<vmem>>
        %dma_start3A_74 = arith.constant 0 : i32
        %dma_start3A_75 = tpu.memref_slice %arg4[%add3A_49, %dma_start3A_74] : memref<24576x128xf32, #tpu.memory_space<hbm>> -> memref<128x128xf32, #tpu.memory_space<hbm>>
        %dma_start3A_76 = arith.constant 0 : i32
        %dma_start3A_77 = tpu.memref_slice %arg4[%add3A_49, %dma_start3A_76] : memref<24576x128xf32, #tpu.memory_space<hbm>> -> memref<128x128xf32, #tpu.memory_space<hbm>>
        %dma_start3A_78 = arith.constant 0 : i32
        %dma_start3A_79 = arith.constant 0 : i32
        %dma_start3A_80 = tpu.memref_slice %arg6[%run_scoped3A, %dma_start3A_78, %dma_start3A_79] : memref<2x128x128xf32, #tpu.memory_space<vmem>> -> memref<1x128x128xf32, #tpu.memory_space<vmem>>
        %dma_start3A_81 = tpu.memref_squeeze %dma_start3A_80 : memref<1x128x128xf32, #tpu.memory_space<vmem>> -> memref<128x128xf32, #tpu.memory_space<vmem>>
        tpu.enqueue_dma source(%dma_start3A_81 : memref<128x128xf32, #tpu.memory_space<vmem>>) target(%dma_start3A_77 : memref<128x128xf32, #tpu.memory_space<hbm>>) target_semaphore(%run_scoped3A_69 : memref<!tpu.dma_semaphore, #tpu.memory_space<semaphore_mem>>)
        %dma_wait3A_82 = arith.constant 0 : i32
        %dma_wait3A_83 = arith.constant 0 : i32
        %dma_wait3A_84 = tpu.memref_slice %arg6[%run_scoped3A, %dma_wait3A_82, %dma_wait3A_83] : memref<2x128x128xf32, #tpu.memory_space<vmem>> -> memref<1x128x128xf32, #tpu.memory_space<vmem>>
        %dma_wait3A_85 = tpu.memref_squeeze %dma_wait3A_84 : memref<1x128x128xf32, #tpu.memory_space<vmem>> -> memref<128x128xf32, #tpu.memory_space<vmem>>
        %dma_wait3A_86 = arith.constant 0 : i32
        %dma_wait3A_87 = tpu.memref_slice %arg4[%add3A_49, %dma_wait3A_86] : memref<24576x128xf32, #tpu.memory_space<hbm>> -> memref<128x128xf32, #tpu.memory_space<hbm>>
        %dma_wait3A_88 = arith.constant 0 : i32
        %dma_wait3A_89 = tpu.memref_slice %arg4[%add3A_49, %dma_wait3A_88] : memref<24576x128xf32, #tpu.memory_space<hbm>> -> memref<128x128xf32, #tpu.memory_space<hbm>>
        %dma_wait3A_90 = arith.constant 0 : i32
        %dma_wait3A_91 = arith.constant 0 : i32
        %dma_wait3A_92 = tpu.memref_slice %arg6[%run_scoped3A, %dma_wait3A_90, %dma_wait3A_91] : memref<2x128x128xf32, #tpu.memory_space<vmem>> -> memref<1x128x128xf32, #tpu.memory_space<vmem>>
        %dma_wait3A_93 = tpu.memref_squeeze %dma_wait3A_92 : memref<1x128x128xf32, #tpu.memory_space<vmem>> -> memref<128x128xf32, #tpu.memory_space<vmem>>
        tpu.wait_dma2 semaphore(%run_scoped3A_69 : memref<!tpu.dma_semaphore, #tpu.memory_space<semaphore_mem>>) src(%dma_wait3A_93 : memref<128x128xf32, #tpu.memory_space<vmem>>) dst(%dma_wait3A_89 : memref<128x128xf32, #tpu.memory_space<hbm>>)
        tpu.yield
      }) : () -> ()
      %add3A_50 = arith.constant 1 : i32
      %add3A_51 = arith.addi %scan3A_21, %add3A_50 : i32
      %lt3A = arith.constant 3 : i32
      %lt3A_52 = arith.cmpi slt, %add3A_51, %lt3A : i32
      %convert_element_type3A = arith.extui %lt3A_52 : i1 to i32
      %cond3A = arith.constant 0 : i32
      %cond3A_53 = arith.cmpi ne, %convert_element_type3A, %cond3A : i32
      scf.if %cond3A_53 {
        %add3A_69 = arith.constant 2 : i32
        %add3A_70 = arith.addi %mul3A_23, %add3A_69 : i32
        %dma_start3A_71 = arith.constant 0 : i32
        %dma_start3A_72 = arith.constant 0 : i32
        %dma_start3A_73 = arith.constant 0 : i32
        %dma_start3A_74 = tpu.memref_slice %arg6[%dma_start3A_71, %dma_start3A_72, %dma_start3A_73] : memref<2x128x128xf32, #tpu.memory_space<vmem>> -> memref<1x128x128xf32, #tpu.memory_space<vmem>>
        %dma_start3A_75 = tpu.memref_squeeze %dma_start3A_74 : memref<1x128x128xf32, #tpu.memory_space<vmem>> -> memref<128x128xf32, #tpu.memory_space<vmem>>
        %dma_start3A_76 = arith.constant 0 : i32
        %dma_start3A_77 = tpu.memref_slice %arg5[%add3A_70, %dma_start3A_76] : memref<8x128xi32, #tpu.memory_space<vmem>> -> memref<1x128xi32, #tpu.memory_space<vmem>>
        %dma_start3A_78 = tpu.memref_squeeze %dma_start3A_77 : memref<1x128xi32, #tpu.memory_space<vmem>> -> memref<128xi32, #tpu.memory_space<vmem>>
        %dma_start3A_79 = arith.constant 0 : i32
        %dma_start3A_80 = arith.constant 0 : i32
        %dma_start3A_81 = tpu.memref_slice %arg2[%dma_start3A_79, %dma_start3A_80] : memref<100000x128xf32, #tpu.memory_space<hbm>> -> memref<100000x128xf32, #tpu.memory_space<hbm>>
        tpu.enqueue_indirect_dma source(%dma_start3A_81 : memref<100000x128xf32, #tpu.memory_space<hbm>>) target(%dma_start3A_75 : memref<128x128xf32, #tpu.memory_space<vmem>>) offsets(%dma_start3A_78 : memref<128xi32, #tpu.memory_space<vmem>>) semaphore(%arg7 : memref<!tpu.dma_semaphore, #tpu.memory_space<semaphore_mem>>)
      } else {
      }
      %dma_wait3A_54 = arith.constant 1 : i32
      %dma_wait3A_55 = arith.constant 0 : i32
      %dma_wait3A_56 = arith.constant 0 : i32
      %dma_wait3A_57 = tpu.memref_slice %arg6[%dma_wait3A_54, %dma_wait3A_55, %dma_wait3A_56] : memref<2x128x128xf32, #tpu.memory_space<vmem>> -> memref<1x128x128xf32, #tpu.memory_space<vmem>>
      %dma_wait3A_58 = tpu.memref_squeeze %dma_wait3A_57 : memref<1x128x128xf32, #tpu.memory_space<vmem>> -> memref<128x128xf32, #tpu.memory_space<vmem>>
      %dma_wait3A_59 = arith.constant 0 : i32
      %dma_wait3A_60 = tpu.memref_slice %arg5[%add3A_25, %dma_wait3A_59] : memref<8x128xi32, #tpu.memory_space<vmem>> -> memref<1x128xi32, #tpu.memory_space<vmem>>
      %dma_wait3A_61 = tpu.memref_squeeze %dma_wait3A_60 : memref<1x128xi32, #tpu.memory_space<vmem>> -> memref<128xi32, #tpu.memory_space<vmem>>
      %dma_wait3A_62 = arith.constant 0 : i32
      %dma_wait3A_63 = arith.constant 0 : i32
      %dma_wait3A_64 = tpu.memref_slice %arg2[%dma_wait3A_62, %dma_wait3A_63] : memref<100000x128xf32, #tpu.memory_space<hbm>> -> memref<100000x128xf32, #tpu.memory_space<hbm>>
      tpu.wait_indirect_dma semaphore(%arg8 : memref<!tpu.dma_semaphore, #tpu.memory_space<semaphore_mem>>) src(%dma_wait3A_64 : memref<100000x128xf32, #tpu.memory_space<hbm>>) dst(%dma_wait3A_58 : memref<128x128xf32, #tpu.memory_space<vmem>>)
      %mul3A_65 = arith.constant 128 : i32
      %mul3A_66 = arith.muli %add3A_25, %mul3A_65 : i32
      %add3A_67 = arith.addi %mul3A_2, %mul3A_66 : i32
      %run_scoped3A_68 = arith.constant 1 : i32
      "tpu.region"() ({
        %run_scoped3A_69 = tpu.sem_alloc : memref<!tpu.dma_semaphore, #tpu.memory_space<semaphore_mem>>
        %dma_start3A_70 = arith.constant 0 : i32
        %dma_start3A_71 = arith.constant 0 : i32
        %dma_start3A_72 = tpu.memref_slice %arg6[%run_scoped3A_68, %dma_start3A_70, %dma_start3A_71] : memref<2x128x128xf32, #tpu.memory_space<vmem>> -> memref<1x128x128xf32, #tpu.memory_space<vmem>>
        %dma_start3A_73 = tpu.memref_squeeze %dma_start3A_72 : memref<1x128x128xf32, #tpu.memory_space<vmem>> -> memref<128x128xf32, #tpu.memory_space<vmem>>
        %dma_start3A_74 = arith.constant 0 : i32
        %dma_start3A_75 = tpu.memref_slice %arg4[%add3A_67, %dma_start3A_74] : memref<24576x128xf32, #tpu.memory_space<hbm>> -> memref<128x128xf32, #tpu.memory_space<hbm>>
        %dma_start3A_76 = arith.constant 0 : i32
        %dma_start3A_77 = tpu.memref_slice %arg4[%add3A_67, %dma_start3A_76] : memref<24576x128xf32, #tpu.memory_space<hbm>> -> memref<128x128xf32, #tpu.memory_space<hbm>>
        %dma_start3A_78 = arith.constant 0 : i32
        %dma_start3A_79 = arith.constant 0 : i32
        %dma_start3A_80 = tpu.memref_slice %arg6[%run_scoped3A_68, %dma_start3A_78, %dma_start3A_79] : memref<2x128x128xf32, #tpu.memory_space<vmem>> -> memref<1x128x128xf32, #tpu.memory_space<vmem>>
        %dma_start3A_81 = tpu.memref_squeeze %dma_start3A_80 : memref<1x128x128xf32, #tpu.memory_space<vmem>> -> memref<128x128xf32, #tpu.memory_space<vmem>>
        tpu.enqueue_dma source(%dma_start3A_81 : memref<128x128xf32, #tpu.memory_space<vmem>>) target(%dma_start3A_77 : memref<128x128xf32, #tpu.memory_space<hbm>>) target_semaphore(%run_scoped3A_69 : memref<!tpu.dma_semaphore, #tpu.memory_space<semaphore_mem>>)
        %dma_wait3A_82 = arith.constant 0 : i32
        %dma_wait3A_83 = arith.constant 0 : i32
        %dma_wait3A_84 = tpu.memref_slice %arg6[%run_scoped3A_68, %dma_wait3A_82, %dma_wait3A_83] : memref<2x128x128xf32, #tpu.memory_space<vmem>> -> memref<1x128x128xf32, #tpu.memory_space<vmem>>
        %dma_wait3A_85 = tpu.memref_squeeze %dma_wait3A_84 : memref<1x128x128xf32, #tpu.memory_space<vmem>> -> memref<128x128xf32, #tpu.memory_space<vmem>>
        %dma_wait3A_86 = arith.constant 0 : i32
        %dma_wait3A_87 = tpu.memref_slice %arg4[%add3A_67, %dma_wait3A_86] : memref<24576x128xf32, #tpu.memory_space<hbm>> -> memref<128x128xf32, #tpu.memory_space<hbm>>
        %dma_wait3A_88 = arith.constant 0 : i32
        %dma_wait3A_89 = tpu.memref_slice %arg4[%add3A_67, %dma_wait3A_88] : memref<24576x128xf32, #tpu.memory_space<hbm>> -> memref<128x128xf32, #tpu.memory_space<hbm>>
        %dma_wait3A_90 = arith.constant 0 : i32
        %dma_wait3A_91 = arith.constant 0 : i32
        %dma_wait3A_92 = tpu.memref_slice %arg6[%run_scoped3A_68, %dma_wait3A_90, %dma_wait3A_91] : memref<2x128x128xf32, #tpu.memory_space<vmem>> -> memref<1x128x128xf32, #tpu.memory_space<vmem>>
        %dma_wait3A_93 = tpu.memref_squeeze %dma_wait3A_92 : memref<1x128x128xf32, #tpu.memory_space<vmem>> -> memref<128x128xf32, #tpu.memory_space<vmem>>
        tpu.wait_dma2 semaphore(%run_scoped3A_69 : memref<!tpu.dma_semaphore, #tpu.memory_space<semaphore_mem>>) src(%dma_wait3A_93 : memref<128x128xf32, #tpu.memory_space<vmem>>) dst(%dma_wait3A_89 : memref<128x128xf32, #tpu.memory_space<hbm>>)
        tpu.yield
      }) : () -> ()
    }
    %scan3A_20 = arith.constant 3 : i32
    return
  }
}

#map = affine_map<(d0, d1) -> (0, 0)>
module attributes {stable_mosaic.version = 14 : i64} {
  func.func @gk(%arg0: i32, %arg1: i32, %arg2: memref<100000x128xf32, #tpu.memory_space<hbm>>, %arg3: memref<256x128xi32, #tpu.memory_space<hbm>>, %arg4: memref<24576x128xf32, #tpu.memory_space<hbm>>, %arg5: memref<8x128xi32, #tpu.memory_space<vmem>>, %arg6: memref<2x128x128xf32, #tpu.memory_space<vmem>>, %arg7: memref<!tpu.dma_semaphore, #tpu.memory_space<semaphore_mem>>, %arg8: memref<!tpu.dma_semaphore, #tpu.memory_space<semaphore_mem>>) attributes {dimension_semantics = [#tpu.dimension_semantics<core_parallel>, #tpu.dimension_semantics<subcore_parallel>], iteration_bounds = array<i64: 2, 16>, scalar_prefetch = 0 : i64, scratch_operands = 4 : i64, tpu.core_type = #tpu.core_type<sc_vector_subcore>, window_params = [{transform_indices = #map}, {transform_indices = #map}, {transform_indices = #map}]} {
    %mul3A = arith.constant 2 : i32
    %mul3A_0 = arith.muli %arg1, %mul3A : i32
    %add3A = arith.addi %mul3A_0, %arg0 : i32
    %mul3A_1 = arith.constant 768 : i32
    %mul3A_2 = arith.muli %add3A, %mul3A_1 : i32
    %mul3A_3 = arith.constant 8 : i32
    %mul3A_4 = arith.muli %add3A, %mul3A_3 : i32
    "tpu.region"() ({
      %run_scoped3A = tpu.sem_alloc : memref<!tpu.dma_semaphore, #tpu.memory_space<semaphore_mem>>
      %dma_start3A_21 = arith.constant 0 : i32
      %dma_start3A_22 = tpu.memref_slice %arg3[%mul3A_4, %dma_start3A_21] : memref<256x128xi32, #tpu.memory_space<hbm>> -> memref<8x128xi32, #tpu.memory_space<hbm>>
      %dma_start3A_23 = arith.constant 0 : i32
      %dma_start3A_24 = tpu.memref_slice %arg3[%mul3A_4, %dma_start3A_23] : memref<256x128xi32, #tpu.memory_space<hbm>> -> memref<8x128xi32, #tpu.memory_space<hbm>>
      tpu.enqueue_dma source(%dma_start3A_24 : memref<8x128xi32, #tpu.memory_space<hbm>>) target(%arg5 : memref<8x128xi32, #tpu.memory_space<vmem>>) target_semaphore(%run_scoped3A : memref<!tpu.dma_semaphore, #tpu.memory_space<semaphore_mem>>)
      %dma_wait3A = arith.constant 0 : i32
      %dma_wait3A_25 = tpu.memref_slice %arg3[%mul3A_4, %dma_wait3A] : memref<256x128xi32, #tpu.memory_space<hbm>> -> memref<8x128xi32, #tpu.memory_space<hbm>>
      %dma_wait3A_26 = arith.constant 0 : i32
      %dma_wait3A_27 = tpu.memref_slice %arg3[%mul3A_4, %dma_wait3A_26] : memref<256x128xi32, #tpu.memory_space<hbm>> -> memref<8x128xi32, #tpu.memory_space<hbm>>
      tpu.wait_dma2 semaphore(%run_scoped3A : memref<!tpu.dma_semaphore, #tpu.memory_space<semaphore_mem>>) src(%dma_wait3A_27 : memref<8x128xi32, #tpu.memory_space<hbm>>) dst(%arg5 : memref<8x128xi32, #tpu.memory_space<vmem>>)
      tpu.yield
    }) : () -> ()
    %dma_start3A = arith.constant 0 : i32
    %dma_start3A_5 = arith.constant 0 : i32
    %dma_start3A_6 = arith.constant 0 : i32
    %dma_start3A_7 = arith.constant 0 : i32
    %dma_start3A_8 = tpu.memref_slice %arg6[%dma_start3A_5, %dma_start3A_6, %dma_start3A_7] : memref<2x128x128xf32, #tpu.memory_space<vmem>> -> memref<1x128x128xf32, #tpu.memory_space<vmem>>
    %dma_start3A_9 = tpu.memref_squeeze %dma_start3A_8 : memref<1x128x128xf32, #tpu.memory_space<vmem>> -> memref<128x128xf32, #tpu.memory_space<vmem>>
    %dma_start3A_10 = arith.constant 0 : i32
    %dma_start3A_11 = tpu.memref_slice %arg5[%dma_start3A, %dma_start3A_10] : memref<8x128xi32, #tpu.memory_space<vmem>> -> memref<1x128xi32, #tpu.memory_space<vmem>>
    %dma_start3A_12 = tpu.memref_squeeze %dma_start3A_11 : memref<1x128xi32, #tpu.memory_space<vmem>> -> memref<128xi32, #tpu.memory_space<vmem>>
    %dma_start3A_13 = arith.constant 0 : i32
    %dma_start3A_14 = arith.constant 0 : i32
    %dma_start3A_15 = tpu.memref_slice %arg2[%dma_start3A_13, %dma_start3A_14] : memref<100000x128xf32, #tpu.memory_space<hbm>> -> memref<100000x128xf32, #tpu.memory_space<hbm>>
    tpu.enqueue_indirect_dma source(%dma_start3A_15 : memref<100000x128xf32, #tpu.memory_space<hbm>>) target(%dma_start3A_9 : memref<128x128xf32, #tpu.memory_space<vmem>>) offsets(%dma_start3A_12 : memref<128xi32, #tpu.memory_space<vmem>>) semaphore(%arg7 : memref<!tpu.dma_semaphore, #tpu.memory_space<semaphore_mem>>)
    %scan3A = arith.constant 0 : i32
    %scan3A_16 = arith.constant 0 : i32
    %scan3A_17 = arith.constant 3 : i32
    %scan3A_18 = arith.addi %scan3A_16, %scan3A_17 : i32
    %scan3A_19 = arith.constant 1 : i32
    scf.for %scan3A_21 = %scan3A_16 to %scan3A_18 step %scan3A_19  : i32 {
      %mul3A_22 = arith.constant 2 : i32
      %mul3A_23 = arith.muli %mul3A_22, %scan3A_21 : i32
      %add3A_24 = arith.constant 1 : i32
      %add3A_25 = arith.addi %mul3A_23, %add3A_24 : i32
      %dma_start3A_26 = arith.constant 1 : i32
      %dma_start3A_27 = arith.constant 0 : i32
      %dma_start3A_28 = arith.constant 0 : i32
      %dma_start3A_29 = tpu.memref_slice %arg6[%dma_start3A_26, %dma_start3A_27, %dma_start3A_28] : memref<2x128x128xf32, #tpu.memory_space<vmem>> -> memref<1x128x128xf32, #tpu.memory_space<vmem>>
      %dma_start3A_30 = tpu.memref_squeeze %dma_start3A_29 : memref<1x128x128xf32, #tpu.memory_space<vmem>> -> memref<128x128xf32, #tpu.memory_space<vmem>>
      %dma_start3A_31 = arith.constant 0 : i32
      %dma_start3A_32 = tpu.memref_slice %arg5[%add3A_25, %dma_start3A_31] : memref<8x128xi32, #tpu.memory_space<vmem>> -> memref<1x128xi32, #tpu.memory_space<vmem>>
      %dma_start3A_33 = tpu.memref_squeeze %dma_start3A_32 : memref<1x128xi32, #tpu.memory_space<vmem>> -> memref<128xi32, #tpu.memory_space<vmem>>
      %dma_start3A_34 = arith.constant 0 : i32
      %dma_start3A_35 = arith.constant 0 : i32
      %dma_start3A_36 = tpu.memref_slice %arg2[%dma_start3A_34, %dma_start3A_35] : memref<100000x128xf32, #tpu.memory_space<hbm>> -> memref<100000x128xf32, #tpu.memory_space<hbm>>
      tpu.enqueue_indirect_dma source(%dma_start3A_36 : memref<100000x128xf32, #tpu.memory_space<hbm>>) target(%dma_start3A_30 : memref<128x128xf32, #tpu.memory_space<vmem>>) offsets(%dma_start3A_33 : memref<128xi32, #tpu.memory_space<vmem>>) semaphore(%arg8 : memref<!tpu.dma_semaphore, #tpu.memory_space<semaphore_mem>>)
      %dma_wait3A = arith.constant 0 : i32
      %dma_wait3A_37 = arith.constant 0 : i32
      %dma_wait3A_38 = arith.constant 0 : i32
      %dma_wait3A_39 = tpu.memref_slice %arg6[%dma_wait3A, %dma_wait3A_37, %dma_wait3A_38] : memref<2x128x128xf32, #tpu.memory_space<vmem>> -> memref<1x128x128xf32, #tpu.memory_space<vmem>>
      %dma_wait3A_40 = tpu.memref_squeeze %dma_wait3A_39 : memref<1x128x128xf32, #tpu.memory_space<vmem>> -> memref<128x128xf32, #tpu.memory_space<vmem>>
      %dma_wait3A_41 = arith.constant 0 : i32
      %dma_wait3A_42 = tpu.memref_slice %arg5[%mul3A_23, %dma_wait3A_41] : memref<8x128xi32, #tpu.memory_space<vmem>> -> memref<1x128xi32, #tpu.memory_space<vmem>>
      %dma_wait3A_43 = tpu.memref_squeeze %dma_wait3A_42 : memref<1x128xi32, #tpu.memory_space<vmem>> -> memref<128xi32, #tpu.memory_space<vmem>>
      %dma_wait3A_44 = arith.constant 0 : i32
      %dma_wait3A_45 = arith.constant 0 : i32
      %dma_wait3A_46 = tpu.memref_slice %arg2[%dma_wait3A_44, %dma_wait3A_45] : memref<100000x128xf32, #tpu.memory_space<hbm>> -> memref<100000x128xf32, #tpu.memory_space<hbm>>
      tpu.wait_indirect_dma semaphore(%arg7 : memref<!tpu.dma_semaphore, #tpu.memory_space<semaphore_mem>>) src(%dma_wait3A_46 : memref<100000x128xf32, #tpu.memory_space<hbm>>) dst(%dma_wait3A_40 : memref<128x128xf32, #tpu.memory_space<vmem>>)
      %mul3A_47 = arith.constant 128 : i32
      %mul3A_48 = arith.muli %mul3A_23, %mul3A_47 : i32
      %add3A_49 = arith.addi %mul3A_2, %mul3A_48 : i32
      %run_scoped3A = arith.constant 0 : i32
      "tpu.region"() ({
        %run_scoped3A_69 = tpu.sem_alloc : memref<!tpu.dma_semaphore, #tpu.memory_space<semaphore_mem>>
        %dma_start3A_70 = arith.constant 0 : i32
        %dma_start3A_71 = arith.constant 0 : i32
        %dma_start3A_72 = tpu.memref_slice %arg6[%run_scoped3A, %dma_start3A_70, %dma_start3A_71] : memref<2x128x128xf32, #tpu.memory_space<vmem>> -> memref<1x128x128xf32, #tpu.memory_space<vmem>>
        %dma_start3A_73 = tpu.memref_squeeze %dma_start3A_72 : memref<1x128x128xf32, #tpu.memory_space<vmem>> -> memref<128x128xf32, #tpu.memory_space<vmem>>
        %dma_start3A_74 = arith.constant 0 : i32
        %dma_start3A_75 = tpu.memref_slice %arg4[%add3A_49, %dma_start3A_74] : memref<24576x128xf32, #tpu.memory_space<hbm>> -> memref<128x128xf32, #tpu.memory_space<hbm>>
        %dma_start3A_76 = arith.constant 0 : i32
        %dma_start3A_77 = tpu.memref_slice %arg4[%add3A_49, %dma_start3A_76] : memref<24576x128xf32, #tpu.memory_space<hbm>> -> memref<128x128xf32, #tpu.memory_space<hbm>>
        %dma_start3A_78 = arith.constant 0 : i32
        %dma_start3A_79 = arith.constant 0 : i32
        %dma_start3A_80 = tpu.memref_slice %arg6[%run_scoped3A, %dma_start3A_78, %dma_start3A_79] : memref<2x128x128xf32, #tpu.memory_space<vmem>> -> memref<1x128x128xf32, #tpu.memory_space<vmem>>
        %dma_start3A_81 = tpu.memref_squeeze %dma_start3A_80 : memref<1x128x128xf32, #tpu.memory_space<vmem>> -> memref<128x128xf32, #tpu.memory_space<vmem>>
        tpu.enqueue_dma source(%dma_start3A_81 : memref<128x128xf32, #tpu.memory_space<vmem>>) target(%dma_start3A_77 : memref<128x128xf32, #tpu.memory_space<hbm>>) target_semaphore(%run_scoped3A_69 : memref<!tpu.dma_semaphore, #tpu.memory_space<semaphore_mem>>)
        %dma_wait3A_82 = arith.constant 0 : i32
        %dma_wait3A_83 = arith.constant 0 : i32
        %dma_wait3A_84 = tpu.memref_slice %arg6[%run_scoped3A, %dma_wait3A_82, %dma_wait3A_83] : memref<2x128x128xf32, #tpu.memory_space<vmem>> -> memref<1x128x128xf32, #tpu.memory_space<vmem>>
        %dma_wait3A_85 = tpu.memref_squeeze %dma_wait3A_84 : memref<1x128x128xf32, #tpu.memory_space<vmem>> -> memref<128x128xf32, #tpu.memory_space<vmem>>
        %dma_wait3A_86 = arith.constant 0 : i32
        %dma_wait3A_87 = tpu.memref_slice %arg4[%add3A_49, %dma_wait3A_86] : memref<24576x128xf32, #tpu.memory_space<hbm>> -> memref<128x128xf32, #tpu.memory_space<hbm>>
        %dma_wait3A_88 = arith.constant 0 : i32
        %dma_wait3A_89 = tpu.memref_slice %arg4[%add3A_49, %dma_wait3A_88] : memref<24576x128xf32, #tpu.memory_space<hbm>> -> memref<128x128xf32, #tpu.memory_space<hbm>>
        %dma_wait3A_90 = arith.constant 0 : i32
        %dma_wait3A_91 = arith.constant 0 : i32
        %dma_wait3A_92 = tpu.memref_slice %arg6[%run_scoped3A, %dma_wait3A_90, %dma_wait3A_91] : memref<2x128x128xf32, #tpu.memory_space<vmem>> -> memref<1x128x128xf32, #tpu.memory_space<vmem>>
        %dma_wait3A_93 = tpu.memref_squeeze %dma_wait3A_92 : memref<1x128x128xf32, #tpu.memory_space<vmem>> -> memref<128x128xf32, #tpu.memory_space<vmem>>
        tpu.wait_dma2 semaphore(%run_scoped3A_69 : memref<!tpu.dma_semaphore, #tpu.memory_space<semaphore_mem>>) src(%dma_wait3A_93 : memref<128x128xf32, #tpu.memory_space<vmem>>) dst(%dma_wait3A_89 : memref<128x128xf32, #tpu.memory_space<hbm>>)
        tpu.yield
      }) : () -> ()
      %add3A_50 = arith.constant 1 : i32
      %add3A_51 = arith.addi %scan3A_21, %add3A_50 : i32
      %lt3A = arith.constant 3 : i32
      %lt3A_52 = arith.cmpi slt, %add3A_51, %lt3A : i32
      %convert_element_type3A = arith.extui %lt3A_52 : i1 to i32
      %cond3A = arith.constant 0 : i32
      %cond3A_53 = arith.cmpi ne, %convert_element_type3A, %cond3A : i32
      scf.if %cond3A_53 {
        %add3A_69 = arith.constant 2 : i32
        %add3A_70 = arith.addi %mul3A_23, %add3A_69 : i32
        %dma_start3A_71 = arith.constant 0 : i32
        %dma_start3A_72 = arith.constant 0 : i32
        %dma_start3A_73 = arith.constant 0 : i32
        %dma_start3A_74 = tpu.memref_slice %arg6[%dma_start3A_71, %dma_start3A_72, %dma_start3A_73] : memref<2x128x128xf32, #tpu.memory_space<vmem>> -> memref<1x128x128xf32, #tpu.memory_space<vmem>>
        %dma_start3A_75 = tpu.memref_squeeze %dma_start3A_74 : memref<1x128x128xf32, #tpu.memory_space<vmem>> -> memref<128x128xf32, #tpu.memory_space<vmem>>
        %dma_start3A_76 = arith.constant 0 : i32
        %dma_start3A_77 = tpu.memref_slice %arg5[%add3A_70, %dma_start3A_76] : memref<8x128xi32, #tpu.memory_space<vmem>> -> memref<1x128xi32, #tpu.memory_space<vmem>>
        %dma_start3A_78 = tpu.memref_squeeze %dma_start3A_77 : memref<1x128xi32, #tpu.memory_space<vmem>> -> memref<128xi32, #tpu.memory_space<vmem>>
        %dma_start3A_79 = arith.constant 0 : i32
        %dma_start3A_80 = arith.constant 0 : i32
        %dma_start3A_81 = tpu.memref_slice %arg2[%dma_start3A_79, %dma_start3A_80] : memref<100000x128xf32, #tpu.memory_space<hbm>> -> memref<100000x128xf32, #tpu.memory_space<hbm>>
        tpu.enqueue_indirect_dma source(%dma_start3A_81 : memref<100000x128xf32, #tpu.memory_space<hbm>>) target(%dma_start3A_75 : memref<128x128xf32, #tpu.memory_space<vmem>>) offsets(%dma_start3A_78 : memref<128xi32, #tpu.memory_space<vmem>>) semaphore(%arg7 : memref<!tpu.dma_semaphore, #tpu.memory_space<semaphore_mem>>)
      } else {
      }
      %dma_wait3A_54 = arith.constant 1 : i32
      %dma_wait3A_55 = arith.constant 0 : i32
      %dma_wait3A_56 = arith.constant 0 : i32
      %dma_wait3A_57 = tpu.memref_slice %arg6[%dma_wait3A_54, %dma_wait3A_55, %dma_wait3A_56] : memref<2x128x128xf32, #tpu.memory_space<vmem>> -> memref<1x128x128xf32, #tpu.memory_space<vmem>>
      %dma_wait3A_58 = tpu.memref_squeeze %dma_wait3A_57 : memref<1x128x128xf32, #tpu.memory_space<vmem>> -> memref<128x128xf32, #tpu.memory_space<vmem>>
      %dma_wait3A_59 = arith.constant 0 : i32
      %dma_wait3A_60 = tpu.memref_slice %arg5[%add3A_25, %dma_wait3A_59] : memref<8x128xi32, #tpu.memory_space<vmem>> -> memref<1x128xi32, #tpu.memory_space<vmem>>
      %dma_wait3A_61 = tpu.memref_squeeze %dma_wait3A_60 : memref<1x128xi32, #tpu.memory_space<vmem>> -> memref<128xi32, #tpu.memory_space<vmem>>
      %dma_wait3A_62 = arith.constant 0 : i32
      %dma_wait3A_63 = arith.constant 0 : i32
      %dma_wait3A_64 = tpu.memref_slice %arg2[%dma_wait3A_62, %dma_wait3A_63] : memref<100000x128xf32, #tpu.memory_space<hbm>> -> memref<100000x128xf32, #tpu.memory_space<hbm>>
      tpu.wait_indirect_dma semaphore(%arg8 : memref<!tpu.dma_semaphore, #tpu.memory_space<semaphore_mem>>) src(%dma_wait3A_64 : memref<100000x128xf32, #tpu.memory_space<hbm>>) dst(%dma_wait3A_58 : memref<128x128xf32, #tpu.memory_space<vmem>>)
      %mul3A_65 = arith.constant 128 : i32
      %mul3A_66 = arith.muli %add3A_25, %mul3A_65 : i32
      %add3A_67 = arith.addi %mul3A_2, %mul3A_66 : i32
      %run_scoped3A_68 = arith.constant 1 : i32
      "tpu.region"() ({
        %run_scoped3A_69 = tpu.sem_alloc : memref<!tpu.dma_semaphore, #tpu.memory_space<semaphore_mem>>
        %dma_start3A_70 = arith.constant 0 : i32
        %dma_start3A_71 = arith.constant 0 : i32
        %dma_start3A_72 = tpu.memref_slice %arg6[%run_scoped3A_68, %dma_start3A_70, %dma_start3A_71] : memref<2x128x128xf32, #tpu.memory_space<vmem>> -> memref<1x128x128xf32, #tpu.memory_space<vmem>>
        %dma_start3A_73 = tpu.memref_squeeze %dma_start3A_72 : memref<1x128x128xf32, #tpu.memory_space<vmem>> -> memref<128x128xf32, #tpu.memory_space<vmem>>
        %dma_start3A_74 = arith.constant 0 : i32
        %dma_start3A_75 = tpu.memref_slice %arg4[%add3A_67, %dma_start3A_74] : memref<24576x128xf32, #tpu.memory_space<hbm>> -> memref<128x128xf32, #tpu.memory_space<hbm>>
        %dma_start3A_76 = arith.constant 0 : i32
        %dma_start3A_77 = tpu.memref_slice %arg4[%add3A_67, %dma_start3A_76] : memref<24576x128xf32, #tpu.memory_space<hbm>> -> memref<128x128xf32, #tpu.memory_space<hbm>>
        %dma_start3A_78 = arith.constant 0 : i32
        %dma_start3A_79 = arith.constant 0 : i32
        %dma_start3A_80 = tpu.memref_slice %arg6[%run_scoped3A_68, %dma_start3A_78, %dma_start3A_79] : memref<2x128x128xf32, #tpu.memory_space<vmem>> -> memref<1x128x128xf32, #tpu.memory_space<vmem>>
        %dma_start3A_81 = tpu.memref_squeeze %dma_start3A_80 : memref<1x128x128xf32, #tpu.memory_space<vmem>> -> memref<128x128xf32, #tpu.memory_space<vmem>>
        tpu.enqueue_dma source(%dma_start3A_81 : memref<128x128xf32, #tpu.memory_space<vmem>>) target(%dma_start3A_77 : memref<128x128xf32, #tpu.memory_space<hbm>>) target_semaphore(%run_scoped3A_69 : memref<!tpu.dma_semaphore, #tpu.memory_space<semaphore_mem>>)
        %dma_wait3A_82 = arith.constant 0 : i32
        %dma_wait3A_83 = arith.constant 0 : i32
        %dma_wait3A_84 = tpu.memref_slice %arg6[%run_scoped3A_68, %dma_wait3A_82, %dma_wait3A_83] : memref<2x128x128xf32, #tpu.memory_space<vmem>> -> memref<1x128x128xf32, #tpu.memory_space<vmem>>
        %dma_wait3A_85 = tpu.memref_squeeze %dma_wait3A_84 : memref<1x128x128xf32, #tpu.memory_space<vmem>> -> memref<128x128xf32, #tpu.memory_space<vmem>>
        %dma_wait3A_86 = arith.constant 0 : i32
        %dma_wait3A_87 = tpu.memref_slice %arg4[%add3A_67, %dma_wait3A_86] : memref<24576x128xf32, #tpu.memory_space<hbm>> -> memref<128x128xf32, #tpu.memory_space<hbm>>
        %dma_wait3A_88 = arith.constant 0 : i32
        %dma_wait3A_89 = tpu.memref_slice %arg4[%add3A_67, %dma_wait3A_88] : memref<24576x128xf32, #tpu.memory_space<hbm>> -> memref<128x128xf32, #tpu.memory_space<hbm>>
        %dma_wait3A_90 = arith.constant 0 : i32
        %dma_wait3A_91 = arith.constant 0 : i32
        %dma_wait3A_92 = tpu.memref_slice %arg6[%run_scoped3A_68, %dma_wait3A_90, %dma_wait3A_91] : memref<2x128x128xf32, #tpu.memory_space<vmem>> -> memref<1x128x128xf32, #tpu.memory_space<vmem>>
        %dma_wait3A_93 = tpu.memref_squeeze %dma_wait3A_92 : memref<1x128x128xf32, #tpu.memory_space<vmem>> -> memref<128x128xf32, #tpu.memory_space<vmem>>
        tpu.wait_dma2 semaphore(%run_scoped3A_69 : memref<!tpu.dma_semaphore, #tpu.memory_space<semaphore_mem>>) src(%dma_wait3A_93 : memref<128x128xf32, #tpu.memory_space<vmem>>) dst(%dma_wait3A_89 : memref<128x128xf32, #tpu.memory_space<hbm>>)
        tpu.yield
      }) : () -> ()
    }
    %scan3A_20 = arith.constant 3 : i32
    return
  }
}

module attributes {stable_mosaic.version = 14 : i64} {
  func.func @_finish_body(%arg0: memref<768x128xf32, #tpu.memory_space<vmem>>, %arg1: memref<768x128xf32, #tpu.memory_space<vmem>>, %arg2: memref<768x128xf32, #tpu.memory_space<vmem>>, %arg3: memref<768x128xf32, #tpu.memory_space<vmem>>, %arg4: memref<8x128xf32, #tpu.memory_space<vmem>>, %arg5: memref<8x128xf32, #tpu.memory_space<vmem>>, %arg6: memref<768x128xf32, #tpu.memory_space<vmem>>, %arg7: memref<768x128xf32, #tpu.memory_space<vmem>>, %arg8: memref<768x128xf32, #tpu.memory_space<vmem>>, %arg9: memref<768x128xf32, #tpu.memory_space<vmem>>, %arg10: memref<8x128xf32, #tpu.memory_space<vmem>>, %arg11: memref<8x128xf32, #tpu.memory_space<vmem>>, %arg12: memref<384x128xf32, #tpu.memory_space<vmem>>, %arg13: memref<1x384xf32, #tpu.memory_space<vmem>>, %arg14: memref<128x128xf32, #tpu.memory_space<vmem>>, %arg15: memref<1x128xf32, #tpu.memory_space<vmem>>, %arg16: memref<128x128xf32, #tpu.memory_space<vmem>>, %arg17: memref<1x128xf32, #tpu.memory_space<vmem>>, %arg18: memref<1x128xf32, #tpu.memory_space<vmem>>) attributes {dimension_semantics = [], scalar_prefetch = 0 : i64, scratch_operands = 0 : i64, tpu.core_type = #tpu.core_type<tc>} {
    %get3A = arith.constant 256 : index
    %get3A_0 = arith.constant 0 : index
    %get3A_1 = vector.load %arg1[%get3A, %get3A_0] : memref<768x128xf32, #tpu.memory_space<vmem>>, vector<512x128xf32>
    %get3A_2 = arith.constant 0 : index
    %get3A_3 = arith.constant 0 : index
    %get3A_4 = vector.load %arg12[%get3A_2, %get3A_3] : memref<384x128xf32, #tpu.memory_space<vmem>>, vector<384x128xf32>
    %dot_general3A = arith.constant dense<0.000000e+00> : vector<512x384xf32>
    %dot_general3A_5 = tpu.matmul %get3A_1, %get3A_4, %dot_general3A {dimension_numbers = #tpu.dot_dimension_numbers<[1], [1], [0], [0], [0, 0, 1, 0], [], []>, transpose_lhs_hint = false} : vector<512x128xf32>, vector<384x128xf32>, vector<512x384xf32> -> vector<512x384xf32>
    %get3A_6 = arith.constant 0 : index
    %get3A_7 = arith.constant 0 : index
    %get3A_8 = vector.load %arg13[%get3A_6, %get3A_7] : memref<1x384xf32, #tpu.memory_space<vmem>>, vector<1x384xf32>
    %add3A = vector.broadcast %get3A_8 : vector<1x384xf32> to vector<512x384xf32>
    %add3A_9 = arith.addf %dot_general3A_5, %add3A : vector<512x384xf32>
    %get3A_10 = arith.constant 256 : index
    %get3A_11 = arith.constant 0 : index
    %get3A_12 = vector.load %arg3[%get3A_10, %get3A_11] : memref<768x128xf32, #tpu.memory_space<vmem>>, vector<512x128xf32>
    %slice3A = vector.extract_strided_slice %add3A_9 {offsets = [0, 0], sizes = [512, 128], strides = [1, 1]} : vector<512x384xf32> to vector<512x128xf32>
    %slice3A_13 = vector.extract_strided_slice %add3A_9 {offsets = [0, 128], sizes = [512, 128], strides = [1, 1]} : vector<512x384xf32> to vector<512x128xf32>
    %slice3A_14 = vector.extract_strided_slice %add3A_9 {offsets = [0, 256], sizes = [512, 128], strides = [1, 1]} : vector<512x384xf32> to vector<512x128xf32>
    %logistic3A = arith.negf %slice3A : vector<512x128xf32>
    %logistic3A_15 = math.exp %logistic3A : vector<512x128xf32>
    %logistic3A_16 = arith.constant 1.000000e+00 : f32
    %logistic3A_17 = vector.broadcast %logistic3A_16 : f32 to vector<512x128xf32>
    %logistic3A_18 = arith.addf %logistic3A_17, %logistic3A_15 : vector<512x128xf32>
    %logistic3A_19 = arith.divf %logistic3A_17, %logistic3A_18 : vector<512x128xf32>
    %tanh3A = math.tanh %slice3A_14 : vector<512x128xf32>
    %mul3A = arith.mulf %logistic3A_19, %tanh3A : vector<512x128xf32>
    %add3A_20 = arith.addf %mul3A, %get3A_12 : vector<512x128xf32>
    %logistic3A_21 = arith.negf %slice3A_13 : vector<512x128xf32>
    %logistic3A_22 = math.exp %logistic3A_21 : vector<512x128xf32>
    %logistic3A_23 = arith.constant 1.000000e+00 : f32
    %logistic3A_24 = vector.broadcast %logistic3A_23 : f32 to vector<512x128xf32>
    %logistic3A_25 = arith.addf %logistic3A_24, %logistic3A_22 : vector<512x128xf32>
    %logistic3A_26 = arith.divf %logistic3A_24, %logistic3A_25 : vector<512x128xf32>
    %tanh3A_27 = math.tanh %add3A_20 : vector<512x128xf32>
    %mul3A_28 = arith.mulf %logistic3A_26, %tanh3A_27 : vector<512x128xf32>
    %iota3A = tpu.iota {dimensions = array<i32: 0>} : vector<512x1xi32>
    %add3A_29 = arith.constant 1057 : i32
    %add3A_30 = vector.broadcast %add3A_29 : i32 to vector<512x1xi32>
    %add3A_31 = arith.addi %add3A_30, %iota3A : vector<512x1xi32>
    %lt3A = arith.constant 1563 : i32
    %lt3A_32 = vector.broadcast %lt3A : i32 to vector<512x1xi32>
    %lt3A_33 = arith.cmpi slt, %add3A_31, %lt3A_32 : vector<512x1xi32>
    %jit3A = arith.constant 0.000000e+00 : f32
    %broadcast_in_dim3A = vector.shape_cast %lt3A_33 : vector<512x1xi1> to vector<512x1xi1>
    %broadcast_in_dim3A_34 = vector.broadcast %broadcast_in_dim3A : vector<512x1xi1> to vector<512x128xi1>
    %broadcast_in_dim3A_35 = vector.broadcast %jit3A : f32 to vector<512x128xf32>
    %select_n3A = arith.select %broadcast_in_dim3A_34, %mul3A_28, %broadcast_in_dim3A_35 : vector<512x128xi1>, vector<512x128xf32>
    %jit3A_36 = arith.constant 0.000000e+00 : f32
    %broadcast_in_dim3A_37 = vector.shape_cast %lt3A_33 : vector<512x1xi1> to vector<512x1xi1>
    %broadcast_in_dim3A_38 = vector.broadcast %broadcast_in_dim3A_37 : vector<512x1xi1> to vector<512x128xi1>
    %broadcast_in_dim3A_39 = vector.broadcast %jit3A_36 : f32 to vector<512x128xf32>
    %select_n3A_40 = arith.select %broadcast_in_dim3A_38, %add3A_20, %broadcast_in_dim3A_39 : vector<512x128xi1>, vector<512x128xf32>
    %get3A_41 = arith.constant 0 : index
    %get3A_42 = arith.constant 0 : index
    %get3A_43 = vector.load %arg14[%get3A_41, %get3A_42] : memref<128x128xf32, #tpu.memory_space<vmem>>, vector<128x128xf32>
    %dot_general3A_44 = arith.constant dense<0.000000e+00> : vector<512x128xf32>
    %dot_general3A_45 = tpu.matmul %select_n3A, %get3A_43, %dot_general3A_44 {dimension_numbers = #tpu.dot_dimension_numbers<[1], [1], [0], [0], [0, 0, 1, 0], [], []>, transpose_lhs_hint = false} : vector<512x128xf32>, vector<128x128xf32>, vector<512x128xf32> -> vector<512x128xf32>
    %get3A_46 = arith.constant 0 : index
    %get3A_47 = arith.constant 0 : index
    %get3A_48 = vector.load %arg15[%get3A_46, %get3A_47] : memref<1x128xf32, #tpu.memory_space<vmem>>, vector<1x128xf32>
    %add3A_49 = vector.broadcast %get3A_48 : vector<1x128xf32> to vector<512x128xf32>
    %add3A_50 = arith.addf %dot_general3A_45, %add3A_49 : vector<512x128xf32>
    %logistic3A_51 = arith.negf %add3A_50 : vector<512x128xf32>
    %logistic3A_52 = math.exp %logistic3A_51 : vector<512x128xf32>
    %logistic3A_53 = arith.constant 1.000000e+00 : f32
    %logistic3A_54 = vector.broadcast %logistic3A_53 : f32 to vector<512x128xf32>
    %logistic3A_55 = arith.addf %logistic3A_54, %logistic3A_52 : vector<512x128xf32>
    %logistic3A_56 = arith.divf %logistic3A_54, %logistic3A_55 : vector<512x128xf32>
    %reshape3A = vector.shape_cast %select_n3A : vector<512x128xf32> to vector<16x32x128xf32>
    %reduce_sum3A = arith.constant dense<0.000000e+00> : vector<16x128xf32>
    %reduce_sum3A_57 = vector.multi_reduction <add>, %reshape3A, %reduce_sum3A [1] : vector<16x32x128xf32> to vector<16x128xf32>
    %mul3A_58 = arith.mulf %logistic3A_56, %select_n3A_40 : vector<512x128xf32>
    %reshape3A_59 = vector.shape_cast %mul3A_58 : vector<512x128xf32> to vector<16x32x128xf32>
    %reduce_sum3A_60 = arith.constant dense<0.000000e+00> : vector<16x128xf32>
    %reduce_sum3A_61 = vector.multi_reduction <add>, %reshape3A_59, %reduce_sum3A_60 [1] : vector<16x32x128xf32> to vector<16x128xf32>
    %get3A_62 = arith.constant 0 : index
    %get3A_63 = arith.constant 0 : index
    %get3A_64 = vector.load %arg0[%get3A_62, %get3A_63] : memref<768x128xf32, #tpu.memory_space<vmem>>, vector<16x128xf32>
    %add3A_65 = arith.addf %get3A_64, %reduce_sum3A_57 : vector<16x128xf32>
    %get3A_66 = arith.constant 16 : index
    %get3A_67 = arith.constant 0 : index
    %get3A_68 = vector.load %arg0[%get3A_66, %get3A_67] : memref<768x128xf32, #tpu.memory_space<vmem>>, vector<752x128xf32>
    %get3A_69 = arith.constant 0 : index
    %get3A_70 = arith.constant 0 : index
    %get3A_71 = vector.load %arg1[%get3A_69, %get3A_70] : memref<768x128xf32, #tpu.memory_space<vmem>>, vector<256x128xf32>
    %concatenate3A = tpu.concatenate %add3A_65, %get3A_68, %get3A_71 in 0 : vector<16x128xf32>, vector<752x128xf32>, vector<256x128xf32> -> vector<1024x128xf32>
    %get3A_72 = arith.constant 0 : index
    %get3A_73 = arith.constant 0 : index
    %get3A_74 = vector.load %arg2[%get3A_72, %get3A_73] : memref<768x128xf32, #tpu.memory_space<vmem>>, vector<16x128xf32>
    %add3A_75 = arith.addf %get3A_74, %reduce_sum3A_61 : vector<16x128xf32>
    %get3A_76 = arith.constant 16 : index
    %get3A_77 = arith.constant 0 : index
    %get3A_78 = vector.load %arg2[%get3A_76, %get3A_77] : memref<768x128xf32, #tpu.memory_space<vmem>>, vector<752x128xf32>
    %get3A_79 = arith.constant 0 : index
    %get3A_80 = arith.constant 0 : index
    %get3A_81 = vector.load %arg3[%get3A_79, %get3A_80] : memref<768x128xf32, #tpu.memory_space<vmem>>, vector<256x128xf32>
    %concatenate3A_82 = tpu.concatenate %add3A_75, %get3A_78, %get3A_81 in 0 : vector<16x128xf32>, vector<752x128xf32>, vector<256x128xf32> -> vector<1024x128xf32>
    %get3A_83 = arith.constant 0 : index
    %get3A_84 = arith.constant 0 : index
    %get3A_85 = vector.load %arg12[%get3A_83, %get3A_84] : memref<384x128xf32, #tpu.memory_space<vmem>>, vector<384x128xf32>
    %dot_general3A_86 = arith.constant dense<0.000000e+00> : vector<1024x384xf32>
    %dot_general3A_87 = tpu.matmul %concatenate3A, %get3A_85, %dot_general3A_86 {dimension_numbers = #tpu.dot_dimension_numbers<[1], [1], [0], [0], [0, 0, 1, 0], [], []>, transpose_lhs_hint = false} : vector<1024x128xf32>, vector<384x128xf32>, vector<1024x384xf32> -> vector<1024x384xf32>
    %get3A_88 = arith.constant 0 : index
    %get3A_89 = arith.constant 0 : index
    %get3A_90 = vector.load %arg13[%get3A_88, %get3A_89] : memref<1x384xf32, #tpu.memory_space<vmem>>, vector<1x384xf32>
    %add3A_91 = vector.broadcast %get3A_90 : vector<1x384xf32> to vector<1024x384xf32>
    %add3A_92 = arith.addf %dot_general3A_87, %add3A_91 : vector<1024x384xf32>
    %slice3A_93 = vector.extract_strided_slice %add3A_92 {offsets = [0, 0], sizes = [1024, 128], strides = [1, 1]} : vector<1024x384xf32> to vector<1024x128xf32>
    %slice3A_94 = vector.extract_strided_slice %add3A_92 {offsets = [0, 128], sizes = [1024, 128], strides = [1, 1]} : vector<1024x384xf32> to vector<1024x128xf32>
    %slice3A_95 = vector.extract_strided_slice %add3A_92 {offsets = [0, 256], sizes = [1024, 128], strides = [1, 1]} : vector<1024x384xf32> to vector<1024x128xf32>
    %logistic3A_96 = arith.negf %slice3A_93 : vector<1024x128xf32>
    %logistic3A_97 = math.exp %logistic3A_96 : vector<1024x128xf32>
    %logistic3A_98 = arith.constant 1.000000e+00 : f32
    %logistic3A_99 = vector.broadcast %logistic3A_98 : f32 to vector<1024x128xf32>
    %logistic3A_100 = arith.addf %logistic3A_99, %logistic3A_97 : vector<1024x128xf32>
    %logistic3A_101 = arith.divf %logistic3A_99, %logistic3A_100 : vector<1024x128xf32>
    %tanh3A_102 = math.tanh %slice3A_95 : vector<1024x128xf32>
    %mul3A_103 = arith.mulf %logistic3A_101, %tanh3A_102 : vector<1024x128xf32>
    %add3A_104 = arith.addf %mul3A_103, %concatenate3A_82 : vector<1024x128xf32>
    %logistic3A_105 = arith.negf %slice3A_94 : vector<1024x128xf32>
    %logistic3A_106 = math.exp %logistic3A_105 : vector<1024x128xf32>
    %logistic3A_107 = arith.constant 1.000000e+00 : f32
    %logistic3A_108 = vector.broadcast %logistic3A_107 : f32 to vector<1024x128xf32>
    %logistic3A_109 = arith.addf %logistic3A_108, %logistic3A_106 : vector<1024x128xf32>
    %logistic3A_110 = arith.divf %logistic3A_108, %logistic3A_109 : vector<1024x128xf32>
    %tanh3A_111 = math.tanh %add3A_104 : vector<1024x128xf32>
    %mul3A_112 = arith.mulf %logistic3A_110, %tanh3A_111 : vector<1024x128xf32>
    %get3A_113 = arith.constant 0 : index
    %get3A_114 = arith.constant 0 : index
    %get3A_115 = vector.load %arg14[%get3A_113, %get3A_114] : memref<128x128xf32, #tpu.memory_space<vmem>>, vector<128x128xf32>
    %dot_general3A_116 = arith.constant dense<0.000000e+00> : vector<1024x128xf32>
    %dot_general3A_117 = tpu.matmul %mul3A_112, %get3A_115, %dot_general3A_116 {dimension_numbers = #tpu.dot_dimension_numbers<[1], [1], [0], [0], [0, 0, 1, 0], [], []>, transpose_lhs_hint = false} : vector<1024x128xf32>, vector<128x128xf32>, vector<1024x128xf32> -> vector<1024x128xf32>
    %get3A_118 = arith.constant 0 : index
    %get3A_119 = arith.constant 0 : index
    %get3A_120 = vector.load %arg15[%get3A_118, %get3A_119] : memref<1x128xf32, #tpu.memory_space<vmem>>, vector<1x128xf32>
    %add3A_121 = vector.broadcast %get3A_120 : vector<1x128xf32> to vector<1024x128xf32>
    %add3A_122 = arith.addf %dot_general3A_117, %add3A_121 : vector<1024x128xf32>
    %logistic3A_123 = arith.negf %add3A_122 : vector<1024x128xf32>
    %logistic3A_124 = math.exp %logistic3A_123 : vector<1024x128xf32>
    %logistic3A_125 = arith.constant 1.000000e+00 : f32
    %logistic3A_126 = vector.broadcast %logistic3A_125 : f32 to vector<1024x128xf32>
    %logistic3A_127 = arith.addf %logistic3A_126, %logistic3A_124 : vector<1024x128xf32>
    %logistic3A_128 = arith.divf %logistic3A_126, %logistic3A_127 : vector<1024x128xf32>
    %reshape3A_129 = vector.shape_cast %mul3A_112 : vector<1024x128xf32> to vector<32x32x128xf32>
    %reduce_sum3A_130 = arith.constant dense<0.000000e+00> : vector<32x128xf32>
    %reduce_sum3A_131 = vector.multi_reduction <add>, %reshape3A_129, %reduce_sum3A_130 [1] : vector<32x32x128xf32> to vector<32x128xf32>
    %mul3A_132 = arith.mulf %logistic3A_128, %add3A_104 : vector<1024x128xf32>
    %reshape3A_133 = vector.shape_cast %mul3A_132 : vector<1024x128xf32> to vector<32x32x128xf32>
    %reduce_sum3A_134 = arith.constant dense<0.000000e+00> : vector<32x128xf32>
    %reduce_sum3A_135 = vector.multi_reduction <add>, %reshape3A_133, %reduce_sum3A_134 [1] : vector<32x32x128xf32> to vector<32x128xf32>
    %get3A_136 = arith.constant 0 : index
    %get3A_137 = arith.constant 0 : index
    %get3A_138 = vector.load %arg12[%get3A_136, %get3A_137] : memref<384x128xf32, #tpu.memory_space<vmem>>, vector<384x128xf32>
    %dot_general3A_139 = arith.constant dense<0.000000e+00> : vector<32x384xf32>
    %dot_general3A_140 = tpu.matmul %reduce_sum3A_131, %get3A_138, %dot_general3A_139 {dimension_numbers = #tpu.dot_dimension_numbers<[1], [1], [0], [0], [0, 0, 1, 0], [], []>, transpose_lhs_hint = false} : vector<32x128xf32>, vector<384x128xf32>, vector<32x384xf32> -> vector<32x384xf32>
    %get3A_141 = arith.constant 0 : index
    %get3A_142 = arith.constant 0 : index
    %get3A_143 = vector.load %arg13[%get3A_141, %get3A_142] : memref<1x384xf32, #tpu.memory_space<vmem>>, vector<1x384xf32>
    %add3A_144 = vector.broadcast %get3A_143 : vector<1x384xf32> to vector<32x384xf32>
    %add3A_145 = arith.addf %dot_general3A_140, %add3A_144 : vector<32x384xf32>
    %slice3A_146 = vector.extract_strided_slice %add3A_145 {offsets = [0, 0], sizes = [32, 128], strides = [1, 1]} : vector<32x384xf32> to vector<32x128xf32>
    %slice3A_147 = vector.extract_strided_slice %add3A_145 {offsets = [0, 128], sizes = [32, 128], strides = [1, 1]} : vector<32x384xf32> to vector<32x128xf32>
    %slice3A_148 = vector.extract_strided_slice %add3A_145 {offsets = [0, 256], sizes = [32, 128], strides = [1, 1]} : vector<32x384xf32> to vector<32x128xf32>
    %logistic3A_149 = arith.negf %slice3A_146 : vector<32x128xf32>
    %logistic3A_150 = math.exp %logistic3A_149 : vector<32x128xf32>
    %logistic3A_151 = arith.constant 1.000000e+00 : f32
    %logistic3A_152 = vector.broadcast %logistic3A_151 : f32 to vector<32x128xf32>
    %logistic3A_153 = arith.addf %logistic3A_152, %logistic3A_150 : vector<32x128xf32>
    %logistic3A_154 = arith.divf %logistic3A_152, %logistic3A_153 : vector<32x128xf32>
    %tanh3A_155 = math.tanh %slice3A_148 : vector<32x128xf32>
    %mul3A_156 = arith.mulf %logistic3A_154, %tanh3A_155 : vector<32x128xf32>
    %add3A_157 = arith.addf %mul3A_156, %reduce_sum3A_135 : vector<32x128xf32>
    %logistic3A_158 = arith.negf %slice3A_147 : vector<32x128xf32>
    %logistic3A_159 = math.exp %logistic3A_158 : vector<32x128xf32>
    %logistic3A_160 = arith.constant 1.000000e+00 : f32
    %logistic3A_161 = vector.broadcast %logistic3A_160 : f32 to vector<32x128xf32>
    %logistic3A_162 = arith.addf %logistic3A_161, %logistic3A_159 : vector<32x128xf32>
    %logistic3A_163 = arith.divf %logistic3A_161, %logistic3A_162 : vector<32x128xf32>
    %tanh3A_164 = math.tanh %add3A_157 : vector<32x128xf32>
    %mul3A_165 = arith.mulf %logistic3A_163, %tanh3A_164 : vector<32x128xf32>
    %get3A_166 = arith.constant 0 : index
    %get3A_167 = arith.constant 0 : index
    %get3A_168 = vector.load %arg14[%get3A_166, %get3A_167] : memref<128x128xf32, #tpu.memory_space<vmem>>, vector<128x128xf32>
    %dot_general3A_169 = arith.constant dense<0.000000e+00> : vector<32x128xf32>
    %dot_general3A_170 = tpu.matmul %mul3A_165, %get3A_168, %dot_general3A_169 {dimension_numbers = #tpu.dot_dimension_numbers<[1], [1], [0], [0], [0, 0, 1, 0], [], []>, transpose_lhs_hint = false} : vector<32x128xf32>, vector<128x128xf32>, vector<32x128xf32> -> vector<32x128xf32>
    %get3A_171 = arith.constant 0 : index
    %get3A_172 = arith.constant 0 : index
    %get3A_173 = vector.load %arg15[%get3A_171, %get3A_172] : memref<1x128xf32, #tpu.memory_space<vmem>>, vector<1x128xf32>
    %add3A_174 = vector.broadcast %get3A_173 : vector<1x128xf32> to vector<32x128xf32>
    %add3A_175 = arith.addf %dot_general3A_170, %add3A_174 : vector<32x128xf32>
    %logistic3A_176 = arith.negf %add3A_175 : vector<32x128xf32>
    %logistic3A_177 = math.exp %logistic3A_176 : vector<32x128xf32>
    %logistic3A_178 = arith.constant 1.000000e+00 : f32
    %logistic3A_179 = vector.broadcast %logistic3A_178 : f32 to vector<32x128xf32>
    %logistic3A_180 = arith.addf %logistic3A_179, %logistic3A_177 : vector<32x128xf32>
    %logistic3A_181 = arith.divf %logistic3A_179, %logistic3A_180 : vector<32x128xf32>
    %reduce_sum3A_182 = arith.constant dense<0.000000e+00> : vector<128xf32>
    %reduce_sum3A_183 = vector.multi_reduction <add>, %mul3A_165, %reduce_sum3A_182 [0] : vector<32x128xf32> to vector<128xf32>
    %broadcast_in_dim3A_184 = vector.shape_cast %reduce_sum3A_183 : vector<128xf32> to vector<1x128xf32>
    %mul3A_185 = arith.mulf %logistic3A_181, %add3A_157 : vector<32x128xf32>
    %reduce_sum3A_186 = arith.constant dense<0.000000e+00> : vector<128xf32>
    %reduce_sum3A_187 = vector.multi_reduction <add>, %mul3A_185, %reduce_sum3A_186 [0] : vector<32x128xf32> to vector<128xf32>
    %broadcast_in_dim3A_188 = vector.shape_cast %reduce_sum3A_187 : vector<128xf32> to vector<1x128xf32>
    %get3A_189 = arith.constant 0 : index
    %get3A_190 = arith.constant 0 : index
    %get3A_191 = vector.load %arg12[%get3A_189, %get3A_190] : memref<384x128xf32, #tpu.memory_space<vmem>>, vector<384x128xf32>
    %dot_general3A_192 = arith.constant dense<0.000000e+00> : vector<1x384xf32>
    %dot_general3A_193 = tpu.matmul %broadcast_in_dim3A_184, %get3A_191, %dot_general3A_192 {dimension_numbers = #tpu.dot_dimension_numbers<[1], [1], [0], [0], [0, 0, 1, 0], [], []>, transpose_lhs_hint = false} : vector<1x128xf32>, vector<384x128xf32>, vector<1x384xf32> -> vector<1x384xf32>
    %get3A_194 = arith.constant 0 : index
    %get3A_195 = arith.constant 0 : index
    %get3A_196 = vector.load %arg13[%get3A_194, %get3A_195] : memref<1x384xf32, #tpu.memory_space<vmem>>, vector<1x384xf32>
    %add3A_197 = arith.addf %dot_general3A_193, %get3A_196 : vector<1x384xf32>
    %slice3A_198 = vector.extract_strided_slice %add3A_197 {offsets = [0, 0], sizes = [1, 128], strides = [1, 1]} : vector<1x384xf32> to vector<1x128xf32>
    %slice3A_199 = vector.extract_strided_slice %add3A_197 {offsets = [0, 128], sizes = [1, 128], strides = [1, 1]} : vector<1x384xf32> to vector<1x128xf32>
    %slice3A_200 = vector.extract_strided_slice %add3A_197 {offsets = [0, 256], sizes = [1, 128], strides = [1, 1]} : vector<1x384xf32> to vector<1x128xf32>
    %logistic3A_201 = arith.negf %slice3A_198 : vector<1x128xf32>
    %logistic3A_202 = math.exp %logistic3A_201 : vector<1x128xf32>
    %logistic3A_203 = arith.constant 1.000000e+00 : f32
    %logistic3A_204 = vector.broadcast %logistic3A_203 : f32 to vector<1x128xf32>
    %logistic3A_205 = arith.addf %logistic3A_204, %logistic3A_202 : vector<1x128xf32>
    %logistic3A_206 = arith.divf %logistic3A_204, %logistic3A_205 : vector<1x128xf32>
    %tanh3A_207 = math.tanh %slice3A_200 : vector<1x128xf32>
    %mul3A_208 = arith.mulf %logistic3A_206, %tanh3A_207 : vector<1x128xf32>
    %add3A_209 = arith.addf %mul3A_208, %broadcast_in_dim3A_188 : vector<1x128xf32>
    %logistic3A_210 = arith.negf %slice3A_199 : vector<1x128xf32>
    %logistic3A_211 = math.exp %logistic3A_210 : vector<1x128xf32>
    %logistic3A_212 = arith.constant 1.000000e+00 : f32
    %logistic3A_213 = vector.broadcast %logistic3A_212 : f32 to vector<1x128xf32>
    %logistic3A_214 = arith.addf %logistic3A_213, %logistic3A_211 : vector<1x128xf32>
    %logistic3A_215 = arith.divf %logistic3A_213, %logistic3A_214 : vector<1x128xf32>
    %tanh3A_216 = math.tanh %add3A_209 : vector<1x128xf32>
    %mul3A_217 = arith.mulf %logistic3A_215, %tanh3A_216 : vector<1x128xf32>
    %get3A_218 = arith.constant 0 : index
    %get3A_219 = arith.constant 0 : index
    %get3A_220 = vector.load %arg4[%get3A_218, %get3A_219] : memref<8x128xf32, #tpu.memory_space<vmem>>, vector<8x128xf32>
    %get3A_221 = arith.constant 0 : index
    %get3A_222 = arith.constant 0 : index
    %get3A_223 = vector.load %arg5[%get3A_221, %get3A_222] : memref<8x128xf32, #tpu.memory_space<vmem>>, vector<8x128xf32>
    %add3A_224 = arith.addf %get3A_220, %get3A_223 : vector<8x128xf32>
    %reduce_sum3A_225 = arith.constant dense<0.000000e+00> : vector<128xf32>
    %reduce_sum3A_226 = vector.multi_reduction <add>, %add3A_224, %reduce_sum3A_225 [0] : vector<8x128xf32> to vector<128xf32>
    %broadcast_in_dim3A_227 = vector.shape_cast %reduce_sum3A_226 : vector<128xf32> to vector<1x128xf32>
    %reduce_sum3A_228 = arith.constant dense<0.000000e+00> : vector<128xf32>
    %reduce_sum3A_229 = vector.multi_reduction <add>, %select_n3A, %reduce_sum3A_228 [0] : vector<512x128xf32> to vector<128xf32>
    %broadcast_in_dim3A_230 = vector.shape_cast %reduce_sum3A_229 : vector<128xf32> to vector<1x128xf32>
    %add3A_231 = arith.addf %broadcast_in_dim3A_227, %broadcast_in_dim3A_230 : vector<1x128xf32>
    %reduce_sum3A_232 = arith.constant dense<0.000000e+00> : vector<128xf32>
    %reduce_sum3A_233 = vector.multi_reduction <add>, %mul3A_112, %reduce_sum3A_232 [0] : vector<1024x128xf32> to vector<128xf32>
    %broadcast_in_dim3A_234 = vector.shape_cast %reduce_sum3A_233 : vector<128xf32> to vector<1x128xf32>
    %add3A_235 = arith.addf %add3A_231, %broadcast_in_dim3A_234 : vector<1x128xf32>
    %reduce_sum3A_236 = arith.constant dense<0.000000e+00> : vector<128xf32>
    %reduce_sum3A_237 = vector.multi_reduction <add>, %mul3A_165, %reduce_sum3A_236 [0] : vector<32x128xf32> to vector<128xf32>
    %broadcast_in_dim3A_238 = vector.shape_cast %reduce_sum3A_237 : vector<128xf32> to vector<1x128xf32>
    %add3A_239 = arith.addf %add3A_235, %broadcast_in_dim3A_238 : vector<1x128xf32>
    %add3A_240 = arith.addf %add3A_239, %mul3A_217 : vector<1x128xf32>
    %mul3A_241 = arith.constant 2.000000e-05 : f32
    %mul3A_242 = vector.broadcast %mul3A_241 : f32 to vector<1x128xf32>
    %mul3A_243 = arith.mulf %add3A_240, %mul3A_242 : vector<1x128xf32>
    %get3A_244 = arith.constant 256 : index
    %get3A_245 = arith.constant 0 : index
    %get3A_246 = vector.load %arg7[%get3A_244, %get3A_245] : memref<768x128xf32, #tpu.memory_space<vmem>>, vector<512x128xf32>
    %get3A_247 = arith.constant 0 : index
    %get3A_248 = arith.constant 0 : index
    %get3A_249 = vector.load %arg12[%get3A_247, %get3A_248] : memref<384x128xf32, #tpu.memory_space<vmem>>, vector<384x128xf32>
    %dot_general3A_250 = arith.constant dense<0.000000e+00> : vector<512x384xf32>
    %dot_general3A_251 = tpu.matmul %get3A_246, %get3A_249, %dot_general3A_250 {dimension_numbers = #tpu.dot_dimension_numbers<[1], [1], [0], [0], [0, 0, 1, 0], [], []>, transpose_lhs_hint = false} : vector<512x128xf32>, vector<384x128xf32>, vector<512x384xf32> -> vector<512x384xf32>
    %get3A_252 = arith.constant 0 : index
    %get3A_253 = arith.constant 0 : index
    %get3A_254 = vector.load %arg13[%get3A_252, %get3A_253] : memref<1x384xf32, #tpu.memory_space<vmem>>, vector<1x384xf32>
    %add3A_255 = vector.broadcast %get3A_254 : vector<1x384xf32> to vector<512x384xf32>
    %add3A_256 = arith.addf %dot_general3A_251, %add3A_255 : vector<512x384xf32>
    %get3A_257 = arith.constant 256 : index
    %get3A_258 = arith.constant 0 : index
    %get3A_259 = vector.load %arg9[%get3A_257, %get3A_258] : memref<768x128xf32, #tpu.memory_space<vmem>>, vector<512x128xf32>
    %slice3A_260 = vector.extract_strided_slice %add3A_256 {offsets = [0, 0], sizes = [512, 128], strides = [1, 1]} : vector<512x384xf32> to vector<512x128xf32>
    %slice3A_261 = vector.extract_strided_slice %add3A_256 {offsets = [0, 128], sizes = [512, 128], strides = [1, 1]} : vector<512x384xf32> to vector<512x128xf32>
    %slice3A_262 = vector.extract_strided_slice %add3A_256 {offsets = [0, 256], sizes = [512, 128], strides = [1, 1]} : vector<512x384xf32> to vector<512x128xf32>
    %logistic3A_263 = arith.negf %slice3A_260 : vector<512x128xf32>
    %logistic3A_264 = math.exp %logistic3A_263 : vector<512x128xf32>
    %logistic3A_265 = arith.constant 1.000000e+00 : f32
    %logistic3A_266 = vector.broadcast %logistic3A_265 : f32 to vector<512x128xf32>
    %logistic3A_267 = arith.addf %logistic3A_266, %logistic3A_264 : vector<512x128xf32>
    %logistic3A_268 = arith.divf %logistic3A_266, %logistic3A_267 : vector<512x128xf32>
    %tanh3A_269 = math.tanh %slice3A_262 : vector<512x128xf32>
    %mul3A_270 = arith.mulf %logistic3A_268, %tanh3A_269 : vector<512x128xf32>
    %add3A_271 = arith.addf %mul3A_270, %get3A_259 : vector<512x128xf32>
    %logistic3A_272 = arith.negf %slice3A_261 : vector<512x128xf32>
    %logistic3A_273 = math.exp %logistic3A_272 : vector<512x128xf32>
    %logistic3A_274 = arith.constant 1.000000e+00 : f32
    %logistic3A_275 = vector.broadcast %logistic3A_274 : f32 to vector<512x128xf32>
    %logistic3A_276 = arith.addf %logistic3A_275, %logistic3A_273 : vector<512x128xf32>
    %logistic3A_277 = arith.divf %logistic3A_275, %logistic3A_276 : vector<512x128xf32>
    %tanh3A_278 = math.tanh %add3A_271 : vector<512x128xf32>
    %mul3A_279 = arith.mulf %logistic3A_277, %tanh3A_278 : vector<512x128xf32>
    %iota3A_280 = tpu.iota {dimensions = array<i32: 0>} : vector<512x1xi32>
    %add3A_281 = arith.constant 1057 : i32
    %add3A_282 = vector.broadcast %add3A_281 : i32 to vector<512x1xi32>
    %add3A_283 = arith.addi %add3A_282, %iota3A_280 : vector<512x1xi32>
    %lt3A_284 = arith.constant 1563 : i32
    %lt3A_285 = vector.broadcast %lt3A_284 : i32 to vector<512x1xi32>
    %lt3A_286 = arith.cmpi slt, %add3A_283, %lt3A_285 : vector<512x1xi32>
    %jit3A_287 = arith.constant 0.000000e+00 : f32
    %broadcast_in_dim3A_288 = vector.shape_cast %lt3A_286 : vector<512x1xi1> to vector<512x1xi1>
    %broadcast_in_dim3A_289 = vector.broadcast %broadcast_in_dim3A_288 : vector<512x1xi1> to vector<512x128xi1>
    %broadcast_in_dim3A_290 = vector.broadcast %jit3A_287 : f32 to vector<512x128xf32>
    %select_n3A_291 = arith.select %broadcast_in_dim3A_289, %mul3A_279, %broadcast_in_dim3A_290 : vector<512x128xi1>, vector<512x128xf32>
    %jit3A_292 = arith.constant 0.000000e+00 : f32
    %broadcast_in_dim3A_293 = vector.shape_cast %lt3A_286 : vector<512x1xi1> to vector<512x1xi1>
    %broadcast_in_dim3A_294 = vector.broadcast %broadcast_in_dim3A_293 : vector<512x1xi1> to vector<512x128xi1>
    %broadcast_in_dim3A_295 = vector.broadcast %jit3A_292 : f32 to vector<512x128xf32>
    %select_n3A_296 = arith.select %broadcast_in_dim3A_294, %add3A_271, %broadcast_in_dim3A_295 : vector<512x128xi1>, vector<512x128xf32>
    %get3A_297 = arith.constant 0 : index
    %get3A_298 = arith.constant 0 : index
    %get3A_299 = vector.load %arg14[%get3A_297, %get3A_298] : memref<128x128xf32, #tpu.memory_space<vmem>>, vector<128x128xf32>
    %dot_general3A_300 = arith.constant dense<0.000000e+00> : vector<512x128xf32>
    %dot_general3A_301 = tpu.matmul %select_n3A_291, %get3A_299, %dot_general3A_300 {dimension_numbers = #tpu.dot_dimension_numbers<[1], [1], [0], [0], [0, 0, 1, 0], [], []>, transpose_lhs_hint = false} : vector<512x128xf32>, vector<128x128xf32>, vector<512x128xf32> -> vector<512x128xf32>
    %get3A_302 = arith.constant 0 : index
    %get3A_303 = arith.constant 0 : index
    %get3A_304 = vector.load %arg15[%get3A_302, %get3A_303] : memref<1x128xf32, #tpu.memory_space<vmem>>, vector<1x128xf32>
    %add3A_305 = vector.broadcast %get3A_304 : vector<1x128xf32> to vector<512x128xf32>
    %add3A_306 = arith.addf %dot_general3A_301, %add3A_305 : vector<512x128xf32>
    %logistic3A_307 = arith.negf %add3A_306 : vector<512x128xf32>
    %logistic3A_308 = math.exp %logistic3A_307 : vector<512x128xf32>
    %logistic3A_309 = arith.constant 1.000000e+00 : f32
    %logistic3A_310 = vector.broadcast %logistic3A_309 : f32 to vector<512x128xf32>
    %logistic3A_311 = arith.addf %logistic3A_310, %logistic3A_308 : vector<512x128xf32>
    %logistic3A_312 = arith.divf %logistic3A_310, %logistic3A_311 : vector<512x128xf32>
    %reshape3A_313 = vector.shape_cast %select_n3A_291 : vector<512x128xf32> to vector<16x32x128xf32>
    %reduce_sum3A_314 = arith.constant dense<0.000000e+00> : vector<16x128xf32>
    %reduce_sum3A_315 = vector.multi_reduction <add>, %reshape3A_313, %reduce_sum3A_314 [1] : vector<16x32x128xf32> to vector<16x128xf32>
    %mul3A_316 = arith.mulf %logistic3A_312, %select_n3A_296 : vector<512x128xf32>
    %reshape3A_317 = vector.shape_cast %mul3A_316 : vector<512x128xf32> to vector<16x32x128xf32>
    %reduce_sum3A_318 = arith.constant dense<0.000000e+00> : vector<16x128xf32>
    %reduce_sum3A_319 = vector.multi_reduction <add>, %reshape3A_317, %reduce_sum3A_318 [1] : vector<16x32x128xf32> to vector<16x128xf32>
    %get3A_320 = arith.constant 0 : index
    %get3A_321 = arith.constant 0 : index
    %get3A_322 = vector.load %arg6[%get3A_320, %get3A_321] : memref<768x128xf32, #tpu.memory_space<vmem>>, vector<16x128xf32>
    %add3A_323 = arith.addf %get3A_322, %reduce_sum3A_315 : vector<16x128xf32>
    %get3A_324 = arith.constant 16 : index
    %get3A_325 = arith.constant 0 : index
    %get3A_326 = vector.load %arg6[%get3A_324, %get3A_325] : memref<768x128xf32, #tpu.memory_space<vmem>>, vector<752x128xf32>
    %get3A_327 = arith.constant 0 : index
    %get3A_328 = arith.constant 0 : index
    %get3A_329 = vector.load %arg7[%get3A_327, %get3A_328] : memref<768x128xf32, #tpu.memory_space<vmem>>, vector<256x128xf32>
    %concatenate3A_330 = tpu.concatenate %add3A_323, %get3A_326, %get3A_329 in 0 : vector<16x128xf32>, vector<752x128xf32>, vector<256x128xf32> -> vector<1024x128xf32>
    %get3A_331 = arith.constant 0 : index
    %get3A_332 = arith.constant 0 : index
    %get3A_333 = vector.load %arg8[%get3A_331, %get3A_332] : memref<768x128xf32, #tpu.memory_space<vmem>>, vector<16x128xf32>
    %add3A_334 = arith.addf %get3A_333, %reduce_sum3A_319 : vector<16x128xf32>
    %get3A_335 = arith.constant 16 : index
    %get3A_336 = arith.constant 0 : index
    %get3A_337 = vector.load %arg8[%get3A_335, %get3A_336] : memref<768x128xf32, #tpu.memory_space<vmem>>, vector<752x128xf32>
    %get3A_338 = arith.constant 0 : index
    %get3A_339 = arith.constant 0 : index
    %get3A_340 = vector.load %arg9[%get3A_338, %get3A_339] : memref<768x128xf32, #tpu.memory_space<vmem>>, vector<256x128xf32>
    %concatenate3A_341 = tpu.concatenate %add3A_334, %get3A_337, %get3A_340 in 0 : vector<16x128xf32>, vector<752x128xf32>, vector<256x128xf32> -> vector<1024x128xf32>
    %get3A_342 = arith.constant 0 : index
    %get3A_343 = arith.constant 0 : index
    %get3A_344 = vector.load %arg12[%get3A_342, %get3A_343] : memref<384x128xf32, #tpu.memory_space<vmem>>, vector<384x128xf32>
    %dot_general3A_345 = arith.constant dense<0.000000e+00> : vector<1024x384xf32>
    %dot_general3A_346 = tpu.matmul %concatenate3A_330, %get3A_344, %dot_general3A_345 {dimension_numbers = #tpu.dot_dimension_numbers<[1], [1], [0], [0], [0, 0, 1, 0], [], []>, transpose_lhs_hint = false} : vector<1024x128xf32>, vector<384x128xf32>, vector<1024x384xf32> -> vector<1024x384xf32>
    %get3A_347 = arith.constant 0 : index
    %get3A_348 = arith.constant 0 : index
    %get3A_349 = vector.load %arg13[%get3A_347, %get3A_348] : memref<1x384xf32, #tpu.memory_space<vmem>>, vector<1x384xf32>
    %add3A_350 = vector.broadcast %get3A_349 : vector<1x384xf32> to vector<1024x384xf32>
    %add3A_351 = arith.addf %dot_general3A_346, %add3A_350 : vector<1024x384xf32>
    %slice3A_352 = vector.extract_strided_slice %add3A_351 {offsets = [0, 0], sizes = [1024, 128], strides = [1, 1]} : vector<1024x384xf32> to vector<1024x128xf32>
    %slice3A_353 = vector.extract_strided_slice %add3A_351 {offsets = [0, 128], sizes = [1024, 128], strides = [1, 1]} : vector<1024x384xf32> to vector<1024x128xf32>
    %slice3A_354 = vector.extract_strided_slice %add3A_351 {offsets = [0, 256], sizes = [1024, 128], strides = [1, 1]} : vector<1024x384xf32> to vector<1024x128xf32>
    %logistic3A_355 = arith.negf %slice3A_352 : vector<1024x128xf32>
    %logistic3A_356 = math.exp %logistic3A_355 : vector<1024x128xf32>
    %logistic3A_357 = arith.constant 1.000000e+00 : f32
    %logistic3A_358 = vector.broadcast %logistic3A_357 : f32 to vector<1024x128xf32>
    %logistic3A_359 = arith.addf %logistic3A_358, %logistic3A_356 : vector<1024x128xf32>
    %logistic3A_360 = arith.divf %logistic3A_358, %logistic3A_359 : vector<1024x128xf32>
    %tanh3A_361 = math.tanh %slice3A_354 : vector<1024x128xf32>
    %mul3A_362 = arith.mulf %logistic3A_360, %tanh3A_361 : vector<1024x128xf32>
    %add3A_363 = arith.addf %mul3A_362, %concatenate3A_341 : vector<1024x128xf32>
    %logistic3A_364 = arith.negf %slice3A_353 : vector<1024x128xf32>
    %logistic3A_365 = math.exp %logistic3A_364 : vector<1024x128xf32>
    %logistic3A_366 = arith.constant 1.000000e+00 : f32
    %logistic3A_367 = vector.broadcast %logistic3A_366 : f32 to vector<1024x128xf32>
    %logistic3A_368 = arith.addf %logistic3A_367, %logistic3A_365 : vector<1024x128xf32>
    %logistic3A_369 = arith.divf %logistic3A_367, %logistic3A_368 : vector<1024x128xf32>
    %tanh3A_370 = math.tanh %add3A_363 : vector<1024x128xf32>
    %mul3A_371 = arith.mulf %logistic3A_369, %tanh3A_370 : vector<1024x128xf32>
    %get3A_372 = arith.constant 0 : index
    %get3A_373 = arith.constant 0 : index
    %get3A_374 = vector.load %arg14[%get3A_372, %get3A_373] : memref<128x128xf32, #tpu.memory_space<vmem>>, vector<128x128xf32>
    %dot_general3A_375 = arith.constant dense<0.000000e+00> : vector<1024x128xf32>
    %dot_general3A_376 = tpu.matmul %mul3A_371, %get3A_374, %dot_general3A_375 {dimension_numbers = #tpu.dot_dimension_numbers<[1], [1], [0], [0], [0, 0, 1, 0], [], []>, transpose_lhs_hint = false} : vector<1024x128xf32>, vector<128x128xf32>, vector<1024x128xf32> -> vector<1024x128xf32>
    %get3A_377 = arith.constant 0 : index
    %get3A_378 = arith.constant 0 : index
    %get3A_379 = vector.load %arg15[%get3A_377, %get3A_378] : memref<1x128xf32, #tpu.memory_space<vmem>>, vector<1x128xf32>
    %add3A_380 = vector.broadcast %get3A_379 : vector<1x128xf32> to vector<1024x128xf32>
    %add3A_381 = arith.addf %dot_general3A_376, %add3A_380 : vector<1024x128xf32>
    %logistic3A_382 = arith.negf %add3A_381 : vector<1024x128xf32>
    %logistic3A_383 = math.exp %logistic3A_382 : vector<1024x128xf32>
    %logistic3A_384 = arith.constant 1.000000e+00 : f32
    %logistic3A_385 = vector.broadcast %logistic3A_384 : f32 to vector<1024x128xf32>
    %logistic3A_386 = arith.addf %logistic3A_385, %logistic3A_383 : vector<1024x128xf32>
    %logistic3A_387 = arith.divf %logistic3A_385, %logistic3A_386 : vector<1024x128xf32>
    %reshape3A_388 = vector.shape_cast %mul3A_371 : vector<1024x128xf32> to vector<32x32x128xf32>
    %reduce_sum3A_389 = arith.constant dense<0.000000e+00> : vector<32x128xf32>
    %reduce_sum3A_390 = vector.multi_reduction <add>, %reshape3A_388, %reduce_sum3A_389 [1] : vector<32x32x128xf32> to vector<32x128xf32>
    %mul3A_391 = arith.mulf %logistic3A_387, %add3A_363 : vector<1024x128xf32>
    %reshape3A_392 = vector.shape_cast %mul3A_391 : vector<1024x128xf32> to vector<32x32x128xf32>
    %reduce_sum3A_393 = arith.constant dense<0.000000e+00> : vector<32x128xf32>
    %reduce_sum3A_394 = vector.multi_reduction <add>, %reshape3A_392, %reduce_sum3A_393 [1] : vector<32x32x128xf32> to vector<32x128xf32>
    %get3A_395 = arith.constant 0 : index
    %get3A_396 = arith.constant 0 : index
    %get3A_397 = vector.load %arg12[%get3A_395, %get3A_396] : memref<384x128xf32, #tpu.memory_space<vmem>>, vector<384x128xf32>
    %dot_general3A_398 = arith.constant dense<0.000000e+00> : vector<32x384xf32>
    %dot_general3A_399 = tpu.matmul %reduce_sum3A_390, %get3A_397, %dot_general3A_398 {dimension_numbers = #tpu.dot_dimension_numbers<[1], [1], [0], [0], [0, 0, 1, 0], [], []>, transpose_lhs_hint = false} : vector<32x128xf32>, vector<384x128xf32>, vector<32x384xf32> -> vector<32x384xf32>
    %get3A_400 = arith.constant 0 : index
    %get3A_401 = arith.constant 0 : index
    %get3A_402 = vector.load %arg13[%get3A_400, %get3A_401] : memref<1x384xf32, #tpu.memory_space<vmem>>, vector<1x384xf32>
    %add3A_403 = vector.broadcast %get3A_402 : vector<1x384xf32> to vector<32x384xf32>
    %add3A_404 = arith.addf %dot_general3A_399, %add3A_403 : vector<32x384xf32>
    %slice3A_405 = vector.extract_strided_slice %add3A_404 {offsets = [0, 0], sizes = [32, 128], strides = [1, 1]} : vector<32x384xf32> to vector<32x128xf32>
    %slice3A_406 = vector.extract_strided_slice %add3A_404 {offsets = [0, 128], sizes = [32, 128], strides = [1, 1]} : vector<32x384xf32> to vector<32x128xf32>
    %slice3A_407 = vector.extract_strided_slice %add3A_404 {offsets = [0, 256], sizes = [32, 128], strides = [1, 1]} : vector<32x384xf32> to vector<32x128xf32>
    %logistic3A_408 = arith.negf %slice3A_405 : vector<32x128xf32>
    %logistic3A_409 = math.exp %logistic3A_408 : vector<32x128xf32>
    %logistic3A_410 = arith.constant 1.000000e+00 : f32
    %logistic3A_411 = vector.broadcast %logistic3A_410 : f32 to vector<32x128xf32>
    %logistic3A_412 = arith.addf %logistic3A_411, %logistic3A_409 : vector<32x128xf32>
    %logistic3A_413 = arith.divf %logistic3A_411, %logistic3A_412 : vector<32x128xf32>
    %tanh3A_414 = math.tanh %slice3A_407 : vector<32x128xf32>
    %mul3A_415 = arith.mulf %logistic3A_413, %tanh3A_414 : vector<32x128xf32>
    %add3A_416 = arith.addf %mul3A_415, %reduce_sum3A_394 : vector<32x128xf32>
    %logistic3A_417 = arith.negf %slice3A_406 : vector<32x128xf32>
    %logistic3A_418 = math.exp %logistic3A_417 : vector<32x128xf32>
    %logistic3A_419 = arith.constant 1.000000e+00 : f32
    %logistic3A_420 = vector.broadcast %logistic3A_419 : f32 to vector<32x128xf32>
    %logistic3A_421 = arith.addf %logistic3A_420, %logistic3A_418 : vector<32x128xf32>
    %logistic3A_422 = arith.divf %logistic3A_420, %logistic3A_421 : vector<32x128xf32>
    %tanh3A_423 = math.tanh %add3A_416 : vector<32x128xf32>
    %mul3A_424 = arith.mulf %logistic3A_422, %tanh3A_423 : vector<32x128xf32>
    %get3A_425 = arith.constant 0 : index
    %get3A_426 = arith.constant 0 : index
    %get3A_427 = vector.load %arg14[%get3A_425, %get3A_426] : memref<128x128xf32, #tpu.memory_space<vmem>>, vector<128x128xf32>
    %dot_general3A_428 = arith.constant dense<0.000000e+00> : vector<32x128xf32>
    %dot_general3A_429 = tpu.matmul %mul3A_424, %get3A_427, %dot_general3A_428 {dimension_numbers = #tpu.dot_dimension_numbers<[1], [1], [0], [0], [0, 0, 1, 0], [], []>, transpose_lhs_hint = false} : vector<32x128xf32>, vector<128x128xf32>, vector<32x128xf32> -> vector<32x128xf32>
    %get3A_430 = arith.constant 0 : index
    %get3A_431 = arith.constant 0 : index
    %get3A_432 = vector.load %arg15[%get3A_430, %get3A_431] : memref<1x128xf32, #tpu.memory_space<vmem>>, vector<1x128xf32>
    %add3A_433 = vector.broadcast %get3A_432 : vector<1x128xf32> to vector<32x128xf32>
    %add3A_434 = arith.addf %dot_general3A_429, %add3A_433 : vector<32x128xf32>
    %logistic3A_435 = arith.negf %add3A_434 : vector<32x128xf32>
    %logistic3A_436 = math.exp %logistic3A_435 : vector<32x128xf32>
    %logistic3A_437 = arith.constant 1.000000e+00 : f32
    %logistic3A_438 = vector.broadcast %logistic3A_437 : f32 to vector<32x128xf32>
    %logistic3A_439 = arith.addf %logistic3A_438, %logistic3A_436 : vector<32x128xf32>
    %logistic3A_440 = arith.divf %logistic3A_438, %logistic3A_439 : vector<32x128xf32>
    %reduce_sum3A_441 = arith.constant dense<0.000000e+00> : vector<128xf32>
    %reduce_sum3A_442 = vector.multi_reduction <add>, %mul3A_424, %reduce_sum3A_441 [0] : vector<32x128xf32> to vector<128xf32>
    %broadcast_in_dim3A_443 = vector.shape_cast %reduce_sum3A_442 : vector<128xf32> to vector<1x128xf32>
    %mul3A_444 = arith.mulf %logistic3A_440, %add3A_416 : vector<32x128xf32>
    %reduce_sum3A_445 = arith.constant dense<0.000000e+00> : vector<128xf32>
    %reduce_sum3A_446 = vector.multi_reduction <add>, %mul3A_444, %reduce_sum3A_445 [0] : vector<32x128xf32> to vector<128xf32>
    %broadcast_in_dim3A_447 = vector.shape_cast %reduce_sum3A_446 : vector<128xf32> to vector<1x128xf32>
    %get3A_448 = arith.constant 0 : index
    %get3A_449 = arith.constant 0 : index
    %get3A_450 = vector.load %arg12[%get3A_448, %get3A_449] : memref<384x128xf32, #tpu.memory_space<vmem>>, vector<384x128xf32>
    %dot_general3A_451 = arith.constant dense<0.000000e+00> : vector<1x384xf32>
    %dot_general3A_452 = tpu.matmul %broadcast_in_dim3A_443, %get3A_450, %dot_general3A_451 {dimension_numbers = #tpu.dot_dimension_numbers<[1], [1], [0], [0], [0, 0, 1, 0], [], []>, transpose_lhs_hint = false} : vector<1x128xf32>, vector<384x128xf32>, vector<1x384xf32> -> vector<1x384xf32>
    %get3A_453 = arith.constant 0 : index
    %get3A_454 = arith.constant 0 : index
    %get3A_455 = vector.load %arg13[%get3A_453, %get3A_454] : memref<1x384xf32, #tpu.memory_space<vmem>>, vector<1x384xf32>
    %add3A_456 = arith.addf %dot_general3A_452, %get3A_455 : vector<1x384xf32>
    %slice3A_457 = vector.extract_strided_slice %add3A_456 {offsets = [0, 0], sizes = [1, 128], strides = [1, 1]} : vector<1x384xf32> to vector<1x128xf32>
    %slice3A_458 = vector.extract_strided_slice %add3A_456 {offsets = [0, 128], sizes = [1, 128], strides = [1, 1]} : vector<1x384xf32> to vector<1x128xf32>
    %slice3A_459 = vector.extract_strided_slice %add3A_456 {offsets = [0, 256], sizes = [1, 128], strides = [1, 1]} : vector<1x384xf32> to vector<1x128xf32>
    %logistic3A_460 = arith.negf %slice3A_457 : vector<1x128xf32>
    %logistic3A_461 = math.exp %logistic3A_460 : vector<1x128xf32>
    %logistic3A_462 = arith.constant 1.000000e+00 : f32
    %logistic3A_463 = vector.broadcast %logistic3A_462 : f32 to vector<1x128xf32>
    %logistic3A_464 = arith.addf %logistic3A_463, %logistic3A_461 : vector<1x128xf32>
    %logistic3A_465 = arith.divf %logistic3A_463, %logistic3A_464 : vector<1x128xf32>
    %tanh3A_466 = math.tanh %slice3A_459 : vector<1x128xf32>
    %mul3A_467 = arith.mulf %logistic3A_465, %tanh3A_466 : vector<1x128xf32>
    %add3A_468 = arith.addf %mul3A_467, %broadcast_in_dim3A_447 : vector<1x128xf32>
    %logistic3A_469 = arith.negf %slice3A_458 : vector<1x128xf32>
    %logistic3A_470 = math.exp %logistic3A_469 : vector<1x128xf32>
    %logistic3A_471 = arith.constant 1.000000e+00 : f32
    %logistic3A_472 = vector.broadcast %logistic3A_471 : f32 to vector<1x128xf32>
    %logistic3A_473 = arith.addf %logistic3A_472, %logistic3A_470 : vector<1x128xf32>
    %logistic3A_474 = arith.divf %logistic3A_472, %logistic3A_473 : vector<1x128xf32>
    %tanh3A_475 = math.tanh %add3A_468 : vector<1x128xf32>
    %mul3A_476 = arith.mulf %logistic3A_474, %tanh3A_475 : vector<1x128xf32>
    %get3A_477 = arith.constant 0 : index
    %get3A_478 = arith.constant 0 : index
    %get3A_479 = vector.load %arg10[%get3A_477, %get3A_478] : memref<8x128xf32, #tpu.memory_space<vmem>>, vector<8x128xf32>
    %get3A_480 = arith.constant 0 : index
    %get3A_481 = arith.constant 0 : index
    %get3A_482 = vector.load %arg11[%get3A_480, %get3A_481] : memref<8x128xf32, #tpu.memory_space<vmem>>, vector<8x128xf32>
    %add3A_483 = arith.addf %get3A_479, %get3A_482 : vector<8x128xf32>
    %reduce_sum3A_484 = arith.constant dense<0.000000e+00> : vector<128xf32>
    %reduce_sum3A_485 = vector.multi_reduction <add>, %add3A_483, %reduce_sum3A_484 [0] : vector<8x128xf32> to vector<128xf32>
    %broadcast_in_dim3A_486 = vector.shape_cast %reduce_sum3A_485 : vector<128xf32> to vector<1x128xf32>
    %reduce_sum3A_487 = arith.constant dense<0.000000e+00> : vector<128xf32>
    %reduce_sum3A_488 = vector.multi_reduction <add>, %select_n3A_291, %reduce_sum3A_487 [0] : vector<512x128xf32> to vector<128xf32>
    %broadcast_in_dim3A_489 = vector.shape_cast %reduce_sum3A_488 : vector<128xf32> to vector<1x128xf32>
    %add3A_490 = arith.addf %broadcast_in_dim3A_486, %broadcast_in_dim3A_489 : vector<1x128xf32>
    %reduce_sum3A_491 = arith.constant dense<0.000000e+00> : vector<128xf32>
    %reduce_sum3A_492 = vector.multi_reduction <add>, %mul3A_371, %reduce_sum3A_491 [0] : vector<1024x128xf32> to vector<128xf32>
    %broadcast_in_dim3A_493 = vector.shape_cast %reduce_sum3A_492 : vector<128xf32> to vector<1x128xf32>
    %add3A_494 = arith.addf %add3A_490, %broadcast_in_dim3A_493 : vector<1x128xf32>
    %reduce_sum3A_495 = arith.constant dense<0.000000e+00> : vector<128xf32>
    %reduce_sum3A_496 = vector.multi_reduction <add>, %mul3A_424, %reduce_sum3A_495 [0] : vector<32x128xf32> to vector<128xf32>
    %broadcast_in_dim3A_497 = vector.shape_cast %reduce_sum3A_496 : vector<128xf32> to vector<1x128xf32>
    %add3A_498 = arith.addf %add3A_494, %broadcast_in_dim3A_497 : vector<1x128xf32>
    %add3A_499 = arith.addf %add3A_498, %mul3A_476 : vector<1x128xf32>
    %mul3A_500 = arith.constant 2.000000e-05 : f32
    %mul3A_501 = vector.broadcast %mul3A_500 : f32 to vector<1x128xf32>
    %mul3A_502 = arith.mulf %add3A_499, %mul3A_501 : vector<1x128xf32>
    %sub3A = arith.subf %mul3A_243, %mul3A_502 : vector<1x128xf32>
    %abs3A = math.absf %sub3A : vector<1x128xf32>
    %get3A_503 = arith.constant 0 : index
    %get3A_504 = arith.constant 0 : index
    %get3A_505 = vector.load %arg16[%get3A_503, %get3A_504] : memref<128x128xf32, #tpu.memory_space<vmem>>, vector<128x128xf32>
    %dot_general3A_506 = arith.constant dense<0.000000e+00> : vector<1x128xf32>
    %dot_general3A_507 = tpu.matmul %abs3A, %get3A_505, %dot_general3A_506 {dimension_numbers = #tpu.dot_dimension_numbers<[1], [1], [0], [0], [0, 0, 1, 0], [], []>, transpose_lhs_hint = false} : vector<1x128xf32>, vector<128x128xf32>, vector<1x128xf32> -> vector<1x128xf32>
    %get3A_508 = arith.constant 0 : index
    %get3A_509 = arith.constant 0 : index
    %get3A_510 = vector.load %arg17[%get3A_508, %get3A_509] : memref<1x128xf32, #tpu.memory_space<vmem>>, vector<1x128xf32>
    %add3A_511 = arith.addf %dot_general3A_507, %get3A_510 : vector<1x128xf32>
    %swap3A = arith.constant 0 : index
    %swap3A_512 = arith.constant 0 : index
    %swap3A_513 = vector.load %arg18[%swap3A, %swap3A_512] : memref<1x128xf32, #tpu.memory_space<vmem>>, vector<1x128xf32>
    tpu.vector_store %arg18[%swap3A, %swap3A_512], %add3A_511 {strides = array<i32>} : memref<1x128xf32, #tpu.memory_space<vmem>>, vector<1x128xf32>,
    return
  }
}

module attributes {stable_mosaic.version = 14 : i64} {
  func.func @_leaf_body(%arg0: i32, %arg1: memref<1024x128xf32, #tpu.memory_space<vmem>>, %arg2: memref<384x128xf32, #tpu.memory_space<vmem>>, %arg3: memref<1x384xf32, #tpu.memory_space<vmem>>, %arg4: memref<128x128xf32, #tpu.memory_space<vmem>>, %arg5: memref<1x128xf32, #tpu.memory_space<vmem>>, %arg6: memref<40x1024xf32, #tpu.memory_space<vmem>>, %arg7: memref<8x128xf32, #tpu.memory_space<vmem>>, %arg8: memref<768x128xf32, #tpu.memory_space<vmem>>, %arg9: memref<768x128xf32, #tpu.memory_space<vmem>>) attributes {dimension_semantics = [#tpu.dimension_semantics<arbitrary>], iteration_bounds = array<i64: 24>, scalar_prefetch = 0 : i64, scratch_operands = 0 : i64, tpu.core_type = #tpu.core_type<tc>, window_params = [{transform_indices = @transform_0, window_bounds = array<i64: 1024, 128>}, {pipeline_mode = #tpu.pipeline_mode<synchronous>, transform_indices = @transform_1, window_bounds = array<i64: 384, 128>}, {pipeline_mode = #tpu.pipeline_mode<synchronous>, transform_indices = @transform_2, window_bounds = array<i64: 1, 384>}, {pipeline_mode = #tpu.pipeline_mode<synchronous>, transform_indices = @transform_3, window_bounds = array<i64: 128, 128>}, {pipeline_mode = #tpu.pipeline_mode<synchronous>, transform_indices = @transform_4, window_bounds = array<i64: 1, 128>}, {pipeline_mode = #tpu.pipeline_mode<synchronous>, transform_indices = @transform_5, window_bounds = array<i64: 40, 1024>}, {pipeline_mode = #tpu.pipeline_mode<synchronous>, transform_indices = @transform_6, window_bounds = array<i64: 8, 128>}, {pipeline_mode = #tpu.pipeline_mode<synchronous>, transform_indices = @transform_7, window_bounds = array<i64: 768, 128>}, {pipeline_mode = #tpu.pipeline_mode<synchronous>, transform_indices = @transform_8, window_bounds = array<i64: 768, 128>}]} {
    %eq3A = arith.constant 0 : i32
    %eq3A_0 = arith.cmpi eq, %arg0, %eq3A : i32
    %convert_element_type3A = arith.extui %eq3A_0 : i1 to i32
    %cond3A = arith.constant 0 : i32
    %cond3A_1 = arith.cmpi ne, %convert_element_type3A, %cond3A : i32
    scf.if %cond3A_1 {
      %broadcast_in_dim3A_90 = arith.constant 0.000000e+00 : f32
      %broadcast_in_dim3A_91 = vector.broadcast %broadcast_in_dim3A_90 : f32 to vector<8x128xf32>
      %swap3A_92 = arith.constant 0 : index
      %swap3A_93 = arith.constant 0 : index
      %swap3A_94 = vector.load %arg7[%swap3A_92, %swap3A_93] : memref<8x128xf32, #tpu.memory_space<vmem>>, vector<8x128xf32>
      tpu.vector_store %arg7[%swap3A_92, %swap3A_93], %broadcast_in_dim3A_91 {strides = array<i32>} : memref<8x128xf32, #tpu.memory_space<vmem>>, vector<8x128xf32>,
    } else {
    }
    %get3A = arith.constant 0 : index
    %get3A_2 = arith.constant 0 : index
    %get3A_3 = vector.load %arg1[%get3A, %get3A_2] : memref<1024x128xf32, #tpu.memory_space<vmem>>, vector<1024x128xf32>
    %get3A_4 = arith.constant 0 : index
    %get3A_5 = arith.constant 0 : index
    %get3A_6 = vector.load %arg2[%get3A_4, %get3A_5] : memref<384x128xf32, #tpu.memory_space<vmem>>, vector<384x128xf32>
    %dot_general3A = arith.constant dense<0.000000e+00> : vector<1024x384xf32>
    %dot_general3A_7 = tpu.matmul %get3A_3, %get3A_6, %dot_general3A {dimension_numbers = #tpu.dot_dimension_numbers<[1], [1], [0], [0], [0, 0, 1, 0], [], []>, transpose_lhs_hint = false} : vector<1024x128xf32>, vector<384x128xf32>, vector<1024x384xf32> -> vector<1024x384xf32>
    %get3A_8 = arith.constant 0 : index
    %get3A_9 = arith.constant 0 : index
    %get3A_10 = vector.load %arg3[%get3A_8, %get3A_9] : memref<1x384xf32, #tpu.memory_space<vmem>>, vector<1x384xf32>
    %add3A = vector.broadcast %get3A_10 : vector<1x384xf32> to vector<1024x384xf32>
    %add3A_11 = arith.addf %dot_general3A_7, %add3A : vector<1024x384xf32>
    %slice3A = vector.extract_strided_slice %add3A_11 {offsets = [0, 0], sizes = [1024, 128], strides = [1, 1]} : vector<1024x384xf32> to vector<1024x128xf32>
    %slice3A_12 = vector.extract_strided_slice %add3A_11 {offsets = [0, 128], sizes = [1024, 128], strides = [1, 1]} : vector<1024x384xf32> to vector<1024x128xf32>
    %slice3A_13 = vector.extract_strided_slice %add3A_11 {offsets = [0, 256], sizes = [1024, 128], strides = [1, 1]} : vector<1024x384xf32> to vector<1024x128xf32>
    %logistic3A = arith.negf %slice3A : vector<1024x128xf32>
    %logistic3A_14 = math.exp %logistic3A : vector<1024x128xf32>
    %logistic3A_15 = arith.constant 1.000000e+00 : f32
    %logistic3A_16 = vector.broadcast %logistic3A_15 : f32 to vector<1024x128xf32>
    %logistic3A_17 = arith.addf %logistic3A_16, %logistic3A_14 : vector<1024x128xf32>
    %logistic3A_18 = arith.divf %logistic3A_16, %logistic3A_17 : vector<1024x128xf32>
    %tanh3A = math.tanh %slice3A_13 : vector<1024x128xf32>
    %mul3A = arith.mulf %logistic3A_18, %tanh3A : vector<1024x128xf32>
    %add3A_19 = arith.constant 0.000000e+00 : f32
    %add3A_20 = vector.broadcast %add3A_19 : f32 to vector<1024x128xf32>
    %add3A_21 = arith.addf %mul3A, %add3A_20 : vector<1024x128xf32>
    %logistic3A_22 = arith.negf %slice3A_12 : vector<1024x128xf32>
    %logistic3A_23 = math.exp %logistic3A_22 : vector<1024x128xf32>
    %logistic3A_24 = arith.constant 1.000000e+00 : f32
    %logistic3A_25 = vector.broadcast %logistic3A_24 : f32 to vector<1024x128xf32>
    %logistic3A_26 = arith.addf %logistic3A_25, %logistic3A_23 : vector<1024x128xf32>
    %logistic3A_27 = arith.divf %logistic3A_25, %logistic3A_26 : vector<1024x128xf32>
    %tanh3A_28 = math.tanh %add3A_21 : vector<1024x128xf32>
    %mul3A_29 = arith.mulf %logistic3A_27, %tanh3A_28 : vector<1024x128xf32>
    %mul3A_30 = arith.constant 1024 : i32
    %mul3A_31 = arith.muli %mul3A_30, %arg0 : i32
    %add3A_32 = arith.constant 25633 : i32
    %add3A_33 = arith.addi %add3A_32, %mul3A_31 : i32
    %iota3A = tpu.iota {dimensions = array<i32: 0>} : vector<1024x1xi32>
    %add3A_34 = vector.broadcast %add3A_33 : i32 to vector<1024x1xi32>
    %add3A_35 = arith.addi %add3A_34, %iota3A : vector<1024x1xi32>
    %ge3A = arith.constant 1563 : i32
    %ge3A_36 = vector.broadcast %ge3A : i32 to vector<1024x1xi32>
    %ge3A_37 = arith.cmpi sge, %add3A_35, %ge3A_36 : vector<1024x1xi32>
    %lt3A = arith.constant 50000 : i32
    %lt3A_38 = vector.broadcast %lt3A : i32 to vector<1024x1xi32>
    %lt3A_39 = arith.cmpi slt, %add3A_35, %lt3A_38 : vector<1024x1xi32>
    %and3A = arith.andi %ge3A_37, %lt3A_39 : vector<1024x1xi1>
    %jit3A = arith.constant 0.000000e+00 : f32
    %broadcast_in_dim3A = vector.shape_cast %and3A : vector<1024x1xi1> to vector<1024x1xi1>
    %broadcast_in_dim3A_40 = vector.broadcast %broadcast_in_dim3A : vector<1024x1xi1> to vector<1024x128xi1>
    %broadcast_in_dim3A_41 = vector.broadcast %jit3A : f32 to vector<1024x128xf32>
    %select_n3A = arith.select %broadcast_in_dim3A_40, %mul3A_29, %broadcast_in_dim3A_41 : vector<1024x128xi1>, vector<1024x128xf32>
    %jit3A_42 = arith.constant 0.000000e+00 : f32
    %broadcast_in_dim3A_43 = vector.shape_cast %and3A : vector<1024x1xi1> to vector<1024x1xi1>
    %broadcast_in_dim3A_44 = vector.broadcast %broadcast_in_dim3A_43 : vector<1024x1xi1> to vector<1024x128xi1>
    %broadcast_in_dim3A_45 = vector.broadcast %jit3A_42 : f32 to vector<1024x128xf32>
    %select_n3A_46 = arith.select %broadcast_in_dim3A_44, %add3A_21, %broadcast_in_dim3A_45 : vector<1024x128xi1>, vector<1024x128xf32>
    %get3A_47 = arith.constant 0 : index
    %get3A_48 = arith.constant 0 : index
    %get3A_49 = vector.load %arg4[%get3A_47, %get3A_48] : memref<128x128xf32, #tpu.memory_space<vmem>>, vector<128x128xf32>
    %dot_general3A_50 = arith.constant dense<0.000000e+00> : vector<1024x128xf32>
    %dot_general3A_51 = tpu.matmul %select_n3A, %get3A_49, %dot_general3A_50 {dimension_numbers = #tpu.dot_dimension_numbers<[1], [1], [0], [0], [0, 0, 1, 0], [], []>, transpose_lhs_hint = false} : vector<1024x128xf32>, vector<128x128xf32>, vector<1024x128xf32> -> vector<1024x128xf32>
    %get3A_52 = arith.constant 0 : index
    %get3A_53 = arith.constant 0 : index
    %get3A_54 = vector.load %arg5[%get3A_52, %get3A_53] : memref<1x128xf32, #tpu.memory_space<vmem>>, vector<1x128xf32>
    %add3A_55 = vector.broadcast %get3A_54 : vector<1x128xf32> to vector<1024x128xf32>
    %add3A_56 = arith.addf %dot_general3A_51, %add3A_55 : vector<1024x128xf32>
    %logistic3A_57 = arith.negf %add3A_56 : vector<1024x128xf32>
    %logistic3A_58 = math.exp %logistic3A_57 : vector<1024x128xf32>
    %logistic3A_59 = arith.constant 1.000000e+00 : f32
    %logistic3A_60 = vector.broadcast %logistic3A_59 : f32 to vector<1024x128xf32>
    %logistic3A_61 = arith.addf %logistic3A_60, %logistic3A_58 : vector<1024x128xf32>
    %logistic3A_62 = arith.divf %logistic3A_60, %logistic3A_61 : vector<1024x128xf32>
    %get3A_63 = arith.constant 0 : index
    %get3A_64 = arith.constant 0 : index
    %get3A_65 = vector.load %arg6[%get3A_63, %get3A_64] : memref<40x1024xf32, #tpu.memory_space<vmem>>, vector<40x1024xf32>
    %dot_general3A_66 = arith.constant dense<0.000000e+00> : vector<40x128xf32>
    %dot_general3A_67 = tpu.matmul %get3A_65, %select_n3A, %dot_general3A_66 {dimension_numbers = #tpu.dot_dimension_numbers<[1], [0], [0], [1], [0, 0, 1, 1], [], []>, precision = #tpu.contract_precision<fp32>, transpose_lhs_hint = false} : vector<40x1024xf32>, vector<1024x128xf32>, vector<40x128xf32> -> vector<40x128xf32>
    %mul3A_68 = arith.mulf %logistic3A_62, %select_n3A_46 : vector<1024x128xf32>
    %dot_general3A_69 = arith.constant dense<0.000000e+00> : vector<40x128xf32>
    %dot_general3A_70 = tpu.matmul %get3A_65, %mul3A_68, %dot_general3A_69 {dimension_numbers = #tpu.dot_dimension_numbers<[1], [0], [0], [1], [0, 0, 1, 1], [], []>, precision = #tpu.contract_precision<fp32>, transpose_lhs_hint = false} : vector<40x1024xf32>, vector<1024x128xf32>, vector<40x128xf32> -> vector<40x128xf32>
    %get3A_71 = arith.constant 0 : index
    %get3A_72 = arith.constant 0 : index
    %get3A_73 = vector.load %arg7[%get3A_71, %get3A_72] : memref<8x128xf32, #tpu.memory_space<vmem>>, vector<8x128xf32>
    %slice3A_74 = vector.extract_strided_slice %dot_general3A_67 {offsets = [32, 0], sizes = [8, 128], strides = [1, 1]} : vector<40x128xf32> to vector<8x128xf32>
    %add3A_75 = arith.addf %get3A_73, %slice3A_74 : vector<8x128xf32>
    %swap3A = arith.constant 0 : index
    %swap3A_76 = arith.constant 0 : index
    %swap3A_77 = vector.load %arg7[%swap3A, %swap3A_76] : memref<8x128xf32, #tpu.memory_space<vmem>>, vector<8x128xf32>
    tpu.vector_store %arg7[%swap3A, %swap3A_76], %add3A_75 {strides = array<i32>} : memref<8x128xf32, #tpu.memory_space<vmem>>, vector<8x128xf32>,
    %slice3A_78 = vector.extract_strided_slice %dot_general3A_67 {offsets = [0, 0], sizes = [32, 128], strides = [1, 1]} : vector<40x128xf32> to vector<32x128xf32>
    %mul3A_79 = arith.constant 32 : i32
    %mul3A_80 = arith.muli %mul3A_79, %arg0 : i32
    %swap3A_81 = arith.index_cast %mul3A_80 : i32 to index
    %swap3A_82 = arith.constant 0 : index
    %swap3A_83 = vector.load %arg8[%swap3A_81, %swap3A_82] : memref<768x128xf32, #tpu.memory_space<vmem>>, vector<32x128xf32>
    tpu.vector_store %arg8[%swap3A_81, %swap3A_82], %slice3A_78 {strides = array<i32>} : memref<768x128xf32, #tpu.memory_space<vmem>>, vector<32x128xf32>,
    %slice3A_84 = vector.extract_strided_slice %dot_general3A_70 {offsets = [0, 0], sizes = [32, 128], strides = [1, 1]} : vector<40x128xf32> to vector<32x128xf32>
    %mul3A_85 = arith.constant 32 : i32
    %mul3A_86 = arith.muli %mul3A_85, %arg0 : i32
    %swap3A_87 = arith.index_cast %mul3A_86 : i32 to index
    %swap3A_88 = arith.constant 0 : index
    %swap3A_89 = vector.load %arg9[%swap3A_87, %swap3A_88] : memref<768x128xf32, #tpu.memory_space<vmem>>, vector<32x128xf32>
    tpu.vector_store %arg9[%swap3A_87, %swap3A_88], %slice3A_84 {strides = array<i32>} : memref<768x128xf32, #tpu.memory_space<vmem>>, vector<32x128xf32>,
    return
  }
  func.func @transform_0(%arg0: i32) -> (i32, i32) {
    %c0_i32 = arith.constant 0 : i32
    %c0_i32_0 = arith.constant 0 : i32
    return %arg0, %c0_i32 : i32, i32
  }
  func.func @transform_1(%arg0: i32) -> (i32, i32) {
    %c0_i32 = arith.constant 0 : i32
    %c0_i32_0 = arith.constant 0 : i32
    %c0_i32_1 = arith.constant 0 : i32
    return %c0_i32, %c0_i32_0 : i32, i32
  }
  func.func @transform_2(%arg0: i32) -> (i32, i32) {
    %c0_i32 = arith.constant 0 : i32
    %c0_i32_0 = arith.constant 0 : i32
    %c0_i32_1 = arith.constant 0 : i32
    return %c0_i32, %c0_i32_0 : i32, i32
  }
  func.func @transform_3(%arg0: i32) -> (i32, i32) {
    %c0_i32 = arith.constant 0 : i32
    %c0_i32_0 = arith.constant 0 : i32
    %c0_i32_1 = arith.constant 0 : i32
    return %c0_i32, %c0_i32_0 : i32, i32
  }
  func.func @transform_4(%arg0: i32) -> (i32, i32) {
    %c0_i32 = arith.constant 0 : i32
    %c0_i32_0 = arith.constant 0 : i32
    %c0_i32_1 = arith.constant 0 : i32
    return %c0_i32, %c0_i32_0 : i32, i32
  }
  func.func @transform_5(%arg0: i32) -> (i32, i32) {
    %c0_i32 = arith.constant 0 : i32
    %c0_i32_0 = arith.constant 0 : i32
    %c0_i32_1 = arith.constant 0 : i32
    return %c0_i32, %c0_i32_0 : i32, i32
  }
  func.func @transform_6(%arg0: i32) -> (i32, i32) {
    %c0_i32 = arith.constant 0 : i32
    %c0_i32_0 = arith.constant 0 : i32
    %c0_i32_1 = arith.constant 0 : i32
    return %c0_i32, %c0_i32_0 : i32, i32
  }
  func.func @transform_7(%arg0: i32) -> (i32, i32) {
    %c0_i32 = arith.constant 0 : i32
    %c0_i32_0 = arith.constant 0 : i32
    %c0_i32_1 = arith.constant 0 : i32
    return %c0_i32, %c0_i32_0 : i32, i32
  }
  func.func @transform_8(%arg0: i32) -> (i32, i32) {
    %c0_i32 = arith.constant 0 : i32
    %c0_i32_0 = arith.constant 0 : i32
    %c0_i32_1 = arith.constant 0 : i32
    return %c0_i32, %c0_i32_0 : i32, i32
  }
}

module attributes {stable_mosaic.version = 14 : i64} {
  func.func @_leaf_body(%arg0: i32, %arg1: memref<1024x128xf32, #tpu.memory_space<vmem>>, %arg2: memref<384x128xf32, #tpu.memory_space<vmem>>, %arg3: memref<1x384xf32, #tpu.memory_space<vmem>>, %arg4: memref<128x128xf32, #tpu.memory_space<vmem>>, %arg5: memref<1x128xf32, #tpu.memory_space<vmem>>, %arg6: memref<40x1024xf32, #tpu.memory_space<vmem>>, %arg7: memref<8x128xf32, #tpu.memory_space<vmem>>, %arg8: memref<768x128xf32, #tpu.memory_space<vmem>>, %arg9: memref<768x128xf32, #tpu.memory_space<vmem>>) attributes {dimension_semantics = [#tpu.dimension_semantics<arbitrary>], iteration_bounds = array<i64: 24>, scalar_prefetch = 0 : i64, scratch_operands = 0 : i64, tpu.core_type = #tpu.core_type<tc>, window_params = [{transform_indices = @transform_0, window_bounds = array<i64: 1024, 128>}, {pipeline_mode = #tpu.pipeline_mode<synchronous>, transform_indices = @transform_1, window_bounds = array<i64: 384, 128>}, {pipeline_mode = #tpu.pipeline_mode<synchronous>, transform_indices = @transform_2, window_bounds = array<i64: 1, 384>}, {pipeline_mode = #tpu.pipeline_mode<synchronous>, transform_indices = @transform_3, window_bounds = array<i64: 128, 128>}, {pipeline_mode = #tpu.pipeline_mode<synchronous>, transform_indices = @transform_4, window_bounds = array<i64: 1, 128>}, {pipeline_mode = #tpu.pipeline_mode<synchronous>, transform_indices = @transform_5, window_bounds = array<i64: 40, 1024>}, {pipeline_mode = #tpu.pipeline_mode<synchronous>, transform_indices = @transform_6, window_bounds = array<i64: 8, 128>}, {pipeline_mode = #tpu.pipeline_mode<synchronous>, transform_indices = @transform_7, window_bounds = array<i64: 768, 128>}, {pipeline_mode = #tpu.pipeline_mode<synchronous>, transform_indices = @transform_8, window_bounds = array<i64: 768, 128>}]} {
    %eq3A = arith.constant 0 : i32
    %eq3A_0 = arith.cmpi eq, %arg0, %eq3A : i32
    %convert_element_type3A = arith.extui %eq3A_0 : i1 to i32
    %cond3A = arith.constant 0 : i32
    %cond3A_1 = arith.cmpi ne, %convert_element_type3A, %cond3A : i32
    scf.if %cond3A_1 {
      %broadcast_in_dim3A_90 = arith.constant 0.000000e+00 : f32
      %broadcast_in_dim3A_91 = vector.broadcast %broadcast_in_dim3A_90 : f32 to vector<8x128xf32>
      %swap3A_92 = arith.constant 0 : index
      %swap3A_93 = arith.constant 0 : index
      %swap3A_94 = vector.load %arg7[%swap3A_92, %swap3A_93] : memref<8x128xf32, #tpu.memory_space<vmem>>, vector<8x128xf32>
      tpu.vector_store %arg7[%swap3A_92, %swap3A_93], %broadcast_in_dim3A_91 {strides = array<i32>} : memref<8x128xf32, #tpu.memory_space<vmem>>, vector<8x128xf32>,
    } else {
    }
    %get3A = arith.constant 0 : index
    %get3A_2 = arith.constant 0 : index
    %get3A_3 = vector.load %arg1[%get3A, %get3A_2] : memref<1024x128xf32, #tpu.memory_space<vmem>>, vector<1024x128xf32>
    %get3A_4 = arith.constant 0 : index
    %get3A_5 = arith.constant 0 : index
    %get3A_6 = vector.load %arg2[%get3A_4, %get3A_5] : memref<384x128xf32, #tpu.memory_space<vmem>>, vector<384x128xf32>
    %dot_general3A = arith.constant dense<0.000000e+00> : vector<1024x384xf32>
    %dot_general3A_7 = tpu.matmul %get3A_3, %get3A_6, %dot_general3A {dimension_numbers = #tpu.dot_dimension_numbers<[1], [1], [0], [0], [0, 0, 1, 0], [], []>, transpose_lhs_hint = false} : vector<1024x128xf32>, vector<384x128xf32>, vector<1024x384xf32> -> vector<1024x384xf32>
    %get3A_8 = arith.constant 0 : index
    %get3A_9 = arith.constant 0 : index
    %get3A_10 = vector.load %arg3[%get3A_8, %get3A_9] : memref<1x384xf32, #tpu.memory_space<vmem>>, vector<1x384xf32>
    %add3A = vector.broadcast %get3A_10 : vector<1x384xf32> to vector<1024x384xf32>
    %add3A_11 = arith.addf %dot_general3A_7, %add3A : vector<1024x384xf32>
    %slice3A = vector.extract_strided_slice %add3A_11 {offsets = [0, 0], sizes = [1024, 128], strides = [1, 1]} : vector<1024x384xf32> to vector<1024x128xf32>
    %slice3A_12 = vector.extract_strided_slice %add3A_11 {offsets = [0, 128], sizes = [1024, 128], strides = [1, 1]} : vector<1024x384xf32> to vector<1024x128xf32>
    %slice3A_13 = vector.extract_strided_slice %add3A_11 {offsets = [0, 256], sizes = [1024, 128], strides = [1, 1]} : vector<1024x384xf32> to vector<1024x128xf32>
    %logistic3A = arith.negf %slice3A : vector<1024x128xf32>
    %logistic3A_14 = math.exp %logistic3A : vector<1024x128xf32>
    %logistic3A_15 = arith.constant 1.000000e+00 : f32
    %logistic3A_16 = vector.broadcast %logistic3A_15 : f32 to vector<1024x128xf32>
    %logistic3A_17 = arith.addf %logistic3A_16, %logistic3A_14 : vector<1024x128xf32>
    %logistic3A_18 = arith.divf %logistic3A_16, %logistic3A_17 : vector<1024x128xf32>
    %tanh3A = math.tanh %slice3A_13 : vector<1024x128xf32>
    %mul3A = arith.mulf %logistic3A_18, %tanh3A : vector<1024x128xf32>
    %add3A_19 = arith.constant 0.000000e+00 : f32
    %add3A_20 = vector.broadcast %add3A_19 : f32 to vector<1024x128xf32>
    %add3A_21 = arith.addf %mul3A, %add3A_20 : vector<1024x128xf32>
    %logistic3A_22 = arith.negf %slice3A_12 : vector<1024x128xf32>
    %logistic3A_23 = math.exp %logistic3A_22 : vector<1024x128xf32>
    %logistic3A_24 = arith.constant 1.000000e+00 : f32
    %logistic3A_25 = vector.broadcast %logistic3A_24 : f32 to vector<1024x128xf32>
    %logistic3A_26 = arith.addf %logistic3A_25, %logistic3A_23 : vector<1024x128xf32>
    %logistic3A_27 = arith.divf %logistic3A_25, %logistic3A_26 : vector<1024x128xf32>
    %tanh3A_28 = math.tanh %add3A_21 : vector<1024x128xf32>
    %mul3A_29 = arith.mulf %logistic3A_27, %tanh3A_28 : vector<1024x128xf32>
    %mul3A_30 = arith.constant 1024 : i32
    %mul3A_31 = arith.muli %mul3A_30, %arg0 : i32
    %add3A_32 = arith.constant 1057 : i32
    %add3A_33 = arith.addi %add3A_32, %mul3A_31 : i32
    %iota3A = tpu.iota {dimensions = array<i32: 0>} : vector<1024x1xi32>
    %add3A_34 = vector.broadcast %add3A_33 : i32 to vector<1024x1xi32>
    %add3A_35 = arith.addi %add3A_34, %iota3A : vector<1024x1xi32>
    %ge3A = arith.constant 1563 : i32
    %ge3A_36 = vector.broadcast %ge3A : i32 to vector<1024x1xi32>
    %ge3A_37 = arith.cmpi sge, %add3A_35, %ge3A_36 : vector<1024x1xi32>
    %lt3A = arith.constant 50000 : i32
    %lt3A_38 = vector.broadcast %lt3A : i32 to vector<1024x1xi32>
    %lt3A_39 = arith.cmpi slt, %add3A_35, %lt3A_38 : vector<1024x1xi32>
    %and3A = arith.andi %ge3A_37, %lt3A_39 : vector<1024x1xi1>
    %jit3A = arith.constant 0.000000e+00 : f32
    %broadcast_in_dim3A = vector.shape_cast %and3A : vector<1024x1xi1> to vector<1024x1xi1>
    %broadcast_in_dim3A_40 = vector.broadcast %broadcast_in_dim3A : vector<1024x1xi1> to vector<1024x128xi1>
    %broadcast_in_dim3A_41 = vector.broadcast %jit3A : f32 to vector<1024x128xf32>
    %select_n3A = arith.select %broadcast_in_dim3A_40, %mul3A_29, %broadcast_in_dim3A_41 : vector<1024x128xi1>, vector<1024x128xf32>
    %jit3A_42 = arith.constant 0.000000e+00 : f32
    %broadcast_in_dim3A_43 = vector.shape_cast %and3A : vector<1024x1xi1> to vector<1024x1xi1>
    %broadcast_in_dim3A_44 = vector.broadcast %broadcast_in_dim3A_43 : vector<1024x1xi1> to vector<1024x128xi1>
    %broadcast_in_dim3A_45 = vector.broadcast %jit3A_42 : f32 to vector<1024x128xf32>
    %select_n3A_46 = arith.select %broadcast_in_dim3A_44, %add3A_21, %broadcast_in_dim3A_45 : vector<1024x128xi1>, vector<1024x128xf32>
    %get3A_47 = arith.constant 0 : index
    %get3A_48 = arith.constant 0 : index
    %get3A_49 = vector.load %arg4[%get3A_47, %get3A_48] : memref<128x128xf32, #tpu.memory_space<vmem>>, vector<128x128xf32>
    %dot_general3A_50 = arith.constant dense<0.000000e+00> : vector<1024x128xf32>
    %dot_general3A_51 = tpu.matmul %select_n3A, %get3A_49, %dot_general3A_50 {dimension_numbers = #tpu.dot_dimension_numbers<[1], [1], [0], [0], [0, 0, 1, 0], [], []>, transpose_lhs_hint = false} : vector<1024x128xf32>, vector<128x128xf32>, vector<1024x128xf32> -> vector<1024x128xf32>
    %get3A_52 = arith.constant 0 : index
    %get3A_53 = arith.constant 0 : index
    %get3A_54 = vector.load %arg5[%get3A_52, %get3A_53] : memref<1x128xf32, #tpu.memory_space<vmem>>, vector<1x128xf32>
    %add3A_55 = vector.broadcast %get3A_54 : vector<1x128xf32> to vector<1024x128xf32>
    %add3A_56 = arith.addf %dot_general3A_51, %add3A_55 : vector<1024x128xf32>
    %logistic3A_57 = arith.negf %add3A_56 : vector<1024x128xf32>
    %logistic3A_58 = math.exp %logistic3A_57 : vector<1024x128xf32>
    %logistic3A_59 = arith.constant 1.000000e+00 : f32
    %logistic3A_60 = vector.broadcast %logistic3A_59 : f32 to vector<1024x128xf32>
    %logistic3A_61 = arith.addf %logistic3A_60, %logistic3A_58 : vector<1024x128xf32>
    %logistic3A_62 = arith.divf %logistic3A_60, %logistic3A_61 : vector<1024x128xf32>
    %get3A_63 = arith.constant 0 : index
    %get3A_64 = arith.constant 0 : index
    %get3A_65 = vector.load %arg6[%get3A_63, %get3A_64] : memref<40x1024xf32, #tpu.memory_space<vmem>>, vector<40x1024xf32>
    %dot_general3A_66 = arith.constant dense<0.000000e+00> : vector<40x128xf32>
    %dot_general3A_67 = tpu.matmul %get3A_65, %select_n3A, %dot_general3A_66 {dimension_numbers = #tpu.dot_dimension_numbers<[1], [0], [0], [1], [0, 0, 1, 1], [], []>, precision = #tpu.contract_precision<fp32>, transpose_lhs_hint = false} : vector<40x1024xf32>, vector<1024x128xf32>, vector<40x128xf32> -> vector<40x128xf32>
    %mul3A_68 = arith.mulf %logistic3A_62, %select_n3A_46 : vector<1024x128xf32>
    %dot_general3A_69 = arith.constant dense<0.000000e+00> : vector<40x128xf32>
    %dot_general3A_70 = tpu.matmul %get3A_65, %mul3A_68, %dot_general3A_69 {dimension_numbers = #tpu.dot_dimension_numbers<[1], [0], [0], [1], [0, 0, 1, 1], [], []>, precision = #tpu.contract_precision<fp32>, transpose_lhs_hint = false} : vector<40x1024xf32>, vector<1024x128xf32>, vector<40x128xf32> -> vector<40x128xf32>
    %get3A_71 = arith.constant 0 : index
    %get3A_72 = arith.constant 0 : index
    %get3A_73 = vector.load %arg7[%get3A_71, %get3A_72] : memref<8x128xf32, #tpu.memory_space<vmem>>, vector<8x128xf32>
    %slice3A_74 = vector.extract_strided_slice %dot_general3A_67 {offsets = [32, 0], sizes = [8, 128], strides = [1, 1]} : vector<40x128xf32> to vector<8x128xf32>
    %add3A_75 = arith.addf %get3A_73, %slice3A_74 : vector<8x128xf32>
    %swap3A = arith.constant 0 : index
    %swap3A_76 = arith.constant 0 : index
    %swap3A_77 = vector.load %arg7[%swap3A, %swap3A_76] : memref<8x128xf32, #tpu.memory_space<vmem>>, vector<8x128xf32>
    tpu.vector_store %arg7[%swap3A, %swap3A_76], %add3A_75 {strides = array<i32>} : memref<8x128xf32, #tpu.memory_space<vmem>>, vector<8x128xf32>,
    %slice3A_78 = vector.extract_strided_slice %dot_general3A_67 {offsets = [0, 0], sizes = [32, 128], strides = [1, 1]} : vector<40x128xf32> to vector<32x128xf32>
    %mul3A_79 = arith.constant 32 : i32
    %mul3A_80 = arith.muli %mul3A_79, %arg0 : i32
    %swap3A_81 = arith.index_cast %mul3A_80 : i32 to index
    %swap3A_82 = arith.constant 0 : index
    %swap3A_83 = vector.load %arg8[%swap3A_81, %swap3A_82] : memref<768x128xf32, #tpu.memory_space<vmem>>, vector<32x128xf32>
    tpu.vector_store %arg8[%swap3A_81, %swap3A_82], %slice3A_78 {strides = array<i32>} : memref<768x128xf32, #tpu.memory_space<vmem>>, vector<32x128xf32>,
    %slice3A_84 = vector.extract_strided_slice %dot_general3A_70 {offsets = [0, 0], sizes = [32, 128], strides = [1, 1]} : vector<40x128xf32> to vector<32x128xf32>
    %mul3A_85 = arith.constant 32 : i32
    %mul3A_86 = arith.muli %mul3A_85, %arg0 : i32
    %swap3A_87 = arith.index_cast %mul3A_86 : i32 to index
    %swap3A_88 = arith.constant 0 : index
    %swap3A_89 = vector.load %arg9[%swap3A_87, %swap3A_88] : memref<768x128xf32, #tpu.memory_space<vmem>>, vector<32x128xf32>
    tpu.vector_store %arg9[%swap3A_87, %swap3A_88], %slice3A_84 {strides = array<i32>} : memref<768x128xf32, #tpu.memory_space<vmem>>, vector<32x128xf32>,
    return
  }
  func.func @transform_0(%arg0: i32) -> (i32, i32) {
    %c0_i32 = arith.constant 0 : i32
    %c0_i32_0 = arith.constant 0 : i32
    return %arg0, %c0_i32 : i32, i32
  }
  func.func @transform_1(%arg0: i32) -> (i32, i32) {
    %c0_i32 = arith.constant 0 : i32
    %c0_i32_0 = arith.constant 0 : i32
    %c0_i32_1 = arith.constant 0 : i32
    return %c0_i32, %c0_i32_0 : i32, i32
  }
  func.func @transform_2(%arg0: i32) -> (i32, i32) {
    %c0_i32 = arith.constant 0 : i32
    %c0_i32_0 = arith.constant 0 : i32
    %c0_i32_1 = arith.constant 0 : i32
    return %c0_i32, %c0_i32_0 : i32, i32
  }
  func.func @transform_3(%arg0: i32) -> (i32, i32) {
    %c0_i32 = arith.constant 0 : i32
    %c0_i32_0 = arith.constant 0 : i32
    %c0_i32_1 = arith.constant 0 : i32
    return %c0_i32, %c0_i32_0 : i32, i32
  }
  func.func @transform_4(%arg0: i32) -> (i32, i32) {
    %c0_i32 = arith.constant 0 : i32
    %c0_i32_0 = arith.constant 0 : i32
    %c0_i32_1 = arith.constant 0 : i32
    return %c0_i32, %c0_i32_0 : i32, i32
  }
  func.func @transform_5(%arg0: i32) -> (i32, i32) {
    %c0_i32 = arith.constant 0 : i32
    %c0_i32_0 = arith.constant 0 : i32
    %c0_i32_1 = arith.constant 0 : i32
    return %c0_i32, %c0_i32_0 : i32, i32
  }
  func.func @transform_6(%arg0: i32) -> (i32, i32) {
    %c0_i32 = arith.constant 0 : i32
    %c0_i32_0 = arith.constant 0 : i32
    %c0_i32_1 = arith.constant 0 : i32
    return %c0_i32, %c0_i32_0 : i32, i32
  }
  func.func @transform_7(%arg0: i32) -> (i32, i32) {
    %c0_i32 = arith.constant 0 : i32
    %c0_i32_0 = arith.constant 0 : i32
    %c0_i32_1 = arith.constant 0 : i32
    return %c0_i32, %c0_i32_0 : i32, i32
  }
  func.func @transform_8(%arg0: i32) -> (i32, i32) {
    %c0_i32 = arith.constant 0 : i32
    %c0_i32_0 = arith.constant 0 : i32
    %c0_i32_1 = arith.constant 0 : i32
    return %c0_i32, %c0_i32_0 : i32, i32
  }
}

</mosaic_0001>

<sc_bundles>
// kernel: kernel.11.cloned.1.call-start
scs
__scs_entry_jumppad:
0x0: {  	(pc) =	sbr.rel $0x88, $3  }
0x1: {  	(tag) =	ssettag $0x0;
	lr =	simm.s32 $0x1  }
0x2: {  	[smem:$0x3F97] =	sst lr;
	_ =	strace $0xD0000000  }
0x3: {  	_ = 	snop  }
0x4: {  	_ = 	snop  }
0x5: {  	_ = 	snop  }
0x6: {  	_ = 	snop  }
0x7: {  	_ = 	snop  }
__scs_overlays_trampoline_lowered:
0x8: {  	[smem:$0x3FA6] =	sst s0  }
0x9: {  	[smem:$0x3FA7] =	sst s1  }
0xa: {  	[smem:$0x3FA8] =	sst s2  }
0xb: {  	[smem:$0x3FA9] =	sst s3  }
0xc: {  	[smem:$0x3FAA] =	sst s4  }
0xd: {  	[smem:$0x3FAB] =	sst s5  }
0xe: {  	[smem:$0x3FAC] =	sst s6  }
0xf: {  	[smem:$0x3FAD] =	sst s7  }
0x10: {  	[smem:$0x3FAE] =	sst s8  }
0x11: {  	[smem:$0x3FAF] =	sst s9;
	s0 =	simm.s32 @!p0 $0x0  }
0x12: {  	s1 =	sld [smem:$0x3F95];
	s0 =	simm.s32 @p0 $0x1  }
0x13: {  	[smem:$0x3FB0] =	sst s0;
	s0 =	simm.s32 @!p1 $0x0  }
0x14: {  	s2 =	sld [smem:$0x3F94];
	s0 =	simm.s32 @p1 $0x1  }
0x15: {  	[smem:$0x3FB1] =	sst s0;
	s0 =	simm.s32 @!p2 $0x0  }
0x16: {  	s3 =	sld [smem:$0x3FDB];
	s0 =	simm.s32 @p2 $0x1  }
0x17: {  	s4 =	simm.s32 $0x1BF5;
	[smem:$0x3FB3] =	sst s0  }
0x18: {  	s0 =	sld [smem:$0x3F96];
	_ =	swait.ge [sflag:s4], $0x0  }
0x19: {  	s7 =	sld [smem:$0x3F97]  }
0x1a: {  	s8 =	sadd.s32 $0xFFFFE003, lr  }
0x1b: {  	s9 =	sadd.s32 $0xFFFFFEF7, lr;
	s5 =	simm.s32 $0xFFFFFFFF;
	p2 =	slt.u32 s8, $0xFFFFF086  }
0x1c: {  	p1 =	slt.u32 s9, $0xF7A;
	s5 =	simm.s32 @!p2 $0x0  }
0x1d: {  	s5 =	simm.s32 @p1 $0x1;
	p0 =	seq.s32 s7, s2  }
0x1e: {  	s7 =	smul.u32 @!p0 $0xF7A, s2;
	p2 =	seq.s32 @!p0 s5, $0x0  }
0x1f: {  	s9 =	smul.u32 $0xF7A, s1;
	s8 =	simm.s32 @!p0 $0x1BF5;
	p2 =	por !p2, p0  }
0x20: {  	[sflag:s8] =	ssyncset.s32 @!p0 $0xFFFFF086;
	s6 =	sadd.s32 @!p0 s3, s7;
	s7 =	simm.s32 @!p0 $0x108  }
0x21: {  	s3 =	sadd.s32 s3, s9;
	s6 =	sadd.s32 @!p0 $0x88, s6;
	s7 =	simm.s32 @p2 $0x1082  }
0x22: {  	[simem:s7], [sflag:s8] =	dma.local @!p0 [hbm:s6], $0xF7A  }
0x23: {  	s9 =	sor.u32 $0xD0000000, s2;
	s6 =	simm.s32 $0x108;
	_ =	swait.ge @!p0 [sflag:s8], $0x0  }
0x24: {  	s3 =	sadd.s32 $0x88, s3;
	s6 =	simm.s32 @!p1 $0x1082;
	[sflag:s4] =	ssyncset.s32 $0xFFFFF086  }
0x25: {  	[simem:s6], [sflag:s4] =	dma.local [hbm:s3], $0xF7A  }
0x26: {  	[smem:$0x3F97] =	sst s1;
	(tag) =	ssettag s2;
	_ =	strace s9  }
0x27: {  	s1 =	sld [smem:$0x3FA7]  }
0x28: {  	s2 =	sld [smem:$0x3FA8]  }
0x29: {  	s4 =	sld [smem:$0x3FAA]  }
0x2a: {  	p0 =	seq.s32 s5, $0x0;
	s5 =	sld [smem:$0x3FAB]  }
0x2b: {  	s6 =	sld [smem:$0x3FAC]  }
0x2c: {  	s7 =	sld [smem:$0x3FAD]  }
0x2d: {  	s3 =	simm.s32 $0x108;
	s8 =	sld [smem:$0x3FAE]  }
0x2e: {  	s3 =	simm.s32 @!p0 $0x1082;
	s9 =	sld [smem:$0x3FAF]  }
0x2f: {  	lr =	sadd.s32 s0, s3;
	s0 =	sld [smem:$0x3FA6]  }
0x30: {  	s3 =	sld [smem:$0x3FA9]  }
0x31: {  	[smem:$0x3FB2] =	sst s10  }
0x32: {  	s10 =	sld [smem:$0x3FB0];
	_ =	sdelay $0x3  }
0x33: {  	p0 =	seq.s32 s10, $0x1;
	s10 =	sld [smem:$0x3FB2];
	_ =	sdelay $0x3  }
0x34: {  	[smem:$0x3FB2] =	sst s10  }
0x35: {  	s10 =	sld [smem:$0x3FB1];
	_ =	sdelay $0x3  }
0x36: {  	p1 =	seq.s32 s10, $0x1;
	s10 =	sld [smem:$0x3FB2];
	_ =	sdelay $0x3  }
0x37: {  	[smem:$0x3FB2] =	sst s10  }
0x38: {  	s10 =	sld [smem:$0x3FB3]  }
0x39: {  	_ = 	snop;
	(pc) =	sbr.ind lr, $3  }
0x3a: {  	_ = 	snop  }
0x3b: {  	_ = 	snop  }
0x3c: {  	p2 =	seq.s32 s10, $0x1;
	s10 =	sld [smem:$0x3FB2]  }
0x3d: {  	_ =	shalt  }
0x3e: {  	_ =	shalt  }
0x3f: {  	_ =	shalt  }
0x40: {  	_ =	shalt  }
0x41: {  	_ =	shalt  }
0x42: {  	_ =	shalt  }
0x43: {  	_ =	shalt  }
0x44: {  	_ =	shalt  }
0x45: {  	_ =	shalt  }
0x46: {  	_ =	shalt  }
0x47: {  	_ =	shalt  }
0x48: {  	_ =	shalt  }
0x49: {  	_ =	shalt  }
0x4a: {  	_ =	shalt  }
0x4b: {  	_ =	shalt  }
0x4c: {  	_ =	shalt  }
0x4d: {  	_ =	shalt  }
0x4e: {  	_ =	shalt  }
0x4f: {  	_ =	shalt  }
0x50: {  	_ =	shalt  }
0x51: {  	_ =	shalt  }
0x52: {  	_ =	shalt  }
0x53: {  	_ =	shalt  }
0x54: {  	_ =	shalt  }
0x55: {  	_ =	shalt  }
0x56: {  	_ =	shalt  }
0x57: {  	_ =	shalt  }
0x58: {  	_ =	shalt  }
0x59: {  	_ =	shalt  }
0x5a: {  	_ =	shalt  }
0x5b: {  	_ =	shalt  }
0x5c: {  	_ =	shalt  }
0x5d: {  	_ =	shalt  }
0x5e: {  	_ =	shalt  }
0x5f: {  	_ =	shalt  }
0x60: {  	_ =	shalt  }
0x61: {  	_ =	shalt  }
0x62: {  	_ =	shalt  }
0x63: {  	_ =	shalt  }
0x64: {  	_ =	shalt  }
0x65: {  	_ =	shalt  }
0x66: {  	_ =	shalt  }
0x67: {  	_ =	shalt  }
0x68: {  	_ =	shalt  }
0x69: {  	_ =	shalt  }
0x6a: {  	_ =	shalt  }
0x6b: {  	_ =	shalt  }
0x6c: {  	_ =	shalt  }
0x6d: {  	_ =	shalt  }
0x6e: {  	_ =	shalt  }
0x6f: {  	_ =	shalt  }
0x70: {  	_ =	shalt  }
0x71: {  	_ =	shalt  }
0x72: {  	_ =	shalt  }
0x73: {  	_ =	shalt  }
0x74: {  	_ =	shalt  }
0x75: {  	_ =	shalt  }
0x76: {  	_ =	shalt  }
0x77: {  	_ =	shalt  }
0x78: {  	_ =	shalt  }
0x79: {  	_ =	shalt  }
0x7a: {  	_ =	shalt  }
0x7b: {  	_ =	shalt  }
0x7c: {  	_ =	shalt  }
0x7d: {  	_ =	shalt  }
0x7e: {  	_ =	shalt  }
0x7f: {  	_ =	shalt  }
0x80: {  	_ =	shalt  }
0x81: {  	_ =	shalt  }
0x82: {  	_ =	shalt  }
0x83: {  	_ =	shalt  }
0x84: {  	_ =	shalt  }
0x85: {  	_ =	shalt  }
0x86: {  	_ =	shalt  }
0x87: {  	_ =	shalt  }
.Lfunc_end0:
.L_simem_size_0:
called_computation_lowered:
.L_overlay_start_0:
0x88: {  	s2 =	sld [smem:$0x3FD9]  }
0x89: {  	s3 =	sld [smem:$0x3FFE];
	_ =	sdelay $0x1  }
0x8a: {  	s1 =	srdreg.scid  }
0x8b: {  	s0 =	sand.u32 $0x1, s1  }
0x8c: {  	s17 =	sshll.u32 s0, $0xA;
	s2 =	sadd.s32 s3, s2  }
0x8d: {  	s2 =	sadd.s32 s2, s17  }
0x8e: {  	[smem:$0x3FBE] =	sst s2  }
0x8f: {  	_ = 	snop  }
0x90: {  	s18 =	sld [smem:$0x3FC7];
	(tm) =	ssettm $0x1  }
0x91: {  	s19 =	sld [smem:$0x3FFB];
	_ =	sdelay $0x3  }
0x92: {  	_ =	strace s19  }
0x93: {  	s2 =	sld [smem:$0x3FFC];
	_ =	sdelay $0x3  }
0x94: {  	_ =	strace s2  }
0x95: {  	s2 =	sld [smem:$0x3FFD];
	_ =	sdelay $0x3  }
0x96: {  	_ =	strace s2  }
0x97: {  	_ =	strace $0x8FFFFFFF  }
0x98: {  	s20 =	sld [smem:$0x3FDB];
	_ =	sdelay $0x1  }
0x99: {  	s4 =	simm.s32 $_scs_section_size  }
0x9a: {  	s5 =	simm.s32 $_size__tile_overlayer_lowered;
	s6 =	simm.s32 $_tile_overlayer_lowered  }
0x9b: {  	s7 =	simm.s32 $0x1BFF;
	s21 =	sshll.u32 s6, $0x1;
	s4 =	sadd.s32 s4, s20  }
0x9c: {  	s22 =	simm.s32 $0x0;
	s5 =	sshll.u32 s5, $0x1;
	s6 =	sadd.s32 s21, s4  }
0x9d: {  	[timem:s22], [sflag:s7] =	dma.local [hbm:s6], s5  }
0x9e: {  	_ =	swait.ge [sflag:s7], s5  }
0x9f: {  	s5 =	ssub.s32 $0x0, s5;
	[sflag:s7] =	ssyncset.done $0x0  }
0xa0: {  	[sflag:s7] =	ssyncadd.s32 s5;
	_ =	sdelay $0x1  }
0xa1: {  	s23 =	simm.s32 $0x1B8B  }
0xa2: {  	_ =	swait.ge [sflag:s23], $0x1  }
0xa3: {  	[sflag:s23] =	ssyncset.done $0x0  }
0xa4: {  	[sflag:s23] =	ssyncadd.s32 $0xFFFFFFFF  }
0xa5: {  	s5 =	sld [smem:$0x0]  }
0xa6: {  	s6 =	sand.u32 $0xFFFFFFFE, s1  }
0xa7: {  	p0 =	sne.s32 s1, s6  }
0xa8: {  	s6 =	sshll.u32 @p0 s6, $0xE  }
0xa9: {  	s6 =	sadd.s32 @p0 $0x11B8D, s6;
	s7 =	sshll.u32 @p0 s5, $0x11  }
0xaa: {  	s6 =	sor.u32 @p0 s7, s6  }
0xab: {  	[sflag:s6] =	ssyncadd.remote.s32 @p0 $0x1;
	_ =	sdelay $0x1  }
0xac: {  	s6 =	simm.s32 @p0 $0x1B8D  }
0xad: {  	_ =	swait.eq @p0 [sflag:s6], $0x1  }
0xae: {  	[sflag:s6] =	ssyncadd.s32 @p0 $0xFFFFFFFF  }
0xaf: {  	s7 =	sshll.u32 @!p0 s1, $0xE  }
0xb0: {  	s7 =	sor.u32 @!p0 $0x4000, s7;
	s6 =	simm.s32 @!p0 $0x1B8D  }
0xb1: {  	s5 =	sshll.u32 @!p0 s5, $0x11;
	s7 =	sadd.s32 @!p0 $0x11B8D, s7;
	_ =	swait.eq @!p0 [sflag:s6], $0x1  }
0xb2: {  	s5 =	sor.u32 @!p0 s5, s7;
	[sflag:s6] =	ssyncadd.s32 @!p0 $0xFFFFFFFF  }
0xb3: {  	s25 =	simm.s32 $0x1B8E;
	s24 =	sld [smem:$0x3FFE];
	[sflag:s5] =	ssyncadd.remote.s32 @!p0 $0x1  }
0xb4: {  	s26 =	simm.s32 $execute0_lowered;
	[smem:$0x3FD2] =	sst s25  }
0xb5: {  	s6 =	sshll.u32 s26, $0x1;
	_ =	strace $0x8000004C;
	[dreg:$0x1] =	wrdreg $0xFFFFFFFF  }
0xb6: {  	s28 =	simm.s32 $_size_execute0_lowered;
	s4 =	sadd.s32 s4, s6;
	[dreg:$0x0] =	wrdreg $0x0  }
0xb7: {  	s6 =	sshll.u32 s28, $0x1;
	[dreg:$0x2] =	wrdreg s4  }
0xb8: {  	[dreg:$0x3] =	wrdreg s6  }
0xb9: {  	[dreg:$0x4] =	wrdreg $0xC0  }
0xba: {  	_ =	task [dreg:s22], $0x5FFFF  }
0xbb: {  	[dreg:$0x1] =	wrdreg $0xFFFFFFFF  }
0xbc: {  	[dreg:$0x0] =	wrdreg $0x60  }
0xbd: {  	[dreg:$0x2] =	wrdreg s18  }
0xbe: {  	[dreg:$0x3] =	wrdreg s24  }
0xbf: {  	[dreg:$0x4] =	wrdreg $0x9  }
0xc0: {  	_ =	task.clear_ibuf [dreg:s22], $0x5FFFF;
	_ =	strace $0x9000004C  }
0xc1: {  	s29 =	simm.s32 $0x9;
	_ =	strace $0x8000004E  }
0xc2: {  	_ =	swait.ge [sflag:s29], $0x1  }
0xc3: {  	[sflag:s29] =	ssyncadd.s32 $0xFFFFFFFF  }
0xc4: {  	_ =	strace $0x9000004E  }
0xc5: {  	_ =	sfence  }
0xc6: {  	s30 =	sld [smem:$0x0];
	_ =	sdelay $0x2  }
0xc7: {  	s31 =	sshll.u32 s1, $0xD;
	s1 =	sshrl.u32 s1, $0x2  }
0xc8: {  	s4 =	sand.u32 $0x4000, s31;
	s1 =	sadd.s32 s1, s30  }
0xc9: {  	s0 =	sor.u32 s4, s0;
	s1 =	sshll.u32 s1, $0x11  }
0xca: {  	s0 =	sor.u32 s1, s0  }
0xcb: {  	s0 =	sadd.s32 $0x8F2B, s0  }
0xcc: {  	[sflag:s0] =	ssyncadd.remote.s32 $0x1  }
0xcd: {  	_ =	sfence.sel $0xFFFF  }
0xce: {  	[dreg:$0x0] =	wrdreg $0xFFFFFFFF;
	(pc) =	sbr.abs _section_cstart, $3  }
0xcf: {  	[dreg:$0x1] =	wrdreg $0xFFFFFFFF  }
0xd0: {  	_ =	task.clear_ibuf [dreg:s22], $0x2FFFF;
	_ =	strace $0x9FFFFFFF  }
0xd1: {  	(tm) =	ssettm $0x7FFFFFFF  }
tec
execute0_lowered:
.L_overlay_start_1:
0x0: {  	(tag) =	ssettag $0x1  }
0x1: {  	s1 =	srdreg.scid;
	s0 =	stileid.u32  }
0x2: {  	s2 =	rddreg [dreg:$0x0];
	s20 =	sand.u32 $0x1, s1;
	s30 =	sshll.u32 s0, $0x1  }
0x3: {  	s10 =	rddreg [dreg:$0x1];
	s11 =	sor.u32 s20, s30  }
0x4: {  	s3 =	simm.s32 $0x0;
	s1 =	rddreg [dreg:$0x2];
	s4 =	sshll.u32 s11, $0x7  }
0x5: {  	[smem:$0x7FF] =	sst s3;
	s4 =	sadd.s32 s4, s10  }
0x6: {  	_ =	strace $0x8000004D;
	s5 =	sadd.s32 $0xC5200, s4;
	s4 =	simm.s32 $0x3  }
0x7: {  	[tilespmem:s3], [sflag:$0x3] =	stream.linear.gather [hbm4b:s5+s3], $0x400, $0x38;
	[tilespmem:$0x8400] =	vst v63  }
0x8: {  	_ =	swait.ge [sflag:s4], $0x400  }
0x9: {  	[sflag:s4] =	ssyncset.done $0x0  }
0xa: {  	s6 =	simm.s32 $0x80;
	s7 =	simm.s32 $0x400;
	[sflag:s4] =	ssyncadd.s32 $0xFFFFFC00  }
0xb: {  	[tilespmem:s7], [sflag:$0x1] =	stream.indirect.gather [hbm4b:s2+s6], $0x80, s3, s6, $0xb8;
	[tilespmem:$0x8400] =	vst v63  }
0xc: {  	s8 =	simm.s32 $0x4400;
	s9 =	simm.s32 $0x1;
	s12 =	smul.u32 $0x18000, s11  }
0xd: {  	[tilespmem:s8], [sflag:$0x2] =	stream.indirect.gather [hbm4b:s2+s6], $0x80, s6, s6, $0xb8;
	[tilespmem:$0x8400] =	vst v63  }
0xe: {  	_ =	swait.ge [sflag:s9], $0x4000  }
0xf: {  	s13 =	sadd.s32 $0xC6200, s10;
	s31 =	sshrl.u32 s12, $0x3;
	[sflag:s9] =	ssyncset.done $0x0  }
0x10: {  	s10 =	sadd.s32 s13, s31;
	[sflag:s9] =	ssyncadd.s32 $0xFFFFC000  }
0x11: {  	[hbm4b:s10+s3] =	stream.linear.scatter [tilespmem:s7], [sflag:$0x3], $0x4000, $0x38;
	[tilespmem:$0x8400] =	vst v63  }
0x12: {  	_ =	swait.ge [sflag:s4], $0x4000  }
0x13: {  	s14 =	smul.u32 $0x3000, s11;
	[sflag:s4] =	ssyncset.done $0x0  }
0x14: {  	s11 =	simm.s32 $0x100;
	s12 =	simm.s32 $0x2;
	[sflag:s4] =	ssyncadd.s32 $0xFFFFC000  }
0x15: {  	[tilespmem:s7], [sflag:$0x1] =	stream.indirect.gather [hbm4b:s2+s6], $0x80, s11, s6, $0xb8;
	[tilespmem:$0x8400] =	vst v63  }
0x16: {  	_ =	swait.ge [sflag:s12], $0x4000  }
0x17: {  	s21 =	sadd.s32 s13, s14;
	[sflag:s12] =	ssyncset.done $0x0  }
0x18: {  	s13 =	sadd.s32 $0x800, s21;
	[sflag:s12] =	ssyncadd.s32 $0xFFFFC000  }
0x19: {  	[hbm4b:s13+s3] =	stream.linear.scatter [tilespmem:s8], [sflag:$0x3], $0x4000, $0x38;
	[tilespmem:$0x8400] =	vst v63  }
0x1a: {  	_ =	swait.ge [sflag:s4], $0x4000  }
0x1b: {  	[sflag:s4] =	ssyncset.done $0x0  }
0x1c: {  	s14 =	simm.s32 $0x180;
	[sflag:s4] =	ssyncadd.s32 $0xFFFFC000  }
0x1d: {  	[tilespmem:s8], [sflag:$0x2] =	stream.indirect.gather [hbm4b:s2+s6], $0x80, s14, s6, $0xb8;
	[tilespmem:$0x8400] =	vst v63  }
0x1e: {  	_ =	swait.ge [sflag:s9], $0x4000  }
0x1f: {  	[sflag:s9] =	ssyncset.done $0x0  }
0x20: {  	s15 =	sadd.s32 $0x1000, s10;
	[sflag:s9] =	ssyncadd.s32 $0xFFFFC000  }
0x21: {  	[hbm4b:s15+s3] =	stream.linear.scatter [tilespmem:s7], [sflag:$0x3], $0x4000, $0x38;
	[tilespmem:$0x8400] =	vst v63  }
0x22: {  	_ =	swait.ge [sflag:s4], $0x4000  }
0x23: {  	[sflag:s4] =	ssyncset.done $0x0  }
0x24: {  	s16 =	simm.s32 $0x200;
	[sflag:s4] =	ssyncadd.s32 $0xFFFFC000  }
0x25: {  	[tilespmem:s7], [sflag:$0x1] =	stream.indirect.gather [hbm4b:s2+s6], $0x80, s16, s6, $0xb8;
	[tilespmem:$0x8400] =	vst v63  }
0x26: {  	_ =	swait.ge [sflag:s12], $0x4000  }
0x27: {  	[sflag:s12] =	ssyncset.done $0x0  }
0x28: {  	s17 =	sadd.s32 $0x1800, s21;
	[sflag:s12] =	ssyncadd.s32 $0xFFFFC000  }
0x29: {  	[hbm4b:s17+s3] =	stream.linear.scatter [tilespmem:s8], [sflag:$0x3], $0x4000, $0x38;
	[tilespmem:$0x8400] =	vst v63  }
0x2a: {  	_ =	swait.ge [sflag:s4], $0x4000  }
0x2b: {  	[sflag:s4] =	ssyncset.done $0x0  }
0x2c: {  	s18 =	simm.s32 $0x280;
	[sflag:s4] =	ssyncadd.s32 $0xFFFFC000  }
0x2d: {  	[tilespmem:s8], [sflag:$0x2] =	stream.indirect.gather [hbm4b:s2+s6], $0x80, s18, s6, $0xb8;
	[tilespmem:$0x8400] =	vst v63  }
0x2e: {  	_ =	swait.ge [sflag:s9], $0x4000  }
0x2f: {  	[sflag:s9] =	ssyncset.done $0x0  }
0x30: {  	s20 =	ssub.s32 $0x2, s20;
	s19 =	sadd.s32 $0x2000, s10;
	[sflag:s9] =	ssyncadd.s32 $0xFFFFC000  }
0x31: {  	[hbm4b:s19+s3] =	stream.linear.scatter [tilespmem:s7], [sflag:$0x3], $0x4000, $0x38;
	[tilespmem:$0x8400] =	vst v63  }
0x32: {  	s22 =	sshrl.u32 s20, $0x1;
	_ =	swait.ge [sflag:s4], $0x4000  }
0x33: {  	s20 =	ssub.s32 s20, s22;
	[sflag:s4] =	ssyncset.done $0x0  }
0x34: {  	s22 =	smax.u32 s20, $0x1;
	[sflag:s4] =	ssyncadd.s32 $0xFFFFC000  }
0x35: {  	p0 =	sne.s32 s22, $0x1;
	_ =	swait.ge [sflag:s12], $0x4000  }
.Ltmp0:
0x36: {  	[sflag:s12] =	ssyncset.done $0x0;
	(pc) =	sbr.rel @!p0 .LBB2_2-.Ltmp0, $4  }
0x37: {  	s20 =	sadd.s32 $0x2800, s21;
	[sflag:s12] =	ssyncadd.s32 $0xFFFFC000  }
0x38: {  	[hbm4b:s20+s3] =	stream.linear.scatter [tilespmem:s8], [sflag:$0x3], $0x4000, $0x38;
	[tilespmem:$0x8400] =	vst v63  }
0x39: {  	_ =	swait.ge [sflag:s4], $0x4000  }
0x3a: {  	s21 =	sadd.s32 $0xFFFFFFFF, s22;
	[sflag:s4] =	ssyncset.done $0x0  }
.LBB2_1:
0x3b: {  	p0 =	sne.s32 s21, $0x1;
	s21 =	sadd.s32 $0xFFFFFFFF, s21;
	[sflag:s4] =	ssyncadd.s32 $0xFFFFC000  }
0x3c: {  	[tilespmem:s3], [sflag:$0x3] =	stream.linear.gather [hbm4b:s5+s3], $0x400, $0x38;
	[tilespmem:$0x8400] =	vst v63  }
0x3d: {  	_ =	swait.ge [sflag:s4], $0x400  }
0x3e: {  	[sflag:s4] =	ssyncset.done $0x0  }
0x3f: {  	[sflag:s4] =	ssyncadd.s32 $0xFFFFFC00  }
0x40: {  	[tilespmem:s7], [sflag:$0x1] =	stream.indirect.gather [hbm4b:s2+s6], $0x80, s3, s6, $0xb8;
	[tilespmem:$0x8400] =	vst v63  }
0x41: {  	_ = 	snop  }
0x42: {  	[tilespmem:s8], [sflag:$0x2] =	stream.indirect.gather [hbm4b:s2+s6], $0x80, s6, s6, $0xb8;
	[tilespmem:$0x8400] =	vst v63  }
0x43: {  	_ =	swait.ge [sflag:s9], $0x4000  }
0x44: {  	[sflag:s9] =	ssyncset.done $0x0  }
0x45: {  	[sflag:s9] =	ssyncadd.s32 $0xFFFFC000  }
0x46: {  	[hbm4b:s10+s3] =	stream.linear.scatter [tilespmem:s7], [sflag:$0x3], $0x4000, $0x38;
	[tilespmem:$0x8400] =	vst v63  }
0x47: {  	_ =	swait.ge [sflag:s4], $0x4000  }
0x48: {  	[sflag:s4] =	ssyncset.done $0x0  }
0x49: {  	[sflag:s4] =	ssyncadd.s32 $0xFFFFC000  }
0x4a: {  	[tilespmem:s7], [sflag:$0x1] =	stream.indirect.gather [hbm4b:s2+s6], $0x80, s11, s6, $0xb8;
	[tilespmem:$0x8400] =	vst v63  }
0x4b: {  	_ =	swait.ge [sflag:s12], $0x4000  }
0x4c: {  	[sflag:s12] =	ssyncset.done $0x0  }
0x4d: {  	[sflag:s12] =	ssyncadd.s32 $0xFFFFC000  }
0x4e: {  	[hbm4b:s13+s3] =	stream.linear.scatter [tilespmem:s8], [sflag:$0x3], $0x4000, $0x38;
	[tilespmem:$0x8400] =	vst v63  }
0x4f: {  	_ =	swait.ge [sflag:s4], $0x4000  }
0x50: {  	[sflag:s4] =	ssyncset.done $0x0  }
0x51: {  	[sflag:s4] =	ssyncadd.s32 $0xFFFFC000  }
0x52: {  	[tilespmem:s8], [sflag:$0x2] =	stream.indirect.gather [hbm4b:s2+s6], $0x80, s14, s6, $0xb8;
	[tilespmem:$0x8400] =	vst v63  }
0x53: {  	_ =	swait.ge [sflag:s9], $0x4000  }
0x54: {  	[sflag:s9] =	ssyncset.done $0x0  }
0x55: {  	[sflag:s9] =	ssyncadd.s32 $0xFFFFC000  }
0x56: {  	[hbm4b:s15+s3] =	stream.linear.scatter [tilespmem:s7], [sflag:$0x3], $0x4000, $0x38;
	[tilespmem:$0x8400] =	vst v63  }
0x57: {  	_ =	swait.ge [sflag:s4], $0x4000  }
0x58: {  	[sflag:s4] =	ssyncset.done $0x0  }
0x59: {  	[sflag:s4] =	ssyncadd.s32 $0xFFFFC000  }
0x5a: {  	[tilespmem:s7], [sflag:$0x1] =	stream.indirect.gather [hbm4b:s2+s6], $0x80, s16, s6, $0xb8;
	[tilespmem:$0x8400] =	vst v63  }
0x5b: {  	_ =	swait.ge [sflag:s12], $0x4000  }
0x5c: {  	[sflag:s12] =	ssyncset.done $0x0  }
0x5d: {  	[sflag:s12] =	ssyncadd.s32 $0xFFFFC000  }
0x5e: {  	[hbm4b:s17+s3] =	stream.linear.scatter [tilespmem:s8], [sflag:$0x3], $0x4000, $0x38;
	[tilespmem:$0x8400] =	vst v63  }
0x5f: {  	_ =	swait.ge [sflag:s4], $0x4000  }
0x60: {  	[sflag:s4] =	ssyncset.done $0x0  }
0x61: {  	[sflag:s4] =	ssyncadd.s32 $0xFFFFC000  }
0x62: {  	[tilespmem:s8], [sflag:$0x2] =	stream.indirect.gather [hbm4b:s2+s6], $0x80, s18, s6, $0xb8;
	[tilespmem:$0x8400] =	vst v63  }
0x63: {  	_ =	swait.ge [sflag:s9], $0x4000  }
0x64: {  	[sflag:s9] =	ssyncset.done $0x0  }
0x65: {  	[sflag:s9] =	ssyncadd.s32 $0xFFFFC000  }
0x66: {  	[hbm4b:s19+s3] =	stream.linear.scatter [tilespmem:s7], [sflag:$0x3], $0x4000, $0x38;
	[tilespmem:$0x8400] =	vst v63  }
0x67: {  	_ =	swait.ge [sflag:s4], $0x4000  }
0x68: {  	[sflag:s4] =	ssyncset.done $0x0  }
0x69: {  	[sflag:s4] =	ssyncadd.s32 $0xFFFFC000  }
0x6a: {  	_ =	swait.ge [sflag:s12], $0x4000  }
.Ltmp1:
0x6b: {  	[sflag:s12] =	ssyncset.done $0x0;
	(pc) =	sbr.rel @p0 .LBB2_1-.Ltmp1, $4  }
0x6c: {  	[sflag:s12] =	ssyncadd.s32 $0xFFFFC000  }
0x6d: {  	[hbm4b:s20+s3] =	stream.linear.scatter [tilespmem:s8], [sflag:$0x3], $0x4000, $0x38;
	[tilespmem:$0x8400] =	vst v63  }
0x6e: {  	_ =	swait.ge [sflag:s4], $0x4000  }
0x6f: {  	[sflag:s4] =	ssyncset.done $0x0  }
.LBB2_2:
0x70: {  	[sflag:s4] =	ssyncadd.s32 $0xFFFFC000  }
0x71: {  	_ =	sfence.sel $0x180000  }
0x72: {  	[bflag:$0x0] =	sbarrier.arrive $0xFFFF  }
0x73: {  	p0 =	sne.s32 s0, $0x0;
	_ =	strace $0x9000004D  }
0x74: {  	s0 =	sadd.s32 @!p0 $0x100000, s1;
	[bflag:$0x2] =	sbarrier.arrive $0xFFFF  }
0x75: {  	[sflag:s0] =	ssyncadd.tile.s32 @!p0 $0x1;
	_ =	shalt  }
.Lfunc_end2:
_tile_overlayer_lowered:
.L_overlay_start_2:
0x76: {  	(tag) =	ssettag $0x2  }
0x77: {  	s0 =	rddreg [dreg:$0x0];
	s2 =	stileid.u32  }
0x78: {  	s1 =	rddreg [dreg:$0x1];
	p0 =	sne.s32 s2, $0x0  }
0x79: {  	s3 =	rddreg [dreg:$0x2];
	[bflag:$0x3] =	sbarrier.arrive $0xFFFF;
	s2 =	simm.s32 @!p0 $0x1C03  }
0x7a: {  	[timem:s3], [sflag:s2] =	dma.local @!p0 [hbm:s0], s1  }
0x7b: {  	s0 =	simm.s32 @!p0 $0x3  }
0x7c: {  	_ =	swait.ge @!p0 [sflag:s0], s1  }
0x7d: {  	s1 =	ssub.s32 @!p0 $0x0, s1;
	[sflag:s0] =	ssyncset.done @!p0 $0x0  }
0x7e: {  	[sflag:s0] =	ssyncadd.s32 @!p0 s1  }
0x7f: {  	[bflag:$0x3] =	sbarrier.arrive $0xFFFF  }
0x80: {  	_ =	shalt  }

// kernel: kernel.14.cloned.1.call-start
scs
__scs_entry_jumppad:
0x0: {  	(pc) =	sbr.rel $0x88, $3  }
0x1: {  	(tag) =	ssettag $0x0;
	lr =	simm.s32 $0x1  }
0x2: {  	[smem:$0x3F97] =	sst lr;
	_ =	strace $0xD0000000  }
0x3: {  	_ = 	snop  }
0x4: {  	_ = 	snop  }
0x5: {  	_ = 	snop  }
0x6: {  	_ = 	snop  }
0x7: {  	_ = 	snop  }
__scs_overlays_trampoline_lowered:
0x8: {  	[smem:$0x3FA6] =	sst s0  }
0x9: {  	[smem:$0x3FA7] =	sst s1  }
0xa: {  	[smem:$0x3FA8] =	sst s2  }
0xb: {  	[smem:$0x3FA9] =	sst s3  }
0xc: {  	[smem:$0x3FAA] =	sst s4  }
0xd: {  	[smem:$0x3FAB] =	sst s5  }
0xe: {  	[smem:$0x3FAC] =	sst s6  }
0xf: {  	[smem:$0x3FAD] =	sst s7  }
0x10: {  	[smem:$0x3FAE] =	sst s8  }
0x11: {  	[smem:$0x3FAF] =	sst s9;
	s0 =	simm.s32 @!p0 $0x0  }
0x12: {  	s1 =	sld [smem:$0x3F95];
	s0 =	simm.s32 @p0 $0x1  }
0x13: {  	[smem:$0x3FB0] =	sst s0;
	s0 =	simm.s32 @!p1 $0x0  }
0x14: {  	s2 =	sld [smem:$0x3F94];
	s0 =	simm.s32 @p1 $0x1  }
0x15: {  	[smem:$0x3FB1] =	sst s0;
	s0 =	simm.s32 @!p2 $0x0  }
0x16: {  	s3 =	sld [smem:$0x3FDB];
	s0 =	simm.s32 @p2 $0x1  }
0x17: {  	s4 =	simm.s32 $0x1BF5;
	[smem:$0x3FB3] =	sst s0  }
0x18: {  	s0 =	sld [smem:$0x3F96];
	_ =	swait.ge [sflag:s4], $0x0  }
0x19: {  	s7 =	sld [smem:$0x3F97]  }
0x1a: {  	s8 =	sadd.s32 $0xFFFFE003, lr  }
0x1b: {  	s9 =	sadd.s32 $0xFFFFFEF7, lr;
	s5 =	simm.s32 $0xFFFFFFFF;
	p2 =	slt.u32 s8, $0xFFFFF086  }
0x1c: {  	p1 =	slt.u32 s9, $0xF7A;
	s5 =	simm.s32 @!p2 $0x0  }
0x1d: {  	s5 =	simm.s32 @p1 $0x1;
	p0 =	seq.s32 s7, s2  }
0x1e: {  	s7 =	smul.u32 @!p0 $0xF7A, s2;
	p2 =	seq.s32 @!p0 s5, $0x0  }
0x1f: {  	s9 =	smul.u32 $0xF7A, s1;
	s8 =	simm.s32 @!p0 $0x1BF5;
	p2 =	por !p2, p0  }
0x20: {  	[sflag:s8] =	ssyncset.s32 @!p0 $0xFFFFF086;
	s6 =	sadd.s32 @!p0 s3, s7;
	s7 =	simm.s32 @!p0 $0x108  }
0x21: {  	s3 =	sadd.s32 s3, s9;
	s6 =	sadd.s32 @!p0 $0x88, s6;
	s7 =	simm.s32 @p2 $0x1082  }
0x22: {  	[simem:s7], [sflag:s8] =	dma.local @!p0 [hbm:s6], $0xF7A  }
0x23: {  	s9 =	sor.u32 $0xD0000000, s2;
	s6 =	simm.s32 $0x108;
	_ =	swait.ge @!p0 [sflag:s8], $0x0  }
0x24: {  	s3 =	sadd.s32 $0x88, s3;
	s6 =	simm.s32 @!p1 $0x1082;
	[sflag:s4] =	ssyncset.s32 $0xFFFFF086  }
0x25: {  	[simem:s6], [sflag:s4] =	dma.local [hbm:s3], $0xF7A  }
0x26: {  	[smem:$0x3F97] =	sst s1;
	(tag) =	ssettag s2;
	_ =	strace s9  }
0x27: {  	s1 =	sld [smem:$0x3FA7]  }
0x28: {  	s2 =	sld [smem:$0x3FA8]  }
0x29: {  	s4 =	sld [smem:$0x3FAA]  }
0x2a: {  	p0 =	seq.s32 s5, $0x0;
	s5 =	sld [smem:$0x3FAB]  }
0x2b: {  	s6 =	sld [smem:$0x3FAC]  }
0x2c: {  	s7 =	sld [smem:$0x3FAD]  }
0x2d: {  	s3 =	simm.s32 $0x108;
	s8 =	sld [smem:$0x3FAE]  }
0x2e: {  	s3 =	simm.s32 @!p0 $0x1082;
	s9 =	sld [smem:$0x3FAF]  }
0x2f: {  	lr =	sadd.s32 s0, s3;
	s0 =	sld [smem:$0x3FA6]  }
0x30: {  	s3 =	sld [smem:$0x3FA9]  }
0x31: {  	[smem:$0x3FB2] =	sst s10  }
0x32: {  	s10 =	sld [smem:$0x3FB0];
	_ =	sdelay $0x3  }
0x33: {  	p0 =	seq.s32 s10, $0x1;
	s10 =	sld [smem:$0x3FB2];
	_ =	sdelay $0x3  }
0x34: {  	[smem:$0x3FB2] =	sst s10  }
0x35: {  	s10 =	sld [smem:$0x3FB1];
	_ =	sdelay $0x3  }
0x36: {  	p1 =	seq.s32 s10, $0x1;
	s10 =	sld [smem:$0x3FB2];
	_ =	sdelay $0x3  }
0x37: {  	[smem:$0x3FB2] =	sst s10  }
0x38: {  	s10 =	sld [smem:$0x3FB3]  }
0x39: {  	_ = 	snop;
	(pc) =	sbr.ind lr, $3  }
0x3a: {  	_ = 	snop  }
0x3b: {  	_ = 	snop  }
0x3c: {  	p2 =	seq.s32 s10, $0x1;
	s10 =	sld [smem:$0x3FB2]  }
0x3d: {  	_ =	shalt  }
0x3e: {  	_ =	shalt  }
0x3f: {  	_ =	shalt  }
0x40: {  	_ =	shalt  }
0x41: {  	_ =	shalt  }
0x42: {  	_ =	shalt  }
0x43: {  	_ =	shalt  }
0x44: {  	_ =	shalt  }
0x45: {  	_ =	shalt  }
0x46: {  	_ =	shalt  }
0x47: {  	_ =	shalt  }
0x48: {  	_ =	shalt  }
0x49: {  	_ =	shalt  }
0x4a: {  	_ =	shalt  }
0x4b: {  	_ =	shalt  }
0x4c: {  	_ =	shalt  }
0x4d: {  	_ =	shalt  }
0x4e: {  	_ =	shalt  }
0x4f: {  	_ =	shalt  }
0x50: {  	_ =	shalt  }
0x51: {  	_ =	shalt  }
0x52: {  	_ =	shalt  }
0x53: {  	_ =	shalt  }
0x54: {  	_ =	shalt  }
0x55: {  	_ =	shalt  }
0x56: {  	_ =	shalt  }
0x57: {  	_ =	shalt  }
0x58: {  	_ =	shalt  }
0x59: {  	_ =	shalt  }
0x5a: {  	_ =	shalt  }
0x5b: {  	_ =	shalt  }
0x5c: {  	_ =	shalt  }
0x5d: {  	_ =	shalt  }
0x5e: {  	_ =	shalt  }
0x5f: {  	_ =	shalt  }
0x60: {  	_ =	shalt  }
0x61: {  	_ =	shalt  }
0x62: {  	_ =	shalt  }
0x63: {  	_ =	shalt  }
0x64: {  	_ =	shalt  }
0x65: {  	_ =	shalt  }
0x66: {  	_ =	shalt  }
0x67: {  	_ =	shalt  }
0x68: {  	_ =	shalt  }
0x69: {  	_ =	shalt  }
0x6a: {  	_ =	shalt  }
0x6b: {  	_ =	shalt  }
0x6c: {  	_ =	shalt  }
0x6d: {  	_ =	shalt  }
0x6e: {  	_ =	shalt  }
0x6f: {  	_ =	shalt  }
0x70: {  	_ =	shalt  }
0x71: {  	_ =	shalt  }
0x72: {  	_ =	shalt  }
0x73: {  	_ =	shalt  }
0x74: {  	_ =	shalt  }
0x75: {  	_ =	shalt  }
0x76: {  	_ =	shalt  }
0x77: {  	_ =	shalt  }
0x78: {  	_ =	shalt  }
0x79: {  	_ =	shalt  }
0x7a: {  	_ =	shalt  }
0x7b: {  	_ =	shalt  }
0x7c: {  	_ =	shalt  }
0x7d: {  	_ =	shalt  }
0x7e: {  	_ =	shalt  }
0x7f: {  	_ =	shalt  }
0x80: {  	_ =	shalt  }
0x81: {  	_ =	shalt  }
0x82: {  	_ =	shalt  }
0x83: {  	_ =	shalt  }
0x84: {  	_ =	shalt  }
0x85: {  	_ =	shalt  }
0x86: {  	_ =	shalt  }
0x87: {  	_ =	shalt  }
.Lfunc_end0:
.L_simem_size_0:
called_computation.1_lowered:
.L_overlay_start_0:
0x88: {  	s2 =	sld [smem:$0x3FD9]  }
0x89: {  	s3 =	sld [smem:$0x3FFE];
	_ =	sdelay $0x1  }
0x8a: {  	s1 =	srdreg.scid  }
0x8b: {  	s0 =	sand.u32 $0x1, s1  }
0x8c: {  	s17 =	sshll.u32 s0, $0xA;
	s2 =	sadd.s32 s3, s2  }
0x8d: {  	s2 =	sadd.s32 s2, s17  }
0x8e: {  	[smem:$0x3FBE] =	sst s2  }
0x8f: {  	_ = 	snop  }
0x90: {  	s2 =	sld [smem:$0x3FC7];
	(tm) =	ssettm $0x1  }
0x91: {  	s18 =	sld [smem:$0x3FFB];
	_ =	sdelay $0x3  }
0x92: {  	_ =	strace s18  }
0x93: {  	s3 =	sld [smem:$0x3FFC];
	_ =	sdelay $0x3  }
0x94: {  	_ =	strace s3  }
0x95: {  	s3 =	sld [smem:$0x3FFD];
	_ =	sdelay $0x3  }
0x96: {  	_ =	strace s3  }
0x97: {  	_ =	strace $0x8FFFFFFF  }
0x98: {  	s19 =	sld [smem:$0x3FDB];
	_ =	sdelay $0x1  }
0x99: {  	s4 =	simm.s32 $_scs_section_size  }
0x9a: {  	s5 =	simm.s32 $_size__tile_overlayer_lowered;
	s6 =	simm.s32 $_tile_overlayer_lowered  }
0x9b: {  	s22 =	simm.s32 $0x1BFF;
	s21 =	sshll.u32 s6, $0x1;
	s3 =	sadd.s32 s4, s19  }
0x9c: {  	s7 =	simm.s32 $0x0;
	s20 =	sshll.u32 s5, $0x1;
	s5 =	sadd.s32 s21, s3  }
0x9d: {  	[timem:s7], [sflag:s22] =	dma.local [hbm:s5], s20  }
0x9e: {  	_ =	swait.ge [sflag:s22], s20  }
0x9f: {  	s4 =	ssub.s32 $0x0, s20;
	[sflag:s22] =	ssyncset.done $0x0  }
0xa0: {  	[sflag:s22] =	ssyncadd.s32 s4;
	_ =	sdelay $0x1  }
0xa1: {  	s23 =	simm.s32 $0x1B8B  }
0xa2: {  	_ =	swait.ge [sflag:s23], $0x1  }
0xa3: {  	[sflag:s23] =	ssyncset.done $0x0  }
0xa4: {  	s25 =	simm.s32 $0x1B8E;
	s24 =	sld [smem:$0x3FFE];
	[sflag:s23] =	ssyncadd.s32 $0xFFFFFFFF  }
0xa5: {  	s26 =	simm.s32 $execute0_lowered;
	[smem:$0x3FD2] =	sst s25  }
0xa6: {  	s5 =	sshll.u32 s26, $0x1;
	_ =	strace $0x80000046;
	[dreg:$0x1] =	wrdreg $0xFFFFFFFF  }
0xa7: {  	s28 =	simm.s32 $_size_execute0_lowered;
	s3 =	sadd.s32 s3, s5;
	[dreg:$0x0] =	wrdreg $0x0  }
0xa8: {  	s5 =	sshll.u32 s28, $0x1;
	[dreg:$0x2] =	wrdreg s3  }
0xa9: {  	[dreg:$0x3] =	wrdreg s5  }
0xaa: {  	[dreg:$0x4] =	wrdreg $0xC0  }
0xab: {  	_ =	task [dreg:s7], $0x5FFFF  }
0xac: {  	[dreg:$0x1] =	wrdreg $0xFFFFFFFF  }
0xad: {  	[dreg:$0x0] =	wrdreg $0x60  }
0xae: {  	[dreg:$0x2] =	wrdreg s2  }
0xaf: {  	[dreg:$0x3] =	wrdreg s24  }
0xb0: {  	[dreg:$0x4] =	wrdreg $0xA  }
0xb1: {  	_ =	task.clear_ibuf [dreg:s7], $0x5FFFF;
	_ =	strace $0x90000046  }
0xb2: {  	s29 =	simm.s32 $0xA;
	_ =	strace $0x80000048  }
0xb3: {  	_ =	swait.ge [sflag:s29], $0x1  }
0xb4: {  	[sflag:s29] =	ssyncadd.s32 $0xFFFFFFFF  }
0xb5: {  	_ =	strace $0x90000048  }
0xb6: {  	_ =	sfence  }
0xb7: {  	s30 =	sld [smem:$0x0];
	_ =	sdelay $0x2  }
0xb8: {  	s31 =	sshll.u32 s1, $0xD;
	s1 =	sshrl.u32 s1, $0x2  }
0xb9: {  	s3 =	sand.u32 $0x4000, s31;
	s1 =	sadd.s32 s1, s30  }
0xba: {  	s0 =	sor.u32 s3, s0;
	s1 =	sshll.u32 s1, $0x11  }
0xbb: {  	s0 =	sor.u32 s1, s0  }
0xbc: {  	s0 =	sadd.s32 $0x8F2B, s0  }
0xbd: {  	[sflag:s0] =	ssyncadd.remote.s32 $0x1  }
0xbe: {  	_ =	sfence.sel $0xFFFF  }
0xbf: {  	[dreg:$0x0] =	wrdreg $0xFFFFFFFF;
	(pc) =	sbr.abs _section_cstart, $3  }
0xc0: {  	[dreg:$0x1] =	wrdreg $0xFFFFFFFF  }
0xc1: {  	_ =	task.clear_ibuf [dreg:s7], $0x2FFFF;
	_ =	strace $0x9FFFFFFF  }
0xc2: {  	(tm) =	ssettm $0x7FFFFFFF  }
0xc3: {  	_ =	shalt  }
tec
execute0_lowered:
.L_overlay_start_1:
0x0: {  	(tag) =	ssettag $0x1  }
0x1: {  	s1 =	srdreg.scid;
	s0 =	stileid.u32  }
0x2: {  	s2 =	rddreg [dreg:$0x0];
	s20 =	sand.u32 $0x1, s1;
	s30 =	sshll.u32 s0, $0x1  }
0x3: {  	s10 =	rddreg [dreg:$0x1];
	s11 =	sor.u32 s20, s30  }
0x4: {  	s3 =	simm.s32 $0x0;
	s1 =	rddreg [dreg:$0x2];
	s4 =	sshll.u32 s11, $0x7  }
0x5: {  	[smem:$0x7FF] =	sst s3;
	s4 =	sadd.s32 s4, s10  }
0x6: {  	_ =	strace $0x80000047;
	s5 =	sadd.s32 $0x3200, s4;
	s4 =	simm.s32 $0x3  }
0x7: {  	[tilespmem:s3], [sflag:$0x3] =	stream.linear.gather [hbm4b:s5+s3], $0x400, $0x38;
	[tilespmem:$0x8400] =	vst v63  }
0x8: {  	_ =	swait.ge [sflag:s4], $0x400  }
0x9: {  	[sflag:s4] =	ssyncset.done $0x0  }
0xa: {  	s6 =	simm.s32 $0x80;
	s7 =	simm.s32 $0x400;
	[sflag:s4] =	ssyncadd.s32 $0xFFFFFC00  }
0xb: {  	[tilespmem:s7], [sflag:$0x1] =	stream.indirect.gather [hbm4b:s2+s6], $0x80, s3, s6, $0xb8;
	[tilespmem:$0x8400] =	vst v63  }
0xc: {  	s8 =	simm.s32 $0x4400;
	s9 =	simm.s32 $0x1;
	s12 =	smul.u32 $0x18000, s11  }
0xd: {  	[tilespmem:s8], [sflag:$0x2] =	stream.indirect.gather [hbm4b:s2+s6], $0x80, s6, s6, $0xb8;
	[tilespmem:$0x8400] =	vst v63  }
0xe: {  	_ =	swait.ge [sflag:s9], $0x4000  }
0xf: {  	s13 =	sadd.s32 $0x4200, s10;
	s31 =	sshrl.u32 s12, $0x3;
	[sflag:s9] =	ssyncset.done $0x0  }
0x10: {  	s10 =	sadd.s32 s13, s31;
	[sflag:s9] =	ssyncadd.s32 $0xFFFFC000  }
0x11: {  	[hbm4b:s10+s3] =	stream.linear.scatter [tilespmem:s7], [sflag:$0x3], $0x4000, $0x38;
	[tilespmem:$0x8400] =	vst v63  }
0x12: {  	_ =	swait.ge [sflag:s4], $0x4000  }
0x13: {  	s14 =	smul.u32 $0x3000, s11;
	[sflag:s4] =	ssyncset.done $0x0  }
0x14: {  	s11 =	simm.s32 $0x100;
	s12 =	simm.s32 $0x2;
	[sflag:s4] =	ssyncadd.s32 $0xFFFFC000  }
0x15: {  	[tilespmem:s7], [sflag:$0x1] =	stream.indirect.gather [hbm4b:s2+s6], $0x80, s11, s6, $0xb8;
	[tilespmem:$0x8400] =	vst v63  }
0x16: {  	_ =	swait.ge [sflag:s12], $0x4000  }
0x17: {  	s21 =	sadd.s32 s13, s14;
	[sflag:s12] =	ssyncset.done $0x0  }
0x18: {  	s13 =	sadd.s32 $0x800, s21;
	[sflag:s12] =	ssyncadd.s32 $0xFFFFC000  }
0x19: {  	[hbm4b:s13+s3] =	stream.linear.scatter [tilespmem:s8], [sflag:$0x3], $0x4000, $0x38;
	[tilespmem:$0x8400] =	vst v63  }
0x1a: {  	_ =	swait.ge [sflag:s4], $0x4000  }
0x1b: {  	[sflag:s4] =	ssyncset.done $0x0  }
0x1c: {  	s14 =	simm.s32 $0x180;
	[sflag:s4] =	ssyncadd.s32 $0xFFFFC000  }
0x1d: {  	[tilespmem:s8], [sflag:$0x2] =	stream.indirect.gather [hbm4b:s2+s6], $0x80, s14, s6, $0xb8;
	[tilespmem:$0x8400] =	vst v63  }
0x1e: {  	_ =	swait.ge [sflag:s9], $0x4000  }
0x1f: {  	[sflag:s9] =	ssyncset.done $0x0  }
0x20: {  	s15 =	sadd.s32 $0x1000, s10;
	[sflag:s9] =	ssyncadd.s32 $0xFFFFC000  }
0x21: {  	[hbm4b:s15+s3] =	stream.linear.scatter [tilespmem:s7], [sflag:$0x3], $0x4000, $0x38;
	[tilespmem:$0x8400] =	vst v63  }
0x22: {  	_ =	swait.ge [sflag:s4], $0x4000  }
0x23: {  	[sflag:s4] =	ssyncset.done $0x0  }
0x24: {  	s16 =	simm.s32 $0x200;
	[sflag:s4] =	ssyncadd.s32 $0xFFFFC000  }
0x25: {  	[tilespmem:s7], [sflag:$0x1] =	stream.indirect.gather [hbm4b:s2+s6], $0x80, s16, s6, $0xb8;
	[tilespmem:$0x8400] =	vst v63  }
0x26: {  	_ =	swait.ge [sflag:s12], $0x4000  }
0x27: {  	[sflag:s12] =	ssyncset.done $0x0  }
0x28: {  	s17 =	sadd.s32 $0x1800, s21;
	[sflag:s12] =	ssyncadd.s32 $0xFFFFC000  }
0x29: {  	[hbm4b:s17+s3] =	stream.linear.scatter [tilespmem:s8], [sflag:$0x3], $0x4000, $0x38;
	[tilespmem:$0x8400] =	vst v63  }
0x2a: {  	_ =	swait.ge [sflag:s4], $0x4000  }
0x2b: {  	[sflag:s4] =	ssyncset.done $0x0  }
0x2c: {  	s18 =	simm.s32 $0x280;
	[sflag:s4] =	ssyncadd.s32 $0xFFFFC000  }
0x2d: {  	[tilespmem:s8], [sflag:$0x2] =	stream.indirect.gather [hbm4b:s2+s6], $0x80, s18, s6, $0xb8;
	[tilespmem:$0x8400] =	vst v63  }
0x2e: {  	_ =	swait.ge [sflag:s9], $0x4000  }
0x2f: {  	[sflag:s9] =	ssyncset.done $0x0  }
0x30: {  	s20 =	ssub.s32 $0x2, s20;
	s19 =	sadd.s32 $0x2000, s10;
	[sflag:s9] =	ssyncadd.s32 $0xFFFFC000  }
0x31: {  	[hbm4b:s19+s3] =	stream.linear.scatter [tilespmem:s7], [sflag:$0x3], $0x4000, $0x38;
	[tilespmem:$0x8400] =	vst v63  }
0x32: {  	s22 =	sshrl.u32 s20, $0x1;
	_ =	swait.ge [sflag:s4], $0x4000  }
0x33: {  	s20 =	ssub.s32 s20, s22;
	[sflag:s4] =	ssyncset.done $0x0  }
0x34: {  	s22 =	smax.u32 s20, $0x1;
	[sflag:s4] =	ssyncadd.s32 $0xFFFFC000  }
0x35: {  	p0 =	sne.s32 s22, $0x1;
	_ =	swait.ge [sflag:s12], $0x4000  }
.Ltmp0:
0x36: {  	[sflag:s12] =	ssyncset.done $0x0;
	(pc) =	sbr.rel @!p0 .LBB2_2-.Ltmp0, $4  }
0x37: {  	s20 =	sadd.s32 $0x2800, s21;
	[sflag:s12] =	ssyncadd.s32 $0xFFFFC000  }
0x38: {  	[hbm4b:s20+s3] =	stream.linear.scatter [tilespmem:s8], [sflag:$0x3], $0x4000, $0x38;
	[tilespmem:$0x8400] =	vst v63  }
0x39: {  	_ =	swait.ge [sflag:s4], $0x4000  }
0x3a: {  	s21 =	sadd.s32 $0xFFFFFFFF, s22;
	[sflag:s4] =	ssyncset.done $0x0  }
.LBB2_1:
0x3b: {  	p0 =	sne.s32 s21, $0x1;
	s21 =	sadd.s32 $0xFFFFFFFF, s21;
	[sflag:s4] =	ssyncadd.s32 $0xFFFFC000  }
0x3c: {  	[tilespmem:s3], [sflag:$0x3] =	stream.linear.gather [hbm4b:s5+s3], $0x400, $0x38;
	[tilespmem:$0x8400] =	vst v63  }
0x3d: {  	_ =	swait.ge [sflag:s4], $0x400  }
0x3e: {  	[sflag:s4] =	ssyncset.done $0x0  }
0x3f: {  	[sflag:s4] =	ssyncadd.s32 $0xFFFFFC00  }
0x40: {  	[tilespmem:s7], [sflag:$0x1] =	stream.indirect.gather [hbm4b:s2+s6], $0x80, s3, s6, $0xb8;
	[tilespmem:$0x8400] =	vst v63  }
0x41: {  	_ = 	snop  }
0x42: {  	[tilespmem:s8], [sflag:$0x2] =	stream.indirect.gather [hbm4b:s2+s6], $0x80, s6, s6, $0xb8;
	[tilespmem:$0x8400] =	vst v63  }
0x43: {  	_ =	swait.ge [sflag:s9], $0x4000  }
0x44: {  	[sflag:s9] =	ssyncset.done $0x0  }
0x45: {  	[sflag:s9] =	ssyncadd.s32 $0xFFFFC000  }
0x46: {  	[hbm4b:s10+s3] =	stream.linear.scatter [tilespmem:s7], [sflag:$0x3], $0x4000, $0x38;
	[tilespmem:$0x8400] =	vst v63  }
0x47: {  	_ =	swait.ge [sflag:s4], $0x4000  }
0x48: {  	[sflag:s4] =	ssyncset.done $0x0  }
0x49: {  	[sflag:s4] =	ssyncadd.s32 $0xFFFFC000  }
0x4a: {  	[tilespmem:s7], [sflag:$0x1] =	stream.indirect.gather [hbm4b:s2+s6], $0x80, s11, s6, $0xb8;
	[tilespmem:$0x8400] =	vst v63  }
0x4b: {  	_ =	swait.ge [sflag:s12], $0x4000  }
0x4c: {  	[sflag:s12] =	ssyncset.done $0x0  }
0x4d: {  	[sflag:s12] =	ssyncadd.s32 $0xFFFFC000  }
0x4e: {  	[hbm4b:s13+s3] =	stream.linear.scatter [tilespmem:s8], [sflag:$0x3], $0x4000, $0x38;
	[tilespmem:$0x8400] =	vst v63  }
0x4f: {  	_ =	swait.ge [sflag:s4], $0x4000  }
0x50: {  	[sflag:s4] =	ssyncset.done $0x0  }
0x51: {  	[sflag:s4] =	ssyncadd.s32 $0xFFFFC000  }
0x52: {  	[tilespmem:s8], [sflag:$0x2] =	stream.indirect.gather [hbm4b:s2+s6], $0x80, s14, s6, $0xb8;
	[tilespmem:$0x8400] =	vst v63  }
0x53: {  	_ =	swait.ge [sflag:s9], $0x4000  }
0x54: {  	[sflag:s9] =	ssyncset.done $0x0  }
0x55: {  	[sflag:s9] =	ssyncadd.s32 $0xFFFFC000  }
0x56: {  	[hbm4b:s15+s3] =	stream.linear.scatter [tilespmem:s7], [sflag:$0x3], $0x4000, $0x38;
	[tilespmem:$0x8400] =	vst v63  }
0x57: {  	_ =	swait.ge [sflag:s4], $0x4000  }
0x58: {  	[sflag:s4] =	ssyncset.done $0x0  }
0x59: {  	[sflag:s4] =	ssyncadd.s32 $0xFFFFC000  }
0x5a: {  	[tilespmem:s7], [sflag:$0x1] =	stream.indirect.gather [hbm4b:s2+s6], $0x80, s16, s6, $0xb8;
	[tilespmem:$0x8400] =	vst v63  }
0x5b: {  	_ =	swait.ge [sflag:s12], $0x4000  }
0x5c: {  	[sflag:s12] =	ssyncset.done $0x0  }
0x5d: {  	[sflag:s12] =	ssyncadd.s32 $0xFFFFC000  }
0x5e: {  	[hbm4b:s17+s3] =	stream.linear.scatter [tilespmem:s8], [sflag:$0x3], $0x4000, $0x38;
	[tilespmem:$0x8400] =	vst v63  }
0x5f: {  	_ =	swait.ge [sflag:s4], $0x4000  }
0x60: {  	[sflag:s4] =	ssyncset.done $0x0  }
0x61: {  	[sflag:s4] =	ssyncadd.s32 $0xFFFFC000  }
0x62: {  	[tilespmem:s8], [sflag:$0x2] =	stream.indirect.gather [hbm4b:s2+s6], $0x80, s18, s6, $0xb8;
	[tilespmem:$0x8400] =	vst v63  }
0x63: {  	_ =	swait.ge [sflag:s9], $0x4000  }
0x64: {  	[sflag:s9] =	ssyncset.done $0x0  }
0x65: {  	[sflag:s9] =	ssyncadd.s32 $0xFFFFC000  }
0x66: {  	[hbm4b:s19+s3] =	stream.linear.scatter [tilespmem:s7], [sflag:$0x3], $0x4000, $0x38;
	[tilespmem:$0x8400] =	vst v63  }
0x67: {  	_ =	swait.ge [sflag:s4], $0x4000  }
0x68: {  	[sflag:s4] =	ssyncset.done $0x0  }
0x69: {  	[sflag:s4] =	ssyncadd.s32 $0xFFFFC000  }
0x6a: {  	_ =	swait.ge [sflag:s12], $0x4000  }
.Ltmp1:
0x6b: {  	[sflag:s12] =	ssyncset.done $0x0;
	(pc) =	sbr.rel @p0 .LBB2_1-.Ltmp1, $4  }
0x6c: {  	[sflag:s12] =	ssyncadd.s32 $0xFFFFC000  }
0x6d: {  	[hbm4b:s20+s3] =	stream.linear.scatter [tilespmem:s8], [sflag:$0x3], $0x4000, $0x38;
	[tilespmem:$0x8400] =	vst v63  }
0x6e: {  	_ =	swait.ge [sflag:s4], $0x4000  }
0x6f: {  	[sflag:s4] =	ssyncset.done $0x0  }
.LBB2_2:
0x70: {  	[sflag:s4] =	ssyncadd.s32 $0xFFFFC000  }
0x71: {  	_ =	sfence.sel $0x180000  }
0x72: {  	[bflag:$0x0] =	sbarrier.arrive $0xFFFF  }
0x73: {  	p0 =	sne.s32 s0, $0x0;
	_ =	strace $0x90000047  }
0x74: {  	s0 =	sadd.s32 @!p0 $0x100000, s1;
	[bflag:$0x2] =	sbarrier.arrive $0xFFFF  }
0x75: {  	[sflag:s0] =	ssyncadd.tile.s32 @!p0 $0x1;
	_ =	shalt  }
.Lfunc_end2:
_tile_overlayer_lowered:
.L_overlay_start_2:
0x76: {  	(tag) =	ssettag $0x2  }
0x77: {  	s0 =	rddreg [dreg:$0x0];
	s2 =	stileid.u32  }
0x78: {  	s1 =	rddreg [dreg:$0x1];
	p0 =	sne.s32 s2, $0x0  }
0x79: {  	s3 =	rddreg [dreg:$0x2];
	[bflag:$0x3] =	sbarrier.arrive $0xFFFF;
	s2 =	simm.s32 @!p0 $0x1C03  }
0x7a: {  	[timem:s3], [sflag:s2] =	dma.local @!p0 [hbm:s0], s1  }
0x7b: {  	s0 =	simm.s32 @!p0 $0x3  }
0x7c: {  	_ =	swait.ge @!p0 [sflag:s0], s1  }
0x7d: {  	s1 =	ssub.s32 @!p0 $0x0, s1;
	[sflag:s0] =	ssyncset.done @!p0 $0x0  }
0x7e: {  	[sflag:s0] =	ssyncadd.s32 @!p0 s1  }
0x7f: {  	[bflag:$0x3] =	sbarrier.arrive $0xFFFF  }
0x80: {  	_ =	shalt  }

// kernel: kernel.17.cloned.1.call-start
scs
__scs_entry_jumppad:
0x0: {  	(pc) =	sbr.rel $0x88, $3  }
0x1: {  	(tag) =	ssettag $0x0;
	lr =	simm.s32 $0x1  }
0x2: {  	[smem:$0x3F97] =	sst lr;
	_ =	strace $0xD0000000  }
0x3: {  	_ = 	snop  }
0x4: {  	_ = 	snop  }
0x5: {  	_ = 	snop  }
0x6: {  	_ = 	snop  }
0x7: {  	_ = 	snop  }
__scs_overlays_trampoline_lowered:
0x8: {  	[smem:$0x3FA6] =	sst s0  }
0x9: {  	[smem:$0x3FA7] =	sst s1  }
0xa: {  	[smem:$0x3FA8] =	sst s2  }
0xb: {  	[smem:$0x3FA9] =	sst s3  }
0xc: {  	[smem:$0x3FAA] =	sst s4  }
0xd: {  	[smem:$0x3FAB] =	sst s5  }
0xe: {  	[smem:$0x3FAC] =	sst s6  }
0xf: {  	[smem:$0x3FAD] =	sst s7  }
0x10: {  	[smem:$0x3FAE] =	sst s8  }
0x11: {  	[smem:$0x3FAF] =	sst s9;
	s0 =	simm.s32 @!p0 $0x0  }
0x12: {  	s1 =	sld [smem:$0x3F95];
	s0 =	simm.s32 @p0 $0x1  }
0x13: {  	[smem:$0x3FB0] =	sst s0;
	s0 =	simm.s32 @!p1 $0x0  }
0x14: {  	s2 =	sld [smem:$0x3F94];
	s0 =	simm.s32 @p1 $0x1  }
0x15: {  	[smem:$0x3FB1] =	sst s0;
	s0 =	simm.s32 @!p2 $0x0  }
0x16: {  	s3 =	sld [smem:$0x3FDB];
	s0 =	simm.s32 @p2 $0x1  }
0x17: {  	s4 =	simm.s32 $0x1BF5;
	[smem:$0x3FB3] =	sst s0  }
0x18: {  	s0 =	sld [smem:$0x3F96];
	_ =	swait.ge [sflag:s4], $0x0  }
0x19: {  	s7 =	sld [smem:$0x3F97]  }
0x1a: {  	s8 =	sadd.s32 $0xFFFFE003, lr  }
0x1b: {  	s9 =	sadd.s32 $0xFFFFFEF7, lr;
	s5 =	simm.s32 $0xFFFFFFFF;
	p2 =	slt.u32 s8, $0xFFFFF086  }
0x1c: {  	p1 =	slt.u32 s9, $0xF7A;
	s5 =	simm.s32 @!p2 $0x0  }
0x1d: {  	s5 =	simm.s32 @p1 $0x1;
	p0 =	seq.s32 s7, s2  }
0x1e: {  	s7 =	smul.u32 @!p0 $0xF7A, s2;
	p2 =	seq.s32 @!p0 s5, $0x0  }
0x1f: {  	s9 =	smul.u32 $0xF7A, s1;
	s8 =	simm.s32 @!p0 $0x1BF5;
	p2 =	por !p2, p0  }
0x20: {  	[sflag:s8] =	ssyncset.s32 @!p0 $0xFFFFF086;
	s6 =	sadd.s32 @!p0 s3, s7;
	s7 =	simm.s32 @!p0 $0x108  }
0x21: {  	s3 =	sadd.s32 s3, s9;
	s6 =	sadd.s32 @!p0 $0x88, s6;
	s7 =	simm.s32 @p2 $0x1082  }
0x22: {  	[simem:s7], [sflag:s8] =	dma.local @!p0 [hbm:s6], $0xF7A  }
0x23: {  	s9 =	sor.u32 $0xD0000000, s2;
	s6 =	simm.s32 $0x108;
	_ =	swait.ge @!p0 [sflag:s8], $0x0  }
0x24: {  	s3 =	sadd.s32 $0x88, s3;
	s6 =	simm.s32 @!p1 $0x1082;
	[sflag:s4] =	ssyncset.s32 $0xFFFFF086  }
0x25: {  	[simem:s6], [sflag:s4] =	dma.local [hbm:s3], $0xF7A  }
0x26: {  	[smem:$0x3F97] =	sst s1;
	(tag) =	ssettag s2;
	_ =	strace s9  }
0x27: {  	s1 =	sld [smem:$0x3FA7]  }
0x28: {  	s2 =	sld [smem:$0x3FA8]  }
0x29: {  	s4 =	sld [smem:$0x3FAA]  }
0x2a: {  	p0 =	seq.s32 s5, $0x0;
	s5 =	sld [smem:$0x3FAB]  }
0x2b: {  	s6 =	sld [smem:$0x3FAC]  }
0x2c: {  	s7 =	sld [smem:$0x3FAD]  }
0x2d: {  	s3 =	simm.s32 $0x108;
	s8 =	sld [smem:$0x3FAE]  }
0x2e: {  	s3 =	simm.s32 @!p0 $0x1082;
	s9 =	sld [smem:$0x3FAF]  }
0x2f: {  	lr =	sadd.s32 s0, s3;
	s0 =	sld [smem:$0x3FA6]  }
0x30: {  	s3 =	sld [smem:$0x3FA9]  }
0x31: {  	[smem:$0x3FB2] =	sst s10  }
0x32: {  	s10 =	sld [smem:$0x3FB0];
	_ =	sdelay $0x3  }
0x33: {  	p0 =	seq.s32 s10, $0x1;
	s10 =	sld [smem:$0x3FB2];
	_ =	sdelay $0x3  }
0x34: {  	[smem:$0x3FB2] =	sst s10  }
0x35: {  	s10 =	sld [smem:$0x3FB1];
	_ =	sdelay $0x3  }
0x36: {  	p1 =	seq.s32 s10, $0x1;
	s10 =	sld [smem:$0x3FB2];
	_ =	sdelay $0x3  }
0x37: {  	[smem:$0x3FB2] =	sst s10  }
0x38: {  	s10 =	sld [smem:$0x3FB3]  }
0x39: {  	_ = 	snop;
	(pc) =	sbr.ind lr, $3  }
0x3a: {  	_ = 	snop  }
0x3b: {  	_ = 	snop  }
0x3c: {  	p2 =	seq.s32 s10, $0x1;
	s10 =	sld [smem:$0x3FB2]  }
0x3d: {  	_ =	shalt  }
0x3e: {  	_ =	shalt  }
0x3f: {  	_ =	shalt  }
0x40: {  	_ =	shalt  }
0x41: {  	_ =	shalt  }
0x42: {  	_ =	shalt  }
0x43: {  	_ =	shalt  }
0x44: {  	_ =	shalt  }
0x45: {  	_ =	shalt  }
0x46: {  	_ =	shalt  }
0x47: {  	_ =	shalt  }
0x48: {  	_ =	shalt  }
0x49: {  	_ =	shalt  }
0x4a: {  	_ =	shalt  }
0x4b: {  	_ =	shalt  }
0x4c: {  	_ =	shalt  }
0x4d: {  	_ =	shalt  }
0x4e: {  	_ =	shalt  }
0x4f: {  	_ =	shalt  }
0x50: {  	_ =	shalt  }
0x51: {  	_ =	shalt  }
0x52: {  	_ =	shalt  }
0x53: {  	_ =	shalt  }
0x54: {  	_ =	shalt  }
0x55: {  	_ =	shalt  }
0x56: {  	_ =	shalt  }
0x57: {  	_ =	shalt  }
0x58: {  	_ =	shalt  }
0x59: {  	_ =	shalt  }
0x5a: {  	_ =	shalt  }
0x5b: {  	_ =	shalt  }
0x5c: {  	_ =	shalt  }
0x5d: {  	_ =	shalt  }
0x5e: {  	_ =	shalt  }
0x5f: {  	_ =	shalt  }
0x60: {  	_ =	shalt  }
0x61: {  	_ =	shalt  }
0x62: {  	_ =	shalt  }
0x63: {  	_ =	shalt  }
0x64: {  	_ =	shalt  }
0x65: {  	_ =	shalt  }
0x66: {  	_ =	shalt  }
0x67: {  	_ =	shalt  }
0x68: {  	_ =	shalt  }
0x69: {  	_ =	shalt  }
0x6a: {  	_ =	shalt  }
0x6b: {  	_ =	shalt  }
0x6c: {  	_ =	shalt  }
0x6d: {  	_ =	shalt  }
0x6e: {  	_ =	shalt  }
0x6f: {  	_ =	shalt  }
0x70: {  	_ =	shalt  }
0x71: {  	_ =	shalt  }
0x72: {  	_ =	shalt  }
0x73: {  	_ =	shalt  }
0x74: {  	_ =	shalt  }
0x75: {  	_ =	shalt  }
0x76: {  	_ =	shalt  }
0x77: {  	_ =	shalt  }
0x78: {  	_ =	shalt  }
0x79: {  	_ =	shalt  }
0x7a: {  	_ =	shalt  }
0x7b: {  	_ =	shalt  }
0x7c: {  	_ =	shalt  }
0x7d: {  	_ =	shalt  }
0x7e: {  	_ =	shalt  }
0x7f: {  	_ =	shalt  }
0x80: {  	_ =	shalt  }
0x81: {  	_ =	shalt  }
0x82: {  	_ =	shalt  }
0x83: {  	_ =	shalt  }
0x84: {  	_ =	shalt  }
0x85: {  	_ =	shalt  }
0x86: {  	_ =	shalt  }
0x87: {  	_ =	shalt  }
.Lfunc_end0:
.L_simem_size_0:
called_computation.2_lowered:
.L_overlay_start_0:
0x88: {  	s2 =	sld [smem:$0x3FD9]  }
0x89: {  	s3 =	sld [smem:$0x3FFE];
	_ =	sdelay $0x1  }
0x8a: {  	s1 =	srdreg.scid  }
0x8b: {  	s0 =	sand.u32 $0x1, s1  }
0x8c: {  	s17 =	sshll.u32 s0, $0xA;
	s2 =	sadd.s32 s3, s2  }
0x8d: {  	s2 =	sadd.s32 s2, s17  }
0x8e: {  	[smem:$0x3FBE] =	sst s2  }
0x8f: {  	_ = 	snop  }
0x90: {  	s18 =	sld [smem:$0x3FC7];
	(tm) =	ssettm $0x1  }
0x91: {  	s19 =	sld [smem:$0x3FFB];
	_ =	sdelay $0x3  }
0x92: {  	_ =	strace s19  }
0x93: {  	s2 =	sld [smem:$0x3FFC];
	_ =	sdelay $0x3  }
0x94: {  	_ =	strace s2  }
0x95: {  	s2 =	sld [smem:$0x3FFD];
	_ =	sdelay $0x3  }
0x96: {  	_ =	strace s2  }
0x97: {  	_ =	strace $0x8FFFFFFF  }
0x98: {  	s20 =	sld [smem:$0x3FDB];
	_ =	sdelay $0x1  }
0x99: {  	s4 =	simm.s32 $_scs_section_size  }
0x9a: {  	s5 =	simm.s32 $_size__tile_overlayer_lowered;
	s6 =	simm.s32 $_tile_overlayer_lowered  }
0x9b: {  	s7 =	simm.s32 $0x1BFF;
	s21 =	sshll.u32 s6, $0x1;
	s4 =	sadd.s32 s4, s20  }
0x9c: {  	s22 =	simm.s32 $0x0;
	s5 =	sshll.u32 s5, $0x1;
	s6 =	sadd.s32 s21, s4  }
0x9d: {  	[timem:s22], [sflag:s7] =	dma.local [hbm:s6], s5  }
0x9e: {  	_ =	swait.ge [sflag:s7], s5  }
0x9f: {  	s5 =	ssub.s32 $0x0, s5;
	[sflag:s7] =	ssyncset.done $0x0  }
0xa0: {  	[sflag:s7] =	ssyncadd.s32 s5;
	_ =	sdelay $0x1  }
0xa1: {  	s23 =	simm.s32 $0x1B8B  }
0xa2: {  	_ =	swait.ge [sflag:s23], $0x1  }
0xa3: {  	[sflag:s23] =	ssyncset.done $0x0  }
0xa4: {  	[sflag:s23] =	ssyncadd.s32 $0xFFFFFFFF  }
0xa5: {  	s5 =	sld [smem:$0x0]  }
0xa6: {  	s6 =	sand.u32 $0xFFFFFFFE, s1  }
0xa7: {  	p0 =	sne.s32 s1, s6  }
0xa8: {  	s6 =	sshll.u32 @p0 s6, $0xE  }
0xa9: {  	s6 =	sadd.s32 @p0 $0x11B8D, s6;
	s7 =	sshll.u32 @p0 s5, $0x11  }
0xaa: {  	s6 =	sor.u32 @p0 s7, s6  }
0xab: {  	[sflag:s6] =	ssyncadd.remote.s32 @p0 $0x1;
	_ =	sdelay $0x1  }
0xac: {  	s6 =	simm.s32 @p0 $0x1B8D  }
0xad: {  	_ =	swait.eq @p0 [sflag:s6], $0x1  }
0xae: {  	[sflag:s6] =	ssyncadd.s32 @p0 $0xFFFFFFFF  }
0xaf: {  	s7 =	sshll.u32 @!p0 s1, $0xE  }
0xb0: {  	s7 =	sor.u32 @!p0 $0x4000, s7;
	s6 =	simm.s32 @!p0 $0x1B8D  }
0xb1: {  	s5 =	sshll.u32 @!p0 s5, $0x11;
	s7 =	sadd.s32 @!p0 $0x11B8D, s7;
	_ =	swait.eq @!p0 [sflag:s6], $0x1  }
0xb2: {  	s5 =	sor.u32 @!p0 s5, s7;
	[sflag:s6] =	ssyncadd.s32 @!p0 $0xFFFFFFFF  }
0xb3: {  	s25 =	simm.s32 $0x1B8E;
	s24 =	sld [smem:$0x3FFE];
	[sflag:s5] =	ssyncadd.remote.s32 @!p0 $0x1  }
0xb4: {  	s26 =	simm.s32 $execute0_lowered;
	[smem:$0x3FD2] =	sst s25  }
0xb5: {  	s6 =	sshll.u32 s26, $0x1;
	_ =	strace $0x8000004F;
	[dreg:$0x1] =	wrdreg $0xFFFFFFFF  }
0xb6: {  	s28 =	simm.s32 $_size_execute0_lowered;
	s4 =	sadd.s32 s4, s6;
	[dreg:$0x0] =	wrdreg $0x0  }
0xb7: {  	s6 =	sshll.u32 s28, $0x1;
	[dreg:$0x2] =	wrdreg s4  }
0xb8: {  	[dreg:$0x3] =	wrdreg s6  }
0xb9: {  	[dreg:$0x4] =	wrdreg $0xC0  }
0xba: {  	_ =	task [dreg:s22], $0x5FFFF  }
0xbb: {  	[dreg:$0x1] =	wrdreg $0xFFFFFFFF  }
0xbc: {  	[dreg:$0x0] =	wrdreg $0x60  }
0xbd: {  	[dreg:$0x2] =	wrdreg s18  }
0xbe: {  	[dreg:$0x3] =	wrdreg s24  }
0xbf: {  	[dreg:$0x4] =	wrdreg $0xB  }
0xc0: {  	_ =	task.clear_ibuf [dreg:s22], $0x5FFFF;
	_ =	strace $0x9000004F  }
0xc1: {  	s29 =	simm.s32 $0xB;
	_ =	strace $0x80000051  }
0xc2: {  	_ =	swait.ge [sflag:s29], $0x1  }
0xc3: {  	[sflag:s29] =	ssyncadd.s32 $0xFFFFFFFF  }
0xc4: {  	_ =	strace $0x90000051  }
0xc5: {  	_ =	sfence  }
0xc6: {  	s30 =	sld [smem:$0x0];
	_ =	sdelay $0x2  }
0xc7: {  	s31 =	sshll.u32 s1, $0xD;
	s1 =	sshrl.u32 s1, $0x2  }
0xc8: {  	s4 =	sand.u32 $0x4000, s31;
	s1 =	sadd.s32 s1, s30  }
0xc9: {  	s0 =	sor.u32 s4, s0;
	s1 =	sshll.u32 s1, $0x11  }
0xca: {  	s0 =	sor.u32 s1, s0  }
0xcb: {  	s0 =	sadd.s32 $0x8F2B, s0  }
0xcc: {  	[sflag:s0] =	ssyncadd.remote.s32 $0x1  }
0xcd: {  	_ =	sfence.sel $0xFFFF  }
0xce: {  	[dreg:$0x0] =	wrdreg $0xFFFFFFFF;
	(pc) =	sbr.abs _section_cstart, $3  }
0xcf: {  	[dreg:$0x1] =	wrdreg $0xFFFFFFFF  }
0xd0: {  	_ =	task.clear_ibuf [dreg:s22], $0x2FFFF;
	_ =	strace $0x9FFFFFFF  }
0xd1: {  	(tm) =	ssettm $0x7FFFFFFF  }
tec
execute0_lowered:
.L_overlay_start_1:
0x0: {  	(tag) =	ssettag $0x1  }
0x1: {  	s1 =	srdreg.scid;
	s0 =	stileid.u32  }
0x2: {  	s2 =	rddreg [dreg:$0x0];
	s20 =	sand.u32 $0x1, s1;
	s30 =	sshll.u32 s0, $0x1  }
0x3: {  	s10 =	rddreg [dreg:$0x1];
	s11 =	sor.u32 s20, s30  }
0x4: {  	s3 =	simm.s32 $0x0;
	s1 =	rddreg [dreg:$0x2];
	s4 =	sshll.u32 s11, $0x7  }
0x5: {  	[smem:$0x7FF] =	sst s3;
	s4 =	sadd.s32 s4, s10  }
0x6: {  	_ =	strace $0x80000050;
	s5 =	sadd.s32 $0x126200, s4;
	s4 =	simm.s32 $0x3  }
0x7: {  	[tilespmem:s3], [sflag:$0x3] =	stream.linear.gather [hbm4b:s5+s3], $0x400, $0x38;
	[tilespmem:$0x8400] =	vst v63  }
0x8: {  	_ =	swait.ge [sflag:s4], $0x400  }
0x9: {  	[sflag:s4] =	ssyncset.done $0x0  }
0xa: {  	s6 =	simm.s32 $0x80;
	s7 =	simm.s32 $0x400;
	[sflag:s4] =	ssyncadd.s32 $0xFFFFFC00  }
0xb: {  	[tilespmem:s7], [sflag:$0x1] =	stream.indirect.gather [hbm4b:s2+s6], $0x80, s3, s6, $0xb8;
	[tilespmem:$0x8400] =	vst v63  }
0xc: {  	s8 =	simm.s32 $0x4400;
	s9 =	simm.s32 $0x1;
	s12 =	smul.u32 $0x18000, s11  }
0xd: {  	[tilespmem:s8], [sflag:$0x2] =	stream.indirect.gather [hbm4b:s2+s6], $0x80, s6, s6, $0xb8;
	[tilespmem:$0x8400] =	vst v63  }
0xe: {  	_ =	swait.ge [sflag:s9], $0x4000  }
0xf: {  	s13 =	sadd.s32 $0x127200, s10;
	s31 =	sshrl.u32 s12, $0x3;
	[sflag:s9] =	ssyncset.done $0x0  }
0x10: {  	s10 =	sadd.s32 s13, s31;
	[sflag:s9] =	ssyncadd.s32 $0xFFFFC000  }
0x11: {  	[hbm4b:s10+s3] =	stream.linear.scatter [tilespmem:s7], [sflag:$0x3], $0x4000, $0x38;
	[tilespmem:$0x8400] =	vst v63  }
0x12: {  	_ =	swait.ge [sflag:s4], $0x4000  }
0x13: {  	s14 =	smul.u32 $0x3000, s11;
	[sflag:s4] =	ssyncset.done $0x0  }
0x14: {  	s11 =	simm.s32 $0x100;
	s12 =	simm.s32 $0x2;
	[sflag:s4] =	ssyncadd.s32 $0xFFFFC000  }
0x15: {  	[tilespmem:s7], [sflag:$0x1] =	stream.indirect.gather [hbm4b:s2+s6], $0x80, s11, s6, $0xb8;
	[tilespmem:$0x8400] =	vst v63  }
0x16: {  	_ =	swait.ge [sflag:s12], $0x4000  }
0x17: {  	s21 =	sadd.s32 s13, s14;
	[sflag:s12] =	ssyncset.done $0x0  }
0x18: {  	s13 =	sadd.s32 $0x800, s21;
	[sflag:s12] =	ssyncadd.s32 $0xFFFFC000  }
0x19: {  	[hbm4b:s13+s3] =	stream.linear.scatter [tilespmem:s8], [sflag:$0x3], $0x4000, $0x38;
	[tilespmem:$0x8400] =	vst v63  }
0x1a: {  	_ =	swait.ge [sflag:s4], $0x4000  }
0x1b: {  	[sflag:s4] =	ssyncset.done $0x0  }
0x1c: {  	s14 =	simm.s32 $0x180;
	[sflag:s4] =	ssyncadd.s32 $0xFFFFC000  }
0x1d: {  	[tilespmem:s8], [sflag:$0x2] =	stream.indirect.gather [hbm4b:s2+s6], $0x80, s14, s6, $0xb8;
	[tilespmem:$0x8400] =	vst v63  }
0x1e: {  	_ =	swait.ge [sflag:s9], $0x4000  }
0x1f: {  	[sflag:s9] =	ssyncset.done $0x0  }
0x20: {  	s15 =	sadd.s32 $0x1000, s10;
	[sflag:s9] =	ssyncadd.s32 $0xFFFFC000  }
0x21: {  	[hbm4b:s15+s3] =	stream.linear.scatter [tilespmem:s7], [sflag:$0x3], $0x4000, $0x38;
	[tilespmem:$0x8400] =	vst v63  }
0x22: {  	_ =	swait.ge [sflag:s4], $0x4000  }
0x23: {  	[sflag:s4] =	ssyncset.done $0x0  }
0x24: {  	s16 =	simm.s32 $0x200;
	[sflag:s4] =	ssyncadd.s32 $0xFFFFC000  }
0x25: {  	[tilespmem:s7], [sflag:$0x1] =	stream.indirect.gather [hbm4b:s2+s6], $0x80, s16, s6, $0xb8;
	[tilespmem:$0x8400] =	vst v63  }
0x26: {  	_ =	swait.ge [sflag:s12], $0x4000  }
0x27: {  	[sflag:s12] =	ssyncset.done $0x0  }
0x28: {  	s17 =	sadd.s32 $0x1800, s21;
	[sflag:s12] =	ssyncadd.s32 $0xFFFFC000  }
0x29: {  	[hbm4b:s17+s3] =	stream.linear.scatter [tilespmem:s8], [sflag:$0x3], $0x4000, $0x38;
	[tilespmem:$0x8400] =	vst v63  }
0x2a: {  	_ =	swait.ge [sflag:s4], $0x4000  }
0x2b: {  	[sflag:s4] =	ssyncset.done $0x0  }
0x2c: {  	s18 =	simm.s32 $0x280;
	[sflag:s4] =	ssyncadd.s32 $0xFFFFC000  }
0x2d: {  	[tilespmem:s8], [sflag:$0x2] =	stream.indirect.gather [hbm4b:s2+s6], $0x80, s18, s6, $0xb8;
	[tilespmem:$0x8400] =	vst v63  }
0x2e: {  	_ =	swait.ge [sflag:s9], $0x4000  }
0x2f: {  	[sflag:s9] =	ssyncset.done $0x0  }
0x30: {  	s20 =	ssub.s32 $0x2, s20;
	s19 =	sadd.s32 $0x2000, s10;
	[sflag:s9] =	ssyncadd.s32 $0xFFFFC000  }
0x31: {  	[hbm4b:s19+s3] =	stream.linear.scatter [tilespmem:s7], [sflag:$0x3], $0x4000, $0x38;
	[tilespmem:$0x8400] =	vst v63  }
0x32: {  	s22 =	sshrl.u32 s20, $0x1;
	_ =	swait.ge [sflag:s4], $0x4000  }
0x33: {  	s20 =	ssub.s32 s20, s22;
	[sflag:s4] =	ssyncset.done $0x0  }
0x34: {  	s22 =	smax.u32 s20, $0x1;
	[sflag:s4] =	ssyncadd.s32 $0xFFFFC000  }
0x35: {  	p0 =	sne.s32 s22, $0x1;
	_ =	swait.ge [sflag:s12], $0x4000  }
.Ltmp0:
0x36: {  	[sflag:s12] =	ssyncset.done $0x0;
	(pc) =	sbr.rel @!p0 .LBB2_2-.Ltmp0, $4  }
0x37: {  	s20 =	sadd.s32 $0x2800, s21;
	[sflag:s12] =	ssyncadd.s32 $0xFFFFC000  }
0x38: {  	[hbm4b:s20+s3] =	stream.linear.scatter [tilespmem:s8], [sflag:$0x3], $0x4000, $0x38;
	[tilespmem:$0x8400] =	vst v63  }
0x39: {  	_ =	swait.ge [sflag:s4], $0x4000  }
0x3a: {  	s21 =	sadd.s32 $0xFFFFFFFF, s22;
	[sflag:s4] =	ssyncset.done $0x0  }
.LBB2_1:
0x3b: {  	p0 =	sne.s32 s21, $0x1;
	s21 =	sadd.s32 $0xFFFFFFFF, s21;
	[sflag:s4] =	ssyncadd.s32 $0xFFFFC000  }
0x3c: {  	[tilespmem:s3], [sflag:$0x3] =	stream.linear.gather [hbm4b:s5+s3], $0x400, $0x38;
	[tilespmem:$0x8400] =	vst v63  }
0x3d: {  	_ =	swait.ge [sflag:s4], $0x400  }
0x3e: {  	[sflag:s4] =	ssyncset.done $0x0  }
0x3f: {  	[sflag:s4] =	ssyncadd.s32 $0xFFFFFC00  }
0x40: {  	[tilespmem:s7], [sflag:$0x1] =	stream.indirect.gather [hbm4b:s2+s6], $0x80, s3, s6, $0xb8;
	[tilespmem:$0x8400] =	vst v63  }
0x41: {  	_ = 	snop  }
0x42: {  	[tilespmem:s8], [sflag:$0x2] =	stream.indirect.gather [hbm4b:s2+s6], $0x80, s6, s6, $0xb8;
	[tilespmem:$0x8400] =	vst v63  }
0x43: {  	_ =	swait.ge [sflag:s9], $0x4000  }
0x44: {  	[sflag:s9] =	ssyncset.done $0x0  }
0x45: {  	[sflag:s9] =	ssyncadd.s32 $0xFFFFC000  }
0x46: {  	[hbm4b:s10+s3] =	stream.linear.scatter [tilespmem:s7], [sflag:$0x3], $0x4000, $0x38;
	[tilespmem:$0x8400] =	vst v63  }
0x47: {  	_ =	swait.ge [sflag:s4], $0x4000  }
0x48: {  	[sflag:s4] =	ssyncset.done $0x0  }
0x49: {  	[sflag:s4] =	ssyncadd.s32 $0xFFFFC000  }
0x4a: {  	[tilespmem:s7], [sflag:$0x1] =	stream.indirect.gather [hbm4b:s2+s6], $0x80, s11, s6, $0xb8;
	[tilespmem:$0x8400] =	vst v63  }
0x4b: {  	_ =	swait.ge [sflag:s12], $0x4000  }
0x4c: {  	[sflag:s12] =	ssyncset.done $0x0  }
0x4d: {  	[sflag:s12] =	ssyncadd.s32 $0xFFFFC000  }
0x4e: {  	[hbm4b:s13+s3] =	stream.linear.scatter [tilespmem:s8], [sflag:$0x3], $0x4000, $0x38;
	[tilespmem:$0x8400] =	vst v63  }
0x4f: {  	_ =	swait.ge [sflag:s4], $0x4000  }
0x50: {  	[sflag:s4] =	ssyncset.done $0x0  }
0x51: {  	[sflag:s4] =	ssyncadd.s32 $0xFFFFC000  }
0x52: {  	[tilespmem:s8], [sflag:$0x2] =	stream.indirect.gather [hbm4b:s2+s6], $0x80, s14, s6, $0xb8;
	[tilespmem:$0x8400] =	vst v63  }
0x53: {  	_ =	swait.ge [sflag:s9], $0x4000  }
0x54: {  	[sflag:s9] =	ssyncset.done $0x0  }
0x55: {  	[sflag:s9] =	ssyncadd.s32 $0xFFFFC000  }
0x56: {  	[hbm4b:s15+s3] =	stream.linear.scatter [tilespmem:s7], [sflag:$0x3], $0x4000, $0x38;
	[tilespmem:$0x8400] =	vst v63  }
0x57: {  	_ =	swait.ge [sflag:s4], $0x4000  }
0x58: {  	[sflag:s4] =	ssyncset.done $0x0  }
0x59: {  	[sflag:s4] =	ssyncadd.s32 $0xFFFFC000  }
0x5a: {  	[tilespmem:s7], [sflag:$0x1] =	stream.indirect.gather [hbm4b:s2+s6], $0x80, s16, s6, $0xb8;
	[tilespmem:$0x8400] =	vst v63  }
0x5b: {  	_ =	swait.ge [sflag:s12], $0x4000  }
0x5c: {  	[sflag:s12] =	ssyncset.done $0x0  }
0x5d: {  	[sflag:s12] =	ssyncadd.s32 $0xFFFFC000  }
0x5e: {  	[hbm4b:s17+s3] =	stream.linear.scatter [tilespmem:s8], [sflag:$0x3], $0x4000, $0x38;
	[tilespmem:$0x8400] =	vst v63  }
0x5f: {  	_ =	swait.ge [sflag:s4], $0x4000  }
0x60: {  	[sflag:s4] =	ssyncset.done $0x0  }
0x61: {  	[sflag:s4] =	ssyncadd.s32 $0xFFFFC000  }
0x62: {  	[tilespmem:s8], [sflag:$0x2] =	stream.indirect.gather [hbm4b:s2+s6], $0x80, s18, s6, $0xb8;
	[tilespmem:$0x8400] =	vst v63  }
0x63: {  	_ =	swait.ge [sflag:s9], $0x4000  }
0x64: {  	[sflag:s9] =	ssyncset.done $0x0  }
0x65: {  	[sflag:s9] =	ssyncadd.s32 $0xFFFFC000  }
0x66: {  	[hbm4b:s19+s3] =	stream.linear.scatter [tilespmem:s7], [sflag:$0x3], $0x4000, $0x38;
	[tilespmem:$0x8400] =	vst v63  }
0x67: {  	_ =	swait.ge [sflag:s4], $0x4000  }
0x68: {  	[sflag:s4] =	ssyncset.done $0x0  }
0x69: {  	[sflag:s4] =	ssyncadd.s32 $0xFFFFC000  }
0x6a: {  	_ =	swait.ge [sflag:s12], $0x4000  }
.Ltmp1:
0x6b: {  	[sflag:s12] =	ssyncset.done $0x0;
	(pc) =	sbr.rel @p0 .LBB2_1-.Ltmp1, $4  }
0x6c: {  	[sflag:s12] =	ssyncadd.s32 $0xFFFFC000  }
0x6d: {  	[hbm4b:s20+s3] =	stream.linear.scatter [tilespmem:s8], [sflag:$0x3], $0x4000, $0x38;
	[tilespmem:$0x8400] =	vst v63  }
0x6e: {  	_ =	swait.ge [sflag:s4], $0x4000  }
0x6f: {  	[sflag:s4] =	ssyncset.done $0x0  }
.LBB2_2:
0x70: {  	[sflag:s4] =	ssyncadd.s32 $0xFFFFC000  }
0x71: {  	_ =	sfence.sel $0x180000  }
0x72: {  	[bflag:$0x0] =	sbarrier.arrive $0xFFFF  }
0x73: {  	p0 =	sne.s32 s0, $0x0;
	_ =	strace $0x90000050  }
0x74: {  	s0 =	sadd.s32 @!p0 $0x100000, s1;
	[bflag:$0x2] =	sbarrier.arrive $0xFFFF  }
0x75: {  	[sflag:s0] =	ssyncadd.tile.s32 @!p0 $0x1;
	_ =	shalt  }
.Lfunc_end2:
_tile_overlayer_lowered:
.L_overlay_start_2:
0x76: {  	(tag) =	ssettag $0x2  }
0x77: {  	s0 =	rddreg [dreg:$0x0];
	s2 =	stileid.u32  }
0x78: {  	s1 =	rddreg [dreg:$0x1];
	p0 =	sne.s32 s2, $0x0  }
0x79: {  	s3 =	rddreg [dreg:$0x2];
	[bflag:$0x3] =	sbarrier.arrive $0xFFFF;
	s2 =	simm.s32 @!p0 $0x1C03  }
0x7a: {  	[timem:s3], [sflag:s2] =	dma.local @!p0 [hbm:s0], s1  }
0x7b: {  	s0 =	simm.s32 @!p0 $0x3  }
0x7c: {  	_ =	swait.ge @!p0 [sflag:s0], s1  }
0x7d: {  	s1 =	ssub.s32 @!p0 $0x0, s1;
	[sflag:s0] =	ssyncset.done @!p0 $0x0  }
0x7e: {  	[sflag:s0] =	ssyncadd.s32 @!p0 s1  }
0x7f: {  	[bflag:$0x3] =	sbarrier.arrive $0xFFFF  }
0x80: {  	_ =	shalt  }

// kernel: kernel.20.cloned.1.call-start
scs
__scs_entry_jumppad:
0x0: {  	(pc) =	sbr.rel $0x88, $3  }
0x1: {  	(tag) =	ssettag $0x0;
	lr =	simm.s32 $0x1  }
0x2: {  	[smem:$0x3F97] =	sst lr;
	_ =	strace $0xD0000000  }
0x3: {  	_ = 	snop  }
0x4: {  	_ = 	snop  }
0x5: {  	_ = 	snop  }
0x6: {  	_ = 	snop  }
0x7: {  	_ = 	snop  }
__scs_overlays_trampoline_lowered:
0x8: {  	[smem:$0x3FA6] =	sst s0  }
0x9: {  	[smem:$0x3FA7] =	sst s1  }
0xa: {  	[smem:$0x3FA8] =	sst s2  }
0xb: {  	[smem:$0x3FA9] =	sst s3  }
0xc: {  	[smem:$0x3FAA] =	sst s4  }
0xd: {  	[smem:$0x3FAB] =	sst s5  }
0xe: {  	[smem:$0x3FAC] =	sst s6  }
0xf: {  	[smem:$0x3FAD] =	sst s7  }
0x10: {  	[smem:$0x3FAE] =	sst s8  }
0x11: {  	[smem:$0x3FAF] =	sst s9;
	s0 =	simm.s32 @!p0 $0x0  }
0x12: {  	s1 =	sld [smem:$0x3F95];
	s0 =	simm.s32 @p0 $0x1  }
0x13: {  	[smem:$0x3FB0] =	sst s0;
	s0 =	simm.s32 @!p1 $0x0  }
0x14: {  	s2 =	sld [smem:$0x3F94];
	s0 =	simm.s32 @p1 $0x1  }
0x15: {  	[smem:$0x3FB1] =	sst s0;
	s0 =	simm.s32 @!p2 $0x0  }
0x16: {  	s3 =	sld [smem:$0x3FDB];
	s0 =	simm.s32 @p2 $0x1  }
0x17: {  	s4 =	simm.s32 $0x1BF5;
	[smem:$0x3FB3] =	sst s0  }
0x18: {  	s0 =	sld [smem:$0x3F96];
	_ =	swait.ge [sflag:s4], $0x0  }
0x19: {  	s7 =	sld [smem:$0x3F97]  }
0x1a: {  	s8 =	sadd.s32 $0xFFFFE003, lr  }
0x1b: {  	s9 =	sadd.s32 $0xFFFFFEF7, lr;
	s5 =	simm.s32 $0xFFFFFFFF;
	p2 =	slt.u32 s8, $0xFFFFF086  }
0x1c: {  	p1 =	slt.u32 s9, $0xF7A;
	s5 =	simm.s32 @!p2 $0x0  }
0x1d: {  	s5 =	simm.s32 @p1 $0x1;
	p0 =	seq.s32 s7, s2  }
0x1e: {  	s7 =	smul.u32 @!p0 $0xF7A, s2;
	p2 =	seq.s32 @!p0 s5, $0x0  }
0x1f: {  	s9 =	smul.u32 $0xF7A, s1;
	s8 =	simm.s32 @!p0 $0x1BF5;
	p2 =	por !p2, p0  }
0x20: {  	[sflag:s8] =	ssyncset.s32 @!p0 $0xFFFFF086;
	s6 =	sadd.s32 @!p0 s3, s7;
	s7 =	simm.s32 @!p0 $0x108  }
0x21: {  	s3 =	sadd.s32 s3, s9;
	s6 =	sadd.s32 @!p0 $0x88, s6;
	s7 =	simm.s32 @p2 $0x1082  }
0x22: {  	[simem:s7], [sflag:s8] =	dma.local @!p0 [hbm:s6], $0xF7A  }
0x23: {  	s9 =	sor.u32 $0xD0000000, s2;
	s6 =	simm.s32 $0x108;
	_ =	swait.ge @!p0 [sflag:s8], $0x0  }
0x24: {  	s3 =	sadd.s32 $0x88, s3;
	s6 =	simm.s32 @!p1 $0x1082;
	[sflag:s4] =	ssyncset.s32 $0xFFFFF086  }
0x25: {  	[simem:s6], [sflag:s4] =	dma.local [hbm:s3], $0xF7A  }
0x26: {  	[smem:$0x3F97] =	sst s1;
	(tag) =	ssettag s2;
	_ =	strace s9  }
0x27: {  	s1 =	sld [smem:$0x3FA7]  }
0x28: {  	s2 =	sld [smem:$0x3FA8]  }
0x29: {  	s4 =	sld [smem:$0x3FAA]  }
0x2a: {  	p0 =	seq.s32 s5, $0x0;
	s5 =	sld [smem:$0x3FAB]  }
0x2b: {  	s6 =	sld [smem:$0x3FAC]  }
0x2c: {  	s7 =	sld [smem:$0x3FAD]  }
0x2d: {  	s3 =	simm.s32 $0x108;
	s8 =	sld [smem:$0x3FAE]  }
0x2e: {  	s3 =	simm.s32 @!p0 $0x1082;
	s9 =	sld [smem:$0x3FAF]  }
0x2f: {  	lr =	sadd.s32 s0, s3;
	s0 =	sld [smem:$0x3FA6]  }
0x30: {  	s3 =	sld [smem:$0x3FA9]  }
0x31: {  	[smem:$0x3FB2] =	sst s10  }
0x32: {  	s10 =	sld [smem:$0x3FB0];
	_ =	sdelay $0x3  }
0x33: {  	p0 =	seq.s32 s10, $0x1;
	s10 =	sld [smem:$0x3FB2];
	_ =	sdelay $0x3  }
0x34: {  	[smem:$0x3FB2] =	sst s10  }
0x35: {  	s10 =	sld [smem:$0x3FB1];
	_ =	sdelay $0x3  }
0x36: {  	p1 =	seq.s32 s10, $0x1;
	s10 =	sld [smem:$0x3FB2];
	_ =	sdelay $0x3  }
0x37: {  	[smem:$0x3FB2] =	sst s10  }
0x38: {  	s10 =	sld [smem:$0x3FB3]  }
0x39: {  	_ = 	snop;
	(pc) =	sbr.ind lr, $3  }
0x3a: {  	_ = 	snop  }
0x3b: {  	_ = 	snop  }
0x3c: {  	p2 =	seq.s32 s10, $0x1;
	s10 =	sld [smem:$0x3FB2]  }
0x3d: {  	_ =	shalt  }
0x3e: {  	_ =	shalt  }
0x3f: {  	_ =	shalt  }
0x40: {  	_ =	shalt  }
0x41: {  	_ =	shalt  }
0x42: {  	_ =	shalt  }
0x43: {  	_ =	shalt  }
0x44: {  	_ =	shalt  }
0x45: {  	_ =	shalt  }
0x46: {  	_ =	shalt  }
0x47: {  	_ =	shalt  }
0x48: {  	_ =	shalt  }
0x49: {  	_ =	shalt  }
0x4a: {  	_ =	shalt  }
0x4b: {  	_ =	shalt  }
0x4c: {  	_ =	shalt  }
0x4d: {  	_ =	shalt  }
0x4e: {  	_ =	shalt  }
0x4f: {  	_ =	shalt  }
0x50: {  	_ =	shalt  }
0x51: {  	_ =	shalt  }
0x52: {  	_ =	shalt  }
0x53: {  	_ =	shalt  }
0x54: {  	_ =	shalt  }
0x55: {  	_ =	shalt  }
0x56: {  	_ =	shalt  }
0x57: {  	_ =	shalt  }
0x58: {  	_ =	shalt  }
0x59: {  	_ =	shalt  }
0x5a: {  	_ =	shalt  }
0x5b: {  	_ =	shalt  }
0x5c: {  	_ =	shalt  }
0x5d: {  	_ =	shalt  }
0x5e: {  	_ =	shalt  }
0x5f: {  	_ =	shalt  }
0x60: {  	_ =	shalt  }
0x61: {  	_ =	shalt  }
0x62: {  	_ =	shalt  }
0x63: {  	_ =	shalt  }
0x64: {  	_ =	shalt  }
0x65: {  	_ =	shalt  }
0x66: {  	_ =	shalt  }
0x67: {  	_ =	shalt  }
0x68: {  	_ =	shalt  }
0x69: {  	_ =	shalt  }
0x6a: {  	_ =	shalt  }
0x6b: {  	_ =	shalt  }
0x6c: {  	_ =	shalt  }
0x6d: {  	_ =	shalt  }
0x6e: {  	_ =	shalt  }
0x6f: {  	_ =	shalt  }
0x70: {  	_ =	shalt  }
0x71: {  	_ =	shalt  }
0x72: {  	_ =	shalt  }
0x73: {  	_ =	shalt  }
0x74: {  	_ =	shalt  }
0x75: {  	_ =	shalt  }
0x76: {  	_ =	shalt  }
0x77: {  	_ =	shalt  }
0x78: {  	_ =	shalt  }
0x79: {  	_ =	shalt  }
0x7a: {  	_ =	shalt  }
0x7b: {  	_ =	shalt  }
0x7c: {  	_ =	shalt  }
0x7d: {  	_ =	shalt  }
0x7e: {  	_ =	shalt  }
0x7f: {  	_ =	shalt  }
0x80: {  	_ =	shalt  }
0x81: {  	_ =	shalt  }
0x82: {  	_ =	shalt  }
0x83: {  	_ =	shalt  }
0x84: {  	_ =	shalt  }
0x85: {  	_ =	shalt  }
0x86: {  	_ =	shalt  }
0x87: {  	_ =	shalt  }
.Lfunc_end0:
.L_simem_size_0:
called_computation.3_lowered:
.L_overlay_start_0:
0x88: {  	s2 =	sld [smem:$0x3FD9]  }
0x89: {  	s3 =	sld [smem:$0x3FFE];
	_ =	sdelay $0x1  }
0x8a: {  	s1 =	srdreg.scid  }
0x8b: {  	s0 =	sand.u32 $0x1, s1  }
0x8c: {  	s17 =	sshll.u32 s0, $0xA;
	s2 =	sadd.s32 s3, s2  }
0x8d: {  	s2 =	sadd.s32 s2, s17  }
0x8e: {  	[smem:$0x3FBE] =	sst s2  }
0x8f: {  	_ = 	snop  }
0x90: {  	s18 =	sld [smem:$0x3FC7];
	(tm) =	ssettm $0x1  }
0x91: {  	s19 =	sld [smem:$0x3FFB];
	_ =	sdelay $0x3  }
0x92: {  	_ =	strace s19  }
0x93: {  	s2 =	sld [smem:$0x3FFC];
	_ =	sdelay $0x3  }
0x94: {  	_ =	strace s2  }
0x95: {  	s2 =	sld [smem:$0x3FFD];
	_ =	sdelay $0x3  }
0x96: {  	_ =	strace s2  }
0x97: {  	_ =	strace $0x8FFFFFFF  }
0x98: {  	s20 =	sld [smem:$0x3FDB];
	_ =	sdelay $0x1  }
0x99: {  	s4 =	simm.s32 $_scs_section_size  }
0x9a: {  	s5 =	simm.s32 $_size__tile_overlayer_lowered;
	s6 =	simm.s32 $_tile_overlayer_lowered  }
0x9b: {  	s7 =	simm.s32 $0x1BFF;
	s21 =	sshll.u32 s6, $0x1;
	s4 =	sadd.s32 s4, s20  }
0x9c: {  	s22 =	simm.s32 $0x0;
	s5 =	sshll.u32 s5, $0x1;
	s6 =	sadd.s32 s21, s4  }
0x9d: {  	[timem:s22], [sflag:s7] =	dma.local [hbm:s6], s5  }
0x9e: {  	_ =	swait.ge [sflag:s7], s5  }
0x9f: {  	s5 =	ssub.s32 $0x0, s5;
	[sflag:s7] =	ssyncset.done $0x0  }
0xa0: {  	[sflag:s7] =	ssyncadd.s32 s5;
	_ =	sdelay $0x1  }
0xa1: {  	s23 =	simm.s32 $0x1B8B  }
0xa2: {  	_ =	swait.ge [sflag:s23], $0x1  }
0xa3: {  	[sflag:s23] =	ssyncset.done $0x0  }
0xa4: {  	[sflag:s23] =	ssyncadd.s32 $0xFFFFFFFF  }
0xa5: {  	s5 =	sld [smem:$0x0]  }
0xa6: {  	s6 =	sand.u32 $0xFFFFFFFE, s1  }
0xa7: {  	p0 =	sne.s32 s1, s6  }
0xa8: {  	s6 =	sshll.u32 @p0 s6, $0xE  }
0xa9: {  	s6 =	sadd.s32 @p0 $0x11B8D, s6;
	s7 =	sshll.u32 @p0 s5, $0x11  }
0xaa: {  	s6 =	sor.u32 @p0 s7, s6  }
0xab: {  	[sflag:s6] =	ssyncadd.remote.s32 @p0 $0x1;
	_ =	sdelay $0x1  }
0xac: {  	s6 =	simm.s32 @p0 $0x1B8D  }
0xad: {  	_ =	swait.eq @p0 [sflag:s6], $0x1  }
0xae: {  	[sflag:s6] =	ssyncadd.s32 @p0 $0xFFFFFFFF  }
0xaf: {  	s7 =	sshll.u32 @!p0 s1, $0xE  }
0xb0: {  	s7 =	sor.u32 @!p0 $0x4000, s7;
	s6 =	simm.s32 @!p0 $0x1B8D  }
0xb1: {  	s5 =	sshll.u32 @!p0 s5, $0x11;
	s7 =	sadd.s32 @!p0 $0x11B8D, s7;
	_ =	swait.eq @!p0 [sflag:s6], $0x1  }
0xb2: {  	s5 =	sor.u32 @!p0 s5, s7;
	[sflag:s6] =	ssyncadd.s32 @!p0 $0xFFFFFFFF  }
0xb3: {  	s25 =	simm.s32 $0x1B8E;
	s24 =	sld [smem:$0x3FFE];
	[sflag:s5] =	ssyncadd.remote.s32 @!p0 $0x1  }
0xb4: {  	s26 =	simm.s32 $execute0_lowered;
	[smem:$0x3FD2] =	sst s25  }
0xb5: {  	s6 =	sshll.u32 s26, $0x1;
	_ =	strace $0x80000049;
	[dreg:$0x1] =	wrdreg $0xFFFFFFFF  }
0xb6: {  	s28 =	simm.s32 $_size_execute0_lowered;
	s4 =	sadd.s32 s4, s6;
	[dreg:$0x0] =	wrdreg $0x0  }
0xb7: {  	s6 =	sshll.u32 s28, $0x1;
	[dreg:$0x2] =	wrdreg s4  }
0xb8: {  	[dreg:$0x3] =	wrdreg s6  }
0xb9: {  	[dreg:$0x4] =	wrdreg $0xC0  }
0xba: {  	_ =	task [dreg:s22], $0x5FFFF  }
0xbb: {  	[dreg:$0x1] =	wrdreg $0xFFFFFFFF  }
0xbc: {  	[dreg:$0x0] =	wrdreg $0x60  }
0xbd: {  	[dreg:$0x2] =	wrdreg s18  }
0xbe: {  	[dreg:$0x3] =	wrdreg s24  }
0xbf: {  	[dreg:$0x4] =	wrdreg $0xC  }
0xc0: {  	_ =	task.clear_ibuf [dreg:s22], $0x5FFFF;
	_ =	strace $0x90000049  }
0xc1: {  	s29 =	simm.s32 $0xC;
	_ =	strace $0x8000004B  }
0xc2: {  	_ =	swait.ge [sflag:s29], $0x1  }
0xc3: {  	[sflag:s29] =	ssyncadd.s32 $0xFFFFFFFF  }
0xc4: {  	_ =	strace $0x9000004B  }
0xc5: {  	_ =	sfence  }
0xc6: {  	s30 =	sld [smem:$0x0];
	_ =	sdelay $0x2  }
0xc7: {  	s31 =	sshll.u32 s1, $0xD;
	s1 =	sshrl.u32 s1, $0x2  }
0xc8: {  	s4 =	sand.u32 $0x4000, s31;
	s1 =	sadd.s32 s1, s30  }
0xc9: {  	s0 =	sor.u32 s4, s0;
	s1 =	sshll.u32 s1, $0x11  }
0xca: {  	s0 =	sor.u32 s1, s0  }
0xcb: {  	s0 =	sadd.s32 $0x8F2B, s0  }
0xcc: {  	[sflag:s0] =	ssyncadd.remote.s32 $0x1  }
0xcd: {  	_ =	sfence.sel $0xFFFF  }
0xce: {  	[dreg:$0x0] =	wrdreg $0xFFFFFFFF;
	(pc) =	sbr.abs _section_cstart, $3  }
0xcf: {  	[dreg:$0x1] =	wrdreg $0xFFFFFFFF  }
0xd0: {  	_ =	task.clear_ibuf [dreg:s22], $0x2FFFF;
	_ =	strace $0x9FFFFFFF  }
0xd1: {  	(tm) =	ssettm $0x7FFFFFFF  }
tec
execute0_lowered:
.L_overlay_start_1:
0x0: {  	(tag) =	ssettag $0x1  }
0x1: {  	s1 =	srdreg.scid;
	s0 =	stileid.u32  }
0x2: {  	s2 =	rddreg [dreg:$0x0];
	s20 =	sand.u32 $0x1, s1;
	s30 =	sshll.u32 s0, $0x1  }
0x3: {  	s10 =	rddreg [dreg:$0x1];
	s11 =	sor.u32 s20, s30  }
0x4: {  	s3 =	simm.s32 $0x0;
	s1 =	rddreg [dreg:$0x2];
	s4 =	sshll.u32 s11, $0x7  }
0x5: {  	[smem:$0x7FF] =	sst s3;
	s4 =	sadd.s32 s4, s10  }
0x6: {  	_ =	strace $0x8000004A;
	s5 =	sadd.s32 $0x64200, s4;
	s4 =	simm.s32 $0x3  }
0x7: {  	[tilespmem:s3], [sflag:$0x3] =	stream.linear.gather [hbm4b:s5+s3], $0x400, $0x38;
	[tilespmem:$0x8400] =	vst v63  }
0x8: {  	_ =	swait.ge [sflag:s4], $0x400  }
0x9: {  	[sflag:s4] =	ssyncset.done $0x0  }
0xa: {  	s6 =	simm.s32 $0x80;
	s7 =	simm.s32 $0x400;
	[sflag:s4] =	ssyncadd.s32 $0xFFFFFC00  }
0xb: {  	[tilespmem:s7], [sflag:$0x1] =	stream.indirect.gather [hbm4b:s2+s6], $0x80, s3, s6, $0xb8;
	[tilespmem:$0x8400] =	vst v63  }
0xc: {  	s8 =	simm.s32 $0x4400;
	s9 =	simm.s32 $0x1;
	s12 =	smul.u32 $0x18000, s11  }
0xd: {  	[tilespmem:s8], [sflag:$0x2] =	stream.indirect.gather [hbm4b:s2+s6], $0x80, s6, s6, $0xb8;
	[tilespmem:$0x8400] =	vst v63  }
0xe: {  	_ =	swait.ge [sflag:s9], $0x4000  }
0xf: {  	s13 =	sadd.s32 $0x65200, s10;
	s31 =	sshrl.u32 s12, $0x3;
	[sflag:s9] =	ssyncset.done $0x0  }
0x10: {  	s10 =	sadd.s32 s13, s31;
	[sflag:s9] =	ssyncadd.s32 $0xFFFFC000  }
0x11: {  	[hbm4b:s10+s3] =	stream.linear.scatter [tilespmem:s7], [sflag:$0x3], $0x4000, $0x38;
	[tilespmem:$0x8400] =	vst v63  }
0x12: {  	_ =	swait.ge [sflag:s4], $0x4000  }
0x13: {  	s14 =	smul.u32 $0x3000, s11;
	[sflag:s4] =	ssyncset.done $0x0  }
0x14: {  	s11 =	simm.s32 $0x100;
	s12 =	simm.s32 $0x2;
	[sflag:s4] =	ssyncadd.s32 $0xFFFFC000  }
0x15: {  	[tilespmem:s7], [sflag:$0x1] =	stream.indirect.gather [hbm4b:s2+s6], $0x80, s11, s6, $0xb8;
	[tilespmem:$0x8400] =	vst v63  }
0x16: {  	_ =	swait.ge [sflag:s12], $0x4000  }
0x17: {  	s21 =	sadd.s32 s13, s14;
	[sflag:s12] =	ssyncset.done $0x0  }
0x18: {  	s13 =	sadd.s32 $0x800, s21;
	[sflag:s12] =	ssyncadd.s32 $0xFFFFC000  }
0x19: {  	[hbm4b:s13+s3] =	stream.linear.scatter [tilespmem:s8], [sflag:$0x3], $0x4000, $0x38;
	[tilespmem:$0x8400] =	vst v63  }
0x1a: {  	_ =	swait.ge [sflag:s4], $0x4000  }
0x1b: {  	[sflag:s4] =	ssyncset.done $0x0  }
0x1c: {  	s14 =	simm.s32 $0x180;
	[sflag:s4] =	ssyncadd.s32 $0xFFFFC000  }
0x1d: {  	[tilespmem:s8], [sflag:$0x2] =	stream.indirect.gather [hbm4b:s2+s6], $0x80, s14, s6, $0xb8;
	[tilespmem:$0x8400] =	vst v63  }
0x1e: {  	_ =	swait.ge [sflag:s9], $0x4000  }
0x1f: {  	[sflag:s9] =	ssyncset.done $0x0  }
0x20: {  	s15 =	sadd.s32 $0x1000, s10;
	[sflag:s9] =	ssyncadd.s32 $0xFFFFC000  }
0x21: {  	[hbm4b:s15+s3] =	stream.linear.scatter [tilespmem:s7], [sflag:$0x3], $0x4000, $0x38;
	[tilespmem:$0x8400] =	vst v63  }
0x22: {  	_ =	swait.ge [sflag:s4], $0x4000  }
0x23: {  	[sflag:s4] =	ssyncset.done $0x0  }
0x24: {  	s16 =	simm.s32 $0x200;
	[sflag:s4] =	ssyncadd.s32 $0xFFFFC000  }
0x25: {  	[tilespmem:s7], [sflag:$0x1] =	stream.indirect.gather [hbm4b:s2+s6], $0x80, s16, s6, $0xb8;
	[tilespmem:$0x8400] =	vst v63  }
0x26: {  	_ =	swait.ge [sflag:s12], $0x4000  }
0x27: {  	[sflag:s12] =	ssyncset.done $0x0  }
0x28: {  	s17 =	sadd.s32 $0x1800, s21;
	[sflag:s12] =	ssyncadd.s32 $0xFFFFC000  }
0x29: {  	[hbm4b:s17+s3] =	stream.linear.scatter [tilespmem:s8], [sflag:$0x3], $0x4000, $0x38;
	[tilespmem:$0x8400] =	vst v63  }
0x2a: {  	_ =	swait.ge [sflag:s4], $0x4000  }
0x2b: {  	[sflag:s4] =	ssyncset.done $0x0  }
0x2c: {  	s18 =	simm.s32 $0x280;
	[sflag:s4] =	ssyncadd.s32 $0xFFFFC000  }
0x2d: {  	[tilespmem:s8], [sflag:$0x2] =	stream.indirect.gather [hbm4b:s2+s6], $0x80, s18, s6, $0xb8;
	[tilespmem:$0x8400] =	vst v63  }
0x2e: {  	_ =	swait.ge [sflag:s9], $0x4000  }
0x2f: {  	[sflag:s9] =	ssyncset.done $0x0  }
0x30: {  	s20 =	ssub.s32 $0x2, s20;
	s19 =	sadd.s32 $0x2000, s10;
	[sflag:s9] =	ssyncadd.s32 $0xFFFFC000  }
0x31: {  	[hbm4b:s19+s3] =	stream.linear.scatter [tilespmem:s7], [sflag:$0x3], $0x4000, $0x38;
	[tilespmem:$0x8400] =	vst v63  }
0x32: {  	s22 =	sshrl.u32 s20, $0x1;
	_ =	swait.ge [sflag:s4], $0x4000  }
0x33: {  	s20 =	ssub.s32 s20, s22;
	[sflag:s4] =	ssyncset.done $0x0  }
0x34: {  	s22 =	smax.u32 s20, $0x1;
	[sflag:s4] =	ssyncadd.s32 $0xFFFFC000  }
0x35: {  	p0 =	sne.s32 s22, $0x1;
	_ =	swait.ge [sflag:s12], $0x4000  }
.Ltmp0:
0x36: {  	[sflag:s12] =	ssyncset.done $0x0;
	(pc) =	sbr.rel @!p0 .LBB2_2-.Ltmp0, $4  }
0x37: {  	s20 =	sadd.s32 $0x2800, s21;
	[sflag:s12] =	ssyncadd.s32 $0xFFFFC000  }
0x38: {  	[hbm4b:s20+s3] =	stream.linear.scatter [tilespmem:s8], [sflag:$0x3], $0x4000, $0x38;
	[tilespmem:$0x8400] =	vst v63  }
0x39: {  	_ =	swait.ge [sflag:s4], $0x4000  }
0x3a: {  	s21 =	sadd.s32 $0xFFFFFFFF, s22;
	[sflag:s4] =	ssyncset.done $0x0  }
.LBB2_1:
0x3b: {  	p0 =	sne.s32 s21, $0x1;
	s21 =	sadd.s32 $0xFFFFFFFF, s21;
	[sflag:s4] =	ssyncadd.s32 $0xFFFFC000  }
0x3c: {  	[tilespmem:s3], [sflag:$0x3] =	stream.linear.gather [hbm4b:s5+s3], $0x400, $0x38;
	[tilespmem:$0x8400] =	vst v63  }
0x3d: {  	_ =	swait.ge [sflag:s4], $0x400  }
0x3e: {  	[sflag:s4] =	ssyncset.done $0x0  }
0x3f: {  	[sflag:s4] =	ssyncadd.s32 $0xFFFFFC00  }
0x40: {  	[tilespmem:s7], [sflag:$0x1] =	stream.indirect.gather [hbm4b:s2+s6], $0x80, s3, s6, $0xb8;
	[tilespmem:$0x8400] =	vst v63  }
0x41: {  	_ = 	snop  }
0x42: {  	[tilespmem:s8], [sflag:$0x2] =	stream.indirect.gather [hbm4b:s2+s6], $0x80, s6, s6, $0xb8;
	[tilespmem:$0x8400] =	vst v63  }
0x43: {  	_ =	swait.ge [sflag:s9], $0x4000  }
0x44: {  	[sflag:s9] =	ssyncset.done $0x0  }
0x45: {  	[sflag:s9] =	ssyncadd.s32 $0xFFFFC000  }
0x46: {  	[hbm4b:s10+s3] =	stream.linear.scatter [tilespmem:s7], [sflag:$0x3], $0x4000, $0x38;
	[tilespmem:$0x8400] =	vst v63  }
0x47: {  	_ =	swait.ge [sflag:s4], $0x4000  }
0x48: {  	[sflag:s4] =	ssyncset.done $0x0  }
0x49: {  	[sflag:s4] =	ssyncadd.s32 $0xFFFFC000  }
0x4a: {  	[tilespmem:s7], [sflag:$0x1] =	stream.indirect.gather [hbm4b:s2+s6], $0x80, s11, s6, $0xb8;
	[tilespmem:$0x8400] =	vst v63  }
0x4b: {  	_ =	swait.ge [sflag:s12], $0x4000  }
0x4c: {  	[sflag:s12] =	ssyncset.done $0x0  }
0x4d: {  	[sflag:s12] =	ssyncadd.s32 $0xFFFFC000  }
0x4e: {  	[hbm4b:s13+s3] =	stream.linear.scatter [tilespmem:s8], [sflag:$0x3], $0x4000, $0x38;
	[tilespmem:$0x8400] =	vst v63  }
0x4f: {  	_ =	swait.ge [sflag:s4], $0x4000  }
0x50: {  	[sflag:s4] =	ssyncset.done $0x0  }
0x51: {  	[sflag:s4] =	ssyncadd.s32 $0xFFFFC000  }
0x52: {  	[tilespmem:s8], [sflag:$0x2] =	stream.indirect.gather [hbm4b:s2+s6], $0x80, s14, s6, $0xb8;
	[tilespmem:$0x8400] =	vst v63  }
0x53: {  	_ =	swait.ge [sflag:s9], $0x4000  }
0x54: {  	[sflag:s9] =	ssyncset.done $0x0  }
0x55: {  	[sflag:s9] =	ssyncadd.s32 $0xFFFFC000  }
0x56: {  	[hbm4b:s15+s3] =	stream.linear.scatter [tilespmem:s7], [sflag:$0x3], $0x4000, $0x38;
	[tilespmem:$0x8400] =	vst v63  }
0x57: {  	_ =	swait.ge [sflag:s4], $0x4000  }
0x58: {  	[sflag:s4] =	ssyncset.done $0x0  }
0x59: {  	[sflag:s4] =	ssyncadd.s32 $0xFFFFC000  }
0x5a: {  	[tilespmem:s7], [sflag:$0x1] =	stream.indirect.gather [hbm4b:s2+s6], $0x80, s16, s6, $0xb8;
	[tilespmem:$0x8400] =	vst v63  }
0x5b: {  	_ =	swait.ge [sflag:s12], $0x4000  }
0x5c: {  	[sflag:s12] =	ssyncset.done $0x0  }
0x5d: {  	[sflag:s12] =	ssyncadd.s32 $0xFFFFC000  }
0x5e: {  	[hbm4b:s17+s3] =	stream.linear.scatter [tilespmem:s8], [sflag:$0x3], $0x4000, $0x38;
	[tilespmem:$0x8400] =	vst v63  }
0x5f: {  	_ =	swait.ge [sflag:s4], $0x4000  }
0x60: {  	[sflag:s4] =	ssyncset.done $0x0  }
0x61: {  	[sflag:s4] =	ssyncadd.s32 $0xFFFFC000  }
0x62: {  	[tilespmem:s8], [sflag:$0x2] =	stream.indirect.gather [hbm4b:s2+s6], $0x80, s18, s6, $0xb8;
	[tilespmem:$0x8400] =	vst v63  }
0x63: {  	_ =	swait.ge [sflag:s9], $0x4000  }
0x64: {  	[sflag:s9] =	ssyncset.done $0x0  }
0x65: {  	[sflag:s9] =	ssyncadd.s32 $0xFFFFC000  }
0x66: {  	[hbm4b:s19+s3] =	stream.linear.scatter [tilespmem:s7], [sflag:$0x3], $0x4000, $0x38;
	[tilespmem:$0x8400] =	vst v63  }
0x67: {  	_ =	swait.ge [sflag:s4], $0x4000  }
0x68: {  	[sflag:s4] =	ssyncset.done $0x0  }
0x69: {  	[sflag:s4] =	ssyncadd.s32 $0xFFFFC000  }
0x6a: {  	_ =	swait.ge [sflag:s12], $0x4000  }
.Ltmp1:
0x6b: {  	[sflag:s12] =	ssyncset.done $0x0;
	(pc) =	sbr.rel @p0 .LBB2_1-.Ltmp1, $4  }
0x6c: {  	[sflag:s12] =	ssyncadd.s32 $0xFFFFC000  }
0x6d: {  	[hbm4b:s20+s3] =	stream.linear.scatter [tilespmem:s8], [sflag:$0x3], $0x4000, $0x38;
	[tilespmem:$0x8400] =	vst v63  }
0x6e: {  	_ =	swait.ge [sflag:s4], $0x4000  }
0x6f: {  	[sflag:s4] =	ssyncset.done $0x0  }
.LBB2_2:
0x70: {  	[sflag:s4] =	ssyncadd.s32 $0xFFFFC000  }
0x71: {  	_ =	sfence.sel $0x180000  }
0x72: {  	[bflag:$0x0] =	sbarrier.arrive $0xFFFF  }
0x73: {  	p0 =	sne.s32 s0, $0x0;
	_ =	strace $0x9000004A  }
0x74: {  	s0 =	sadd.s32 @!p0 $0x100000, s1;
	[bflag:$0x2] =	sbarrier.arrive $0xFFFF  }
0x75: {  	[sflag:s0] =	ssyncadd.tile.s32 @!p0 $0x1;
	_ =	shalt  }
.Lfunc_end2:
_tile_overlayer_lowered:
.L_overlay_start_2:
0x76: {  	(tag) =	ssettag $0x2  }
0x77: {  	s0 =	rddreg [dreg:$0x0];
	s2 =	stileid.u32  }
0x78: {  	s1 =	rddreg [dreg:$0x1];
	p0 =	sne.s32 s2, $0x0  }
0x79: {  	s3 =	rddreg [dreg:$0x2];
	[bflag:$0x3] =	sbarrier.arrive $0xFFFF;
	s2 =	simm.s32 @!p0 $0x1C03  }
0x7a: {  	[timem:s3], [sflag:s2] =	dma.local @!p0 [hbm:s0], s1  }
0x7b: {  	s0 =	simm.s32 @!p0 $0x3  }
0x7c: {  	_ =	swait.ge @!p0 [sflag:s0], s1  }
0x7d: {  	s1 =	ssub.s32 @!p0 $0x0, s1;
	[sflag:s0] =	ssyncset.done @!p0 $0x0  }
0x7e: {  	[sflag:s0] =	ssyncadd.s32 @!p0 s1  }
0x7f: {  	[bflag:$0x3] =	sbarrier.arrive $0xFFFF  }
0x80: {  	_ =	shalt  }

</sc_bundles>
